<compile_context>
chip_gen: v7x
topology: tpu7x:2x2x1
jax: 0.10.2.dev20260603
libtpu: 0.0.44.dev20260713+nightly
codegen_flags: <defaults>
</compile_context>

<pallas_src>
import functools

import jax
import jax.numpy as jnp
from jax import lax
from jax.experimental import pallas as pl
from jax.experimental.pallas import tpu as pltpu
from jax.experimental.pallas import tpu_sc as plsc

B = 16384
W_DIM, C_DIM, SC_DIM, I_DIM = 64, 16, 32, 16
N_W, N_P, N_C = 16, 16, 8
EMB = W_DIM + C_DIM + SC_DIM + I_DIM
FC_IN = EMB + N_W + N_P + N_C
FC1, FC2 = 128, 32
NUM_WORKERS, NUM_CATS, NUM_SUBCATS, NUM_INDS = 1000000, 1000, 100000, 1000

OFF_W, OFF_C, OFF_S, OFF_I = 0, W_DIM, W_DIM + C_DIM, W_DIM + C_DIM + SC_DIM


def _make_sc_gather():
    info = plsc.get_sparse_core_info()
    nw = info.num_cores * info.num_subcores
    b_per_w = B // nw
    mesh = plsc.VectorSubcoreMesh(core_axis_name="c", subcore_axis_name="s")

    @functools.partial(
        pl.kernel,
        mesh=mesh,
        compiler_params=pltpu.CompilerParams(needs_layout_passes=False),
        out_type=jax.ShapeDtypeStruct((B, EMB), jnp.float32),
        scratch_types=[
            pltpu.VMEM((b_per_w,), jnp.int32),
            pltpu.VMEM((b_per_w,), jnp.int32),
            pltpu.VMEM((b_per_w,), jnp.int32),
            pltpu.VMEM((b_per_w,), jnp.int32),
            pltpu.VMEM((b_per_w, EMB), jnp.float32),
            pltpu.SemaphoreType.DMA,
        ],
    )
    def sc_gather(wid_hbm, cid_hbm, sid_hbm, iid_hbm,
                  ww_hbm, wc_hbm, ws_hbm, wi_hbm2,
                  out_hbm,
                  wi_v, ci_v, si_v, ii_v, ob_v, sem):
        w = lax.axis_index("s") * info.num_cores + lax.axis_index("c")
        base = w * b_per_w
        pltpu.sync_copy(wid_hbm.at[pl.ds(base, b_per_w)], wi_v)
        pltpu.sync_copy(cid_hbm.at[pl.ds(base, b_per_w)], ci_v)
        pltpu.sync_copy(sid_hbm.at[pl.ds(base, b_per_w)], si_v)
        pltpu.sync_copy(iid_hbm.at[pl.ds(base, b_per_w)], ii_v)
        @pl.loop(0, b_per_w // 16)
        def _grp(g):
            gbase = g * 16
            wv = wi_v[pl.ds(gbase, 16)]
            cv = ci_v[pl.ds(gbase, 16)]
            sv = si_v[pl.ds(gbase, 16)]
            iv = ii_v[pl.ds(gbase, 16)]
            for j in range(16):
                i = gbase + j
                wid, cid, sid, iid = wv[j], cv[j], sv[j], iv[j]
                pltpu.async_copy(ww_hbm.at[wid >> 3, wid & 7],
                                 ob_v.at[i, pl.ds(OFF_W, W_DIM)], sem)
                pltpu.async_copy(wc_hbm.at[cid >> 3, cid & 7],
                                 ob_v.at[i, pl.ds(OFF_C, C_DIM)], sem)
                pltpu.async_copy(ws_hbm.at[sid >> 3, sid & 7],
                                 ob_v.at[i, pl.ds(OFF_S, SC_DIM)], sem)
                pltpu.async_copy(wi_hbm2.at[iid >> 3, iid & 7],
                                 ob_v.at[i, pl.ds(OFF_I, I_DIM)], sem)

        pltpu.make_async_copy(
            out_hbm.at[pl.ds(0, b_per_w)], ob_v, sem).wait()
        pltpu.sync_copy(ob_v, out_hbm.at[pl.ds(base, b_per_w)])

    return sc_gather


_sc_gather = None


def _mlp_body(emb_ref, nwt_ref, npt_ref, nct_ref,
              w1_ref, b1_ref, w2t_ref, b2_ref, w3t_ref, b3_ref, out_ref):
    cdn = (((0,), (0,)), ((), ()))
    x = jnp.dot(emb_ref[...], w1_ref[pl.ds(0, EMB), :],
                preferred_element_type=jnp.float32)
    x += lax.dot_general(nwt_ref[...], w1_ref[pl.ds(EMB, N_W), :], cdn,
                         preferred_element_type=jnp.float32)
    x += lax.dot_general(npt_ref[...], w1_ref[pl.ds(EMB + N_W, N_P), :], cdn,
                         preferred_element_type=jnp.float32)
    x += lax.dot_general(nct_ref[...], w1_ref[pl.ds(EMB + N_W + N_P, N_C), :],
                         cdn, preferred_element_type=jnp.float32)
    x = jnp.maximum(x + b1_ref[...], 0.0)
    x = lax.dot_general(x, w2t_ref[...], (((1,), (1,)), ((), ())),
                        preferred_element_type=jnp.float32)
    x = jnp.maximum(x + b2_ref[...], 0.0)
    out_ref[0, :] = jnp.sum(x * w3t_ref[...], axis=1) + b3_ref[0, 0]


def _mlp(emb, nwt, npt, nct, w1, b1, w2t, b2, w3t, b3, bt=4096):
    grid = B // bt
    ds = lambda i: (i, 0)
    ts = lambda i: (0, i)
    ws = lambda i: (0, 0)
    out = pl.pallas_call(
        _mlp_body,
        grid=(grid,),
        in_specs=[
            pl.BlockSpec((bt, EMB), ds),
            pl.BlockSpec((N_W, bt), ts),
            pl.BlockSpec((N_P, bt), ts),
            pl.BlockSpec((N_C, bt), ts),
            pl.BlockSpec((FC_IN, FC1), ws),
            pl.BlockSpec((1, FC1), ws),
            pl.BlockSpec((FC2, FC1), ws),
            pl.BlockSpec((1, FC2), ws),
            pl.BlockSpec((1, FC2), ws),
            pl.BlockSpec((1, 1), ws),
        ],
        out_specs=pl.BlockSpec((1, bt), ts),
        out_shape=jax.ShapeDtypeStruct((1, B), jnp.float32),
    )(emb, nwt, npt, nct,
      w1, b1.reshape(1, FC1), w2t, b2.reshape(1, FC2),
      w3t, b3.reshape(1, 1))
    return out.T


def kernel(worker_ids, cat_ids, sub_cat_ids, ind_ids,
           numeric_worker_feats, numeric_project_feats, numeric_context_feats,
           W_worker, W_cat, W_sub, W_ind, W1, b1, W2, b2, W3, b3):
    global _sc_gather
    if _sc_gather is None:
        _sc_gather = _make_sc_gather()
    emb = _sc_gather(
        worker_ids.astype(jnp.int32), cat_ids.astype(jnp.int32),
        sub_cat_ids.astype(jnp.int32), ind_ids.astype(jnp.int32),
        W_worker.reshape(NUM_WORKERS // 8, 8, W_DIM),
        W_cat.reshape(NUM_CATS // 8, 8, C_DIM),
        W_sub.reshape(NUM_SUBCATS // 8, 8, SC_DIM),
        W_ind.reshape(NUM_INDS // 8, 8, I_DIM))
    return _mlp(emb, numeric_worker_feats.T, numeric_project_feats.T,
                numeric_context_feats.T, W1, b1, W2.T, b2, W3.T, b3)

# --- scband reference (transcript-rebuilt; emitter-appended) ---
"""Pipeline reference for scband-qnetwork-with-embeddings-53249004536211 (READ-ONLY COPY).

The authoritative reference and input builder live on the scoring server;
editing this copy changes nothing except your own understanding.
"""

import jax, jax.numpy as jnp
import numpy as np

B = 16384
NUM_WORKERS = 1000000
NUM_CATS = 1000
NUM_SUBCATS = 100000
NUM_INDS = 1000
W_DIM, C_DIM, SC_DIM, I_DIM = 64, 16, 32, 16
N_W, N_P, N_C = 16, 16, 8
FC_IN = W_DIM + C_DIM + SC_DIM + I_DIM + N_W + N_P + N_C  # 168
FC1, FC2 = 128, 32


def setup_inputs(seed: int = 0) -> dict:
    key = jax.random.key(seed)
    ks = jax.random.split(key, 20)
    worker_ids = jax.random.randint(ks[0], (B,), 0, NUM_WORKERS, dtype=jnp.int64 if jax.config.jax_enable_x64 else jnp.int32)
    cat_ids = jax.random.randint(ks[1], (B,), 0, NUM_CATS)
    sub_cat_ids = jax.random.randint(ks[2], (B,), 0, NUM_SUBCATS)
    ind_ids = jax.random.randint(ks[3], (B,), 0, NUM_INDS)
    numeric_worker_feats = jax.random.normal(ks[4], (B, N_W), dtype=jnp.float32)
    numeric_project_feats = jax.random.normal(ks[5], (B, N_P), dtype=jnp.float32)
    numeric_context_feats = jax.random.normal(ks[6], (B, N_C), dtype=jnp.float32)
    W_worker = jax.random.normal(ks[7], (NUM_WORKERS, W_DIM), dtype=jnp.float32)
    W_cat = jax.random.normal(ks[8], (NUM_CATS, C_DIM), dtype=jnp.float32)
    W_sub = jax.random.normal(ks[9], (NUM_SUBCATS, SC_DIM), dtype=jnp.float32)
    W_ind = jax.random.normal(ks[10], (NUM_INDS, I_DIM), dtype=jnp.float32)
    lim1 = 1.0 / np.sqrt(FC_IN)
    W1 = jax.random.uniform(ks[11], (FC_IN, FC1), jnp.float32, -lim1, lim1)
    b1 = jax.random.uniform(ks[12], (FC1,), jnp.float32, -lim1, lim1)
    lim2 = 1.0 / np.sqrt(FC1)
    W2 = jax.random.uniform(ks[13], (FC1, FC2), jnp.float32, -lim2, lim2)
    b2 = jax.random.uniform(ks[14], (FC2,), jnp.float32, -lim2, lim2)
    lim3 = 1.0 / np.sqrt(FC2)
    W3 = jax.random.uniform(ks[15], (FC2, 1), jnp.float32, -lim3, lim3)
    b3 = jax.random.uniform(ks[16], (1,), jnp.float32, -lim3, lim3)
    return {
        "worker_ids": worker_ids, "cat_ids": cat_ids, "sub_cat_ids": sub_cat_ids, "ind_ids": ind_ids,
        "numeric_worker_feats": numeric_worker_feats, "numeric_project_feats": numeric_project_feats,
        "numeric_context_feats": numeric_context_feats,
        "W_worker": W_worker, "W_cat": W_cat, "W_sub": W_sub, "W_ind": W_ind,
        "W1": W1, "b1": b1, "W2": W2, "b2": b2, "W3": W3, "b3": b3,
    }


def reference(worker_ids, cat_ids, sub_cat_ids, ind_ids,
              numeric_worker_feats, numeric_project_feats, numeric_context_feats,
              W_worker, W_cat, W_sub, W_ind, W1, b1, W2, b2, W3, b3):
    w_embed = jnp.take(W_worker, worker_ids, axis=0)
    cat_embed = jnp.take(W_cat, cat_ids, axis=0)
    sub_cat_embed = jnp.take(W_sub, sub_cat_ids, axis=0)
    ind_embed = jnp.take(W_ind, ind_ids, axis=0)
    embedded = jnp.concatenate([w_embed, cat_embed, sub_cat_embed, ind_embed], axis=1)
    all_features = jnp.concatenate([embedded, numeric_worker_feats, numeric_project_feats, numeric_context_feats], axis=1)
    x = jax.nn.relu(all_features @ W1 + b1)
    # dropout in eval mode -> identity
    x = jax.nn.relu(x @ W2 + b2)
    return x @ W3 + b3

if __name__ == "__main__":
    import jax
    _d = setup_inputs()
    print(jax.jit(kernel)(*tuple(_d.values())))

</pallas_src>

<mosaic_0001>
#map = affine_map<(d0, d1) -> (0)>
#map1 = affine_map<(d0, d1) -> (0, 0, 0)>
#map2 = affine_map<(d0, d1) -> (0, 0)>
module attributes {stable_mosaic.version = 14 : i64} {
  func.func @sc_gather(%arg0: i32, %arg1: i32, %arg2: memref<16384xi32, #tpu.memory_space<hbm>>, %arg3: memref<16384xi32, #tpu.memory_space<hbm>>, %arg4: memref<16384xi32, #tpu.memory_space<hbm>>, %arg5: memref<16384xi32, #tpu.memory_space<hbm>>, %arg6: memref<125000x8x64xf32, #tpu.memory_space<hbm>>, %arg7: memref<125x8x16xf32, #tpu.memory_space<hbm>>, %arg8: memref<12500x8x32xf32, #tpu.memory_space<hbm>>, %arg9: memref<125x8x16xf32, #tpu.memory_space<hbm>>, %arg10: memref<16384x128xf32, #tpu.memory_space<hbm>>, %arg11: memref<512xi32, #tpu.memory_space<vmem>>, %arg12: memref<512xi32, #tpu.memory_space<vmem>>, %arg13: memref<512xi32, #tpu.memory_space<vmem>>, %arg14: memref<512xi32, #tpu.memory_space<vmem>>, %arg15: memref<512x128xf32, #tpu.memory_space<vmem>>, %arg16: memref<!tpu.dma_semaphore, #tpu.memory_space<semaphore_mem>>) attributes {dimension_semantics = [#tpu.dimension_semantics<core_parallel>, #tpu.dimension_semantics<subcore_parallel>], iteration_bounds = array<i64: 2, 16>, scalar_prefetch = 0 : i64, scratch_operands = 6 : i64, tpu.core_type = #tpu.core_type<sc_vector_subcore>, window_params = [{transform_indices = #map}, {transform_indices = #map}, {transform_indices = #map}, {transform_indices = #map}, {transform_indices = #map1}, {transform_indices = #map1}, {transform_indices = #map1}, {transform_indices = #map1}, {transform_indices = #map2}]} {
    %mul3A = arith.constant 2 : i32
    %mul3A_0 = arith.muli %arg1, %mul3A : i32
    %add3A = arith.addi %mul3A_0, %arg0 : i32
    %mul3A_1 = arith.constant 512 : i32
    %mul3A_2 = arith.muli %add3A, %mul3A_1 : i32
    "tpu.region"() ({
      %run_scoped3A = tpu.sem_alloc : memref<!tpu.dma_semaphore, #tpu.memory_space<semaphore_mem>>
      %dma_start3A = tpu.memref_slice %arg2[%mul3A_2] : memref<16384xi32, #tpu.memory_space<hbm>> -> memref<512xi32, #tpu.memory_space<hbm>>
      %dma_start3A_12 = tpu.memref_slice %arg2[%mul3A_2] : memref<16384xi32, #tpu.memory_space<hbm>> -> memref<512xi32, #tpu.memory_space<hbm>>
      tpu.enqueue_dma source(%dma_start3A_12 : memref<512xi32, #tpu.memory_space<hbm>>) target(%arg11 : memref<512xi32, #tpu.memory_space<vmem>>) target_semaphore(%run_scoped3A : memref<!tpu.dma_semaphore, #tpu.memory_space<semaphore_mem>>)
      %dma_wait3A_13 = tpu.memref_slice %arg2[%mul3A_2] : memref<16384xi32, #tpu.memory_space<hbm>> -> memref<512xi32, #tpu.memory_space<hbm>>
      %dma_wait3A_14 = tpu.memref_slice %arg2[%mul3A_2] : memref<16384xi32, #tpu.memory_space<hbm>> -> memref<512xi32, #tpu.memory_space<hbm>>
      tpu.wait_dma2 semaphore(%run_scoped3A : memref<!tpu.dma_semaphore, #tpu.memory_space<semaphore_mem>>) src(%dma_wait3A_14 : memref<512xi32, #tpu.memory_space<hbm>>) dst(%arg11 : memref<512xi32, #tpu.memory_space<vmem>>)
      tpu.yield
    }) : () -> ()
    "tpu.region"() ({
      %run_scoped3A = tpu.sem_alloc : memref<!tpu.dma_semaphore, #tpu.memory_space<semaphore_mem>>
      %dma_start3A = tpu.memref_slice %arg3[%mul3A_2] : memref<16384xi32, #tpu.memory_space<hbm>> -> memref<512xi32, #tpu.memory_space<hbm>>
      %dma_start3A_12 = tpu.memref_slice %arg3[%mul3A_2] : memref<16384xi32, #tpu.memory_space<hbm>> -> memref<512xi32, #tpu.memory_space<hbm>>
      tpu.enqueue_dma source(%dma_start3A_12 : memref<512xi32, #tpu.memory_space<hbm>>) target(%arg12 : memref<512xi32, #tpu.memory_space<vmem>>) target_semaphore(%run_scoped3A : memref<!tpu.dma_semaphore, #tpu.memory_space<semaphore_mem>>)
      %dma_wait3A_13 = tpu.memref_slice %arg3[%mul3A_2] : memref<16384xi32, #tpu.memory_space<hbm>> -> memref<512xi32, #tpu.memory_space<hbm>>
      %dma_wait3A_14 = tpu.memref_slice %arg3[%mul3A_2] : memref<16384xi32, #tpu.memory_space<hbm>> -> memref<512xi32, #tpu.memory_space<hbm>>
      tpu.wait_dma2 semaphore(%run_scoped3A : memref<!tpu.dma_semaphore, #tpu.memory_space<semaphore_mem>>) src(%dma_wait3A_14 : memref<512xi32, #tpu.memory_space<hbm>>) dst(%arg12 : memref<512xi32, #tpu.memory_space<vmem>>)
      tpu.yield
    }) : () -> ()
    "tpu.region"() ({
      %run_scoped3A = tpu.sem_alloc : memref<!tpu.dma_semaphore, #tpu.memory_space<semaphore_mem>>
      %dma_start3A = tpu.memref_slice %arg4[%mul3A_2] : memref<16384xi32, #tpu.memory_space<hbm>> -> memref<512xi32, #tpu.memory_space<hbm>>
      %dma_start3A_12 = tpu.memref_slice %arg4[%mul3A_2] : memref<16384xi32, #tpu.memory_space<hbm>> -> memref<512xi32, #tpu.memory_space<hbm>>
      tpu.enqueue_dma source(%dma_start3A_12 : memref<512xi32, #tpu.memory_space<hbm>>) target(%arg13 : memref<512xi32, #tpu.memory_space<vmem>>) target_semaphore(%run_scoped3A : memref<!tpu.dma_semaphore, #tpu.memory_space<semaphore_mem>>)
      %dma_wait3A_13 = tpu.memref_slice %arg4[%mul3A_2] : memref<16384xi32, #tpu.memory_space<hbm>> -> memref<512xi32, #tpu.memory_space<hbm>>
      %dma_wait3A_14 = tpu.memref_slice %arg4[%mul3A_2] : memref<16384xi32, #tpu.memory_space<hbm>> -> memref<512xi32, #tpu.memory_space<hbm>>
      tpu.wait_dma2 semaphore(%run_scoped3A : memref<!tpu.dma_semaphore, #tpu.memory_space<semaphore_mem>>) src(%dma_wait3A_14 : memref<512xi32, #tpu.memory_space<hbm>>) dst(%arg13 : memref<512xi32, #tpu.memory_space<vmem>>)
      tpu.yield
    }) : () -> ()
    "tpu.region"() ({
      %run_scoped3A = tpu.sem_alloc : memref<!tpu.dma_semaphore, #tpu.memory_space<semaphore_mem>>
      %dma_start3A = tpu.memref_slice %arg5[%mul3A_2] : memref<16384xi32, #tpu.memory_space<hbm>> -> memref<512xi32, #tpu.memory_space<hbm>>
      %dma_start3A_12 = tpu.memref_slice %arg5[%mul3A_2] : memref<16384xi32, #tpu.memory_space<hbm>> -> memref<512xi32, #tpu.memory_space<hbm>>
      tpu.enqueue_dma source(%dma_start3A_12 : memref<512xi32, #tpu.memory_space<hbm>>) target(%arg14 : memref<512xi32, #tpu.memory_space<vmem>>) target_semaphore(%run_scoped3A : memref<!tpu.dma_semaphore, #tpu.memory_space<semaphore_mem>>)
      %dma_wait3A_13 = tpu.memref_slice %arg5[%mul3A_2] : memref<16384xi32, #tpu.memory_space<hbm>> -> memref<512xi32, #tpu.memory_space<hbm>>
      %dma_wait3A_14 = tpu.memref_slice %arg5[%mul3A_2] : memref<16384xi32, #tpu.memory_space<hbm>> -> memref<512xi32, #tpu.memory_space<hbm>>
      tpu.wait_dma2 semaphore(%run_scoped3A : memref<!tpu.dma_semaphore, #tpu.memory_space<semaphore_mem>>) src(%dma_wait3A_14 : memref<512xi32, #tpu.memory_space<hbm>>) dst(%arg14 : memref<512xi32, #tpu.memory_space<vmem>>)
      tpu.yield
    }) : () -> ()
    %scan3A = arith.constant 0 : i32
    %scan3A_3 = arith.constant 32 : i32
    %scan3A_4 = arith.addi %scan3A, %scan3A_3 : i32
    %scan3A_5 = arith.constant 1 : i32
    scf.for %scan3A_12 = %scan3A to %scan3A_4 step %scan3A_5  : i32 {
      %mul3A_13 = arith.constant 1 : i32
      %mul3A_14 = arith.muli %scan3A_12, %mul3A_13 : i32
      %add3A_15 = arith.constant 0 : i32
      %add3A_16 = arith.addi %add3A_15, %mul3A_14 : i32
      %mul3A_17 = arith.constant 16 : i32
      %mul3A_18 = arith.muli %add3A_16, %mul3A_17 : i32
      %get3A = arith.index_cast %mul3A_18 : i32 to index
      %get3A_19 = tpu.vector_load %arg11[%get3A] {strides = array<i32>} : memref<512xi32, #tpu.memory_space<vmem>>, vector<16xi32>,
      %get3A_20 = arith.index_cast %mul3A_18 : i32 to index
      %get3A_21 = tpu.vector_load %arg12[%get3A_20] {strides = array<i32>} : memref<512xi32, #tpu.memory_space<vmem>>, vector<16xi32>,
      %get3A_22 = arith.index_cast %mul3A_18 : i32 to index
      %get3A_23 = tpu.vector_load %arg13[%get3A_22] {strides = array<i32>} : memref<512xi32, #tpu.memory_space<vmem>>, vector<16xi32>,
      %get3A_24 = arith.index_cast %mul3A_18 : i32 to index
      %get3A_25 = tpu.vector_load %arg14[%get3A_24] {strides = array<i32>} : memref<512xi32, #tpu.memory_space<vmem>>, vector<16xi32>,
      %add3A_26 = arith.constant 0 : i32
      %add3A_27 = arith.addi %mul3A_18, %add3A_26 : i32
      %slice3A = vector.extract_strided_slice %get3A_19 {offsets = [0], sizes = [1], strides = [1]} : vector<16xi32> to vector<1xi32>
      %squeeze3A = vector.extract %slice3A[0] : i32 from vector<1xi32>
      %slice3A_28 = vector.extract_strided_slice %get3A_21 {offsets = [0], sizes = [1], strides = [1]} : vector<16xi32> to vector<1xi32>
      %squeeze3A_29 = vector.extract %slice3A_28[0] : i32 from vector<1xi32>
      %slice3A_30 = vector.extract_strided_slice %get3A_23 {offsets = [0], sizes = [1], strides = [1]} : vector<16xi32> to vector<1xi32>
      %squeeze3A_31 = vector.extract %slice3A_30[0] : i32 from vector<1xi32>
      %slice3A_32 = vector.extract_strided_slice %get3A_25 {offsets = [0], sizes = [1], strides = [1]} : vector<16xi32> to vector<1xi32>
      %squeeze3A_33 = vector.extract %slice3A_32[0] : i32 from vector<1xi32>
      %shift_right_arithmetic3A = arith.constant 3 : i32
      %shift_right_arithmetic3A_34 = arith.shrsi %squeeze3A, %shift_right_arithmetic3A : i32
      %and3A = arith.constant 7 : i32
      %and3A_35 = arith.andi %squeeze3A, %and3A : i32
      %dma_start3A = arith.constant 0 : i32
      %dma_start3A_36 = tpu.memref_slice %arg15[%add3A_27, %dma_start3A] : memref<512x128xf32, #tpu.memory_space<vmem>> -> memref<1x64xf32, #tpu.memory_space<vmem>>
      %dma_start3A_37 = tpu.memref_squeeze %dma_start3A_36 : memref<1x64xf32, #tpu.memory_space<vmem>> -> memref<64xf32, #tpu.memory_space<vmem>>
      %dma_start3A_38 = arith.constant 0 : i32
      %dma_start3A_39 = tpu.memref_slice %arg6[%shift_right_arithmetic3A_34, %and3A_35, %dma_start3A_38] : memref<125000x8x64xf32, #tpu.memory_space<hbm>> -> memref<1x1x64xf32, #tpu.memory_space<hbm>>
      %dma_start3A_40 = tpu.memref_squeeze %dma_start3A_39 : memref<1x1x64xf32, #tpu.memory_space<hbm>> -> memref<64xf32, #tpu.memory_space<hbm>>
      %dma_start3A_41 = arith.constant 0 : i32
      %dma_start3A_42 = tpu.memref_slice %arg15[%add3A_27, %dma_start3A_41] : memref<512x128xf32, #tpu.memory_space<vmem>> -> memref<1x64xf32, #tpu.memory_space<vmem>>
      %dma_start3A_43 = tpu.memref_squeeze %dma_start3A_42 : memref<1x64xf32, #tpu.memory_space<vmem>> -> memref<64xf32, #tpu.memory_space<vmem>>
      %dma_start3A_44 = arith.constant 0 : i32
      %dma_start3A_45 = tpu.memref_slice %arg6[%shift_right_arithmetic3A_34, %and3A_35, %dma_start3A_44] : memref<125000x8x64xf32, #tpu.memory_space<hbm>> -> memref<1x1x64xf32, #tpu.memory_space<hbm>>
      %dma_start3A_46 = tpu.memref_squeeze %dma_start3A_45 : memref<1x1x64xf32, #tpu.memory_space<hbm>> -> memref<64xf32, #tpu.memory_space<hbm>>
      tpu.enqueue_dma source(%dma_start3A_46 : memref<64xf32, #tpu.memory_space<hbm>>) target(%dma_start3A_43 : memref<64xf32, #tpu.memory_space<vmem>>) target_semaphore(%arg16 : memref<!tpu.dma_semaphore, #tpu.memory_space<semaphore_mem>>)
      %shift_right_arithmetic3A_47 = arith.constant 3 : i32
      %shift_right_arithmetic3A_48 = arith.shrsi %squeeze3A_29, %shift_right_arithmetic3A_47 : i32
      %and3A_49 = arith.constant 7 : i32
      %and3A_50 = arith.andi %squeeze3A_29, %and3A_49 : i32
      %dma_start3A_51 = arith.constant 64 : i32
      %dma_start3A_52 = tpu.memref_slice %arg15[%add3A_27, %dma_start3A_51] : memref<512x128xf32, #tpu.memory_space<vmem>> -> memref<1x16xf32, #tpu.memory_space<vmem>>
      %dma_start3A_53 = tpu.memref_squeeze %dma_start3A_52 : memref<1x16xf32, #tpu.memory_space<vmem>> -> memref<16xf32, #tpu.memory_space<vmem>>
      %dma_start3A_54 = arith.constant 0 : i32
      %dma_start3A_55 = tpu.memref_slice %arg7[%shift_right_arithmetic3A_48, %and3A_50, %dma_start3A_54] : memref<125x8x16xf32, #tpu.memory_space<hbm>> -> memref<1x1x16xf32, #tpu.memory_space<hbm>>
      %dma_start3A_56 = tpu.memref_squeeze %dma_start3A_55 : memref<1x1x16xf32, #tpu.memory_space<hbm>> -> memref<16xf32, #tpu.memory_space<hbm>>
      %dma_start3A_57 = arith.constant 64 : i32
      %dma_start3A_58 = tpu.memref_slice %arg15[%add3A_27, %dma_start3A_57] : memref<512x128xf32, #tpu.memory_space<vmem>> -> memref<1x16xf32, #tpu.memory_space<vmem>>
      %dma_start3A_59 = tpu.memref_squeeze %dma_start3A_58 : memref<1x16xf32, #tpu.memory_space<vmem>> -> memref<16xf32, #tpu.memory_space<vmem>>
      %dma_start3A_60 = arith.constant 0 : i32
      %dma_start3A_61 = tpu.memref_slice %arg7[%shift_right_arithmetic3A_48, %and3A_50, %dma_start3A_60] : memref<125x8x16xf32, #tpu.memory_space<hbm>> -> memref<1x1x16xf32, #tpu.memory_space<hbm>>
      %dma_start3A_62 = tpu.memref_squeeze %dma_start3A_61 : memref<1x1x16xf32, #tpu.memory_space<hbm>> -> memref<16xf32, #tpu.memory_space<hbm>>
      tpu.enqueue_dma source(%dma_start3A_62 : memref<16xf32, #tpu.memory_space<hbm>>) target(%dma_start3A_59 : memref<16xf32, #tpu.memory_space<vmem>>) target_semaphore(%arg16 : memref<!tpu.dma_semaphore, #tpu.memory_space<semaphore_mem>>)
      %shift_right_arithmetic3A_63 = arith.constant 3 : i32
      %shift_right_arithmetic3A_64 = arith.shrsi %squeeze3A_31, %shift_right_arithmetic3A_63 : i32
      %and3A_65 = arith.constant 7 : i32
      %and3A_66 = arith.andi %squeeze3A_31, %and3A_65 : i32
      %dma_start3A_67 = arith.constant 80 : i32
      %dma_start3A_68 = tpu.memref_slice %arg15[%add3A_27, %dma_start3A_67] : memref<512x128xf32, #tpu.memory_space<vmem>> -> memref<1x32xf32, #tpu.memory_space<vmem>>
      %dma_start3A_69 = tpu.memref_squeeze %dma_start3A_68 : memref<1x32xf32, #tpu.memory_space<vmem>> -> memref<32xf32, #tpu.memory_space<vmem>>
      %dma_start3A_70 = arith.constant 0 : i32
      %dma_start3A_71 = tpu.memref_slice %arg8[%shift_right_arithmetic3A_64, %and3A_66, %dma_start3A_70] : memref<12500x8x32xf32, #tpu.memory_space<hbm>> -> memref<1x1x32xf32, #tpu.memory_space<hbm>>
      %dma_start3A_72 = tpu.memref_squeeze %dma_start3A_71 : memref<1x1x32xf32, #tpu.memory_space<hbm>> -> memref<32xf32, #tpu.memory_space<hbm>>
      %dma_start3A_73 = arith.constant 80 : i32
      %dma_start3A_74 = tpu.memref_slice %arg15[%add3A_27, %dma_start3A_73] : memref<512x128xf32, #tpu.memory_space<vmem>> -> memref<1x32xf32, #tpu.memory_space<vmem>>
      %dma_start3A_75 = tpu.memref_squeeze %dma_start3A_74 : memref<1x32xf32, #tpu.memory_space<vmem>> -> memref<32xf32, #tpu.memory_space<vmem>>
      %dma_start3A_76 = arith.constant 0 : i32
      %dma_start3A_77 = tpu.memref_slice %arg8[%shift_right_arithmetic3A_64, %and3A_66, %dma_start3A_76] : memref<12500x8x32xf32, #tpu.memory_space<hbm>> -> memref<1x1x32xf32, #tpu.memory_space<hbm>>
      %dma_start3A_78 = tpu.memref_squeeze %dma_start3A_77 : memref<1x1x32xf32, #tpu.memory_space<hbm>> -> memref<32xf32, #tpu.memory_space<hbm>>
      tpu.enqueue_dma source(%dma_start3A_78 : memref<32xf32, #tpu.memory_space<hbm>>) target(%dma_start3A_75 : memref<32xf32, #tpu.memory_space<vmem>>) target_semaphore(%arg16 : memref<!tpu.dma_semaphore, #tpu.memory_space<semaphore_mem>>)
      %shift_right_arithmetic3A_79 = arith.constant 3 : i32
      %shift_right_arithmetic3A_80 = arith.shrsi %squeeze3A_33, %shift_right_arithmetic3A_79 : i32
      %and3A_81 = arith.constant 7 : i32
      %and3A_82 = arith.andi %squeeze3A_33, %and3A_81 : i32
      %dma_start3A_83 = arith.constant 112 : i32
      %dma_start3A_84 = tpu.memref_slice %arg15[%add3A_27, %dma_start3A_83] : memref<512x128xf32, #tpu.memory_space<vmem>> -> memref<1x16xf32, #tpu.memory_space<vmem>>
      %dma_start3A_85 = tpu.memref_squeeze %dma_start3A_84 : memref<1x16xf32, #tpu.memory_space<vmem>> -> memref<16xf32, #tpu.memory_space<vmem>>
      %dma_start3A_86 = arith.constant 0 : i32
      %dma_start3A_87 = tpu.memref_slice %arg9[%shift_right_arithmetic3A_80, %and3A_82, %dma_start3A_86] : memref<125x8x16xf32, #tpu.memory_space<hbm>> -> memref<1x1x16xf32, #tpu.memory_space<hbm>>
      %dma_start3A_88 = tpu.memref_squeeze %dma_start3A_87 : memref<1x1x16xf32, #tpu.memory_space<hbm>> -> memref<16xf32, #tpu.memory_space<hbm>>
      %dma_start3A_89 = arith.constant 112 : i32
      %dma_start3A_90 = tpu.memref_slice %arg15[%add3A_27, %dma_start3A_89] : memref<512x128xf32, #tpu.memory_space<vmem>> -> memref<1x16xf32, #tpu.memory_space<vmem>>
      %dma_start3A_91 = tpu.memref_squeeze %dma_start3A_90 : memref<1x16xf32, #tpu.memory_space<vmem>> -> memref<16xf32, #tpu.memory_space<vmem>>
      %dma_start3A_92 = arith.constant 0 : i32
      %dma_start3A_93 = tpu.memref_slice %arg9[%shift_right_arithmetic3A_80, %and3A_82, %dma_start3A_92] : memref<125x8x16xf32, #tpu.memory_space<hbm>> -> memref<1x1x16xf32, #tpu.memory_space<hbm>>
      %dma_start3A_94 = tpu.memref_squeeze %dma_start3A_93 : memref<1x1x16xf32, #tpu.memory_space<hbm>> -> memref<16xf32, #tpu.memory_space<hbm>>
      tpu.enqueue_dma source(%dma_start3A_94 : memref<16xf32, #tpu.memory_space<hbm>>) target(%dma_start3A_91 : memref<16xf32, #tpu.memory_space<vmem>>) target_semaphore(%arg16 : memref<!tpu.dma_semaphore, #tpu.memory_space<semaphore_mem>>)
      %add3A_95 = arith.constant 1 : i32
      %add3A_96 = arith.addi %mul3A_18, %add3A_95 : i32
      %slice3A_97 = vector.extract_strided_slice %get3A_19 {offsets = [1], sizes = [1], strides = [1]} : vector<16xi32> to vector<1xi32>
      %squeeze3A_98 = vector.extract %slice3A_97[0] : i32 from vector<1xi32>
      %slice3A_99 = vector.extract_strided_slice %get3A_21 {offsets = [1], sizes = [1], strides = [1]} : vector<16xi32> to vector<1xi32>
      %squeeze3A_100 = vector.extract %slice3A_99[0] : i32 from vector<1xi32>
      %slice3A_101 = vector.extract_strided_slice %get3A_23 {offsets = [1], sizes = [1], strides = [1]} : vector<16xi32> to vector<1xi32>
      %squeeze3A_102 = vector.extract %slice3A_101[0] : i32 from vector<1xi32>
      %slice3A_103 = vector.extract_strided_slice %get3A_25 {offsets = [1], sizes = [1], strides = [1]} : vector<16xi32> to vector<1xi32>
      %squeeze3A_104 = vector.extract %slice3A_103[0] : i32 from vector<1xi32>
      %shift_right_arithmetic3A_105 = arith.constant 3 : i32
      %shift_right_arithmetic3A_106 = arith.shrsi %squeeze3A_98, %shift_right_arithmetic3A_105 : i32
      %and3A_107 = arith.constant 7 : i32
      %and3A_108 = arith.andi %squeeze3A_98, %and3A_107 : i32
      %dma_start3A_109 = arith.constant 0 : i32
      %dma_start3A_110 = tpu.memref_slice %arg15[%add3A_96, %dma_start3A_109] : memref<512x128xf32, #tpu.memory_space<vmem>> -> memref<1x64xf32, #tpu.memory_space<vmem>>
      %dma_start3A_111 = tpu.memref_squeeze %dma_start3A_110 : memref<1x64xf32, #tpu.memory_space<vmem>> -> memref<64xf32, #tpu.memory_space<vmem>>
      %dma_start3A_112 = arith.constant 0 : i32
      %dma_start3A_113 = tpu.memref_slice %arg6[%shift_right_arithmetic3A_106, %and3A_108, %dma_start3A_112] : memref<125000x8x64xf32, #tpu.memory_space<hbm>> -> memref<1x1x64xf32, #tpu.memory_space<hbm>>
      %dma_start3A_114 = tpu.memref_squeeze %dma_start3A_113 : memref<1x1x64xf32, #tpu.memory_space<hbm>> -> memref<64xf32, #tpu.memory_space<hbm>>
      %dma_start3A_115 = arith.constant 0 : i32
      %dma_start3A_116 = tpu.memref_slice %arg15[%add3A_96, %dma_start3A_115] : memref<512x128xf32, #tpu.memory_space<vmem>> -> memref<1x64xf32, #tpu.memory_space<vmem>>
      %dma_start3A_117 = tpu.memref_squeeze %dma_start3A_116 : memref<1x64xf32, #tpu.memory_space<vmem>> -> memref<64xf32, #tpu.memory_space<vmem>>
      %dma_start3A_118 = arith.constant 0 : i32
      %dma_start3A_119 = tpu.memref_slice %arg6[%shift_right_arithmetic3A_106, %and3A_108, %dma_start3A_118] : memref<125000x8x64xf32, #tpu.memory_space<hbm>> -> memref<1x1x64xf32, #tpu.memory_space<hbm>>
      %dma_start3A_120 = tpu.memref_squeeze %dma_start3A_119 : memref<1x1x64xf32, #tpu.memory_space<hbm>> -> memref<64xf32, #tpu.memory_space<hbm>>
      tpu.enqueue_dma source(%dma_start3A_120 : memref<64xf32, #tpu.memory_space<hbm>>) target(%dma_start3A_117 : memref<64xf32, #tpu.memory_space<vmem>>) target_semaphore(%arg16 : memref<!tpu.dma_semaphore, #tpu.memory_space<semaphore_mem>>)
      %shift_right_arithmetic3A_121 = arith.constant 3 : i32
      %shift_right_arithmetic3A_122 = arith.shrsi %squeeze3A_100, %shift_right_arithmetic3A_121 : i32
      %and3A_123 = arith.constant 7 : i32
      %and3A_124 = arith.andi %squeeze3A_100, %and3A_123 : i32
      %dma_start3A_125 = arith.constant 64 : i32
      %dma_start3A_126 = tpu.memref_slice %arg15[%add3A_96, %dma_start3A_125] : memref<512x128xf32, #tpu.memory_space<vmem>> -> memref<1x16xf32, #tpu.memory_space<vmem>>
      %dma_start3A_127 = tpu.memref_squeeze %dma_start3A_126 : memref<1x16xf32, #tpu.memory_space<vmem>> -> memref<16xf32, #tpu.memory_space<vmem>>
      %dma_start3A_128 = arith.constant 0 : i32
      %dma_start3A_129 = tpu.memref_slice %arg7[%shift_right_arithmetic3A_122, %and3A_124, %dma_start3A_128] : memref<125x8x16xf32, #tpu.memory_space<hbm>> -> memref<1x1x16xf32, #tpu.memory_space<hbm>>
      %dma_start3A_130 = tpu.memref_squeeze %dma_start3A_129 : memref<1x1x16xf32, #tpu.memory_space<hbm>> -> memref<16xf32, #tpu.memory_space<hbm>>
      %dma_start3A_131 = arith.constant 64 : i32
      %dma_start3A_132 = tpu.memref_slice %arg15[%add3A_96, %dma_start3A_131] : memref<512x128xf32, #tpu.memory_space<vmem>> -> memref<1x16xf32, #tpu.memory_space<vmem>>
      %dma_start3A_133 = tpu.memref_squeeze %dma_start3A_132 : memref<1x16xf32, #tpu.memory_space<vmem>> -> memref<16xf32, #tpu.memory_space<vmem>>
      %dma_start3A_134 = arith.constant 0 : i32
      %dma_start3A_135 = tpu.memref_slice %arg7[%shift_right_arithmetic3A_122, %and3A_124, %dma_start3A_134] : memref<125x8x16xf32, #tpu.memory_space<hbm>> -> memref<1x1x16xf32, #tpu.memory_space<hbm>>
      %dma_start3A_136 = tpu.memref_squeeze %dma_start3A_135 : memref<1x1x16xf32, #tpu.memory_space<hbm>> -> memref<16xf32, #tpu.memory_space<hbm>>
      tpu.enqueue_dma source(%dma_start3A_136 : memref<16xf32, #tpu.memory_space<hbm>>) target(%dma_start3A_133 : memref<16xf32, #tpu.memory_space<vmem>>) target_semaphore(%arg16 : memref<!tpu.dma_semaphore, #tpu.memory_space<semaphore_mem>>)
      %shift_right_arithmetic3A_137 = arith.constant 3 : i32
      %shift_right_arithmetic3A_138 = arith.shrsi %squeeze3A_102, %shift_right_arithmetic3A_137 : i32
      %and3A_139 = arith.constant 7 : i32
      %and3A_140 = arith.andi %squeeze3A_102, %and3A_139 : i32
      %dma_start3A_141 = arith.constant 80 : i32
      %dma_start3A_142 = tpu.memref_slice %arg15[%add3A_96, %dma_start3A_141] : memref<512x128xf32, #tpu.memory_space<vmem>> -> memref<1x32xf32, #tpu.memory_space<vmem>>
      %dma_start3A_143 = tpu.memref_squeeze %dma_start3A_142 : memref<1x32xf32, #tpu.memory_space<vmem>> -> memref<32xf32, #tpu.memory_space<vmem>>
      %dma_start3A_144 = arith.constant 0 : i32
      %dma_start3A_145 = tpu.memref_slice %arg8[%shift_right_arithmetic3A_138, %and3A_140, %dma_start3A_144] : memref<12500x8x32xf32, #tpu.memory_space<hbm>> -> memref<1x1x32xf32, #tpu.memory_space<hbm>>
      %dma_start3A_146 = tpu.memref_squeeze %dma_start3A_145 : memref<1x1x32xf32, #tpu.memory_space<hbm>> -> memref<32xf32, #tpu.memory_space<hbm>>
      %dma_start3A_147 = arith.constant 80 : i32
      %dma_start3A_148 = tpu.memref_slice %arg15[%add3A_96, %dma_start3A_147] : memref<512x128xf32, #tpu.memory_space<vmem>> -> memref<1x32xf32, #tpu.memory_space<vmem>>
      %dma_start3A_149 = tpu.memref_squeeze %dma_start3A_148 : memref<1x32xf32, #tpu.memory_space<vmem>> -> memref<32xf32, #tpu.memory_space<vmem>>
      %dma_start3A_150 = arith.constant 0 : i32
      %dma_start3A_151 = tpu.memref_slice %arg8[%shift_right_arithmetic3A_138, %and3A_140, %dma_start3A_150] : memref<12500x8x32xf32, #tpu.memory_space<hbm>> -> memref<1x1x32xf32, #tpu.memory_space<hbm>>
      %dma_start3A_152 = tpu.memref_squeeze %dma_start3A_151 : memref<1x1x32xf32, #tpu.memory_space<hbm>> -> memref<32xf32, #tpu.memory_space<hbm>>
      tpu.enqueue_dma source(%dma_start3A_152 : memref<32xf32, #tpu.memory_space<hbm>>) target(%dma_start3A_149 : memref<32xf32, #tpu.memory_space<vmem>>) target_semaphore(%arg16 : memref<!tpu.dma_semaphore, #tpu.memory_space<semaphore_mem>>)
      %shift_right_arithmetic3A_153 = arith.constant 3 : i32
      %shift_right_arithmetic3A_154 = arith.shrsi %squeeze3A_104, %shift_right_arithmetic3A_153 : i32
      %and3A_155 = arith.constant 7 : i32
      %and3A_156 = arith.andi %squeeze3A_104, %and3A_155 : i32
      %dma_start3A_157 = arith.constant 112 : i32
      %dma_start3A_158 = tpu.memref_slice %arg15[%add3A_96, %dma_start3A_157] : memref<512x128xf32, #tpu.memory_space<vmem>> -> memref<1x16xf32, #tpu.memory_space<vmem>>
      %dma_start3A_159 = tpu.memref_squeeze %dma_start3A_158 : memref<1x16xf32, #tpu.memory_space<vmem>> -> memref<16xf32, #tpu.memory_space<vmem>>
      %dma_start3A_160 = arith.constant 0 : i32
      %dma_start3A_161 = tpu.memref_slice %arg9[%shift_right_arithmetic3A_154, %and3A_156, %dma_start3A_160] : memref<125x8x16xf32, #tpu.memory_space<hbm>> -> memref<1x1x16xf32, #tpu.memory_space<hbm>>
      %dma_start3A_162 = tpu.memref_squeeze %dma_start3A_161 : memref<1x1x16xf32, #tpu.memory_space<hbm>> -> memref<16xf32, #tpu.memory_space<hbm>>
      %dma_start3A_163 = arith.constant 112 : i32
      %dma_start3A_164 = tpu.memref_slice %arg15[%add3A_96, %dma_start3A_163] : memref<512x128xf32, #tpu.memory_space<vmem>> -> memref<1x16xf32, #tpu.memory_space<vmem>>
      %dma_start3A_165 = tpu.memref_squeeze %dma_start3A_164 : memref<1x16xf32, #tpu.memory_space<vmem>> -> memref<16xf32, #tpu.memory_space<vmem>>
      %dma_start3A_166 = arith.constant 0 : i32
      %dma_start3A_167 = tpu.memref_slice %arg9[%shift_right_arithmetic3A_154, %and3A_156, %dma_start3A_166] : memref<125x8x16xf32, #tpu.memory_space<hbm>> -> memref<1x1x16xf32, #tpu.memory_space<hbm>>
      %dma_start3A_168 = tpu.memref_squeeze %dma_start3A_167 : memref<1x1x16xf32, #tpu.memory_space<hbm>> -> memref<16xf32, #tpu.memory_space<hbm>>
      tpu.enqueue_dma source(%dma_start3A_168 : memref<16xf32, #tpu.memory_space<hbm>>) target(%dma_start3A_165 : memref<16xf32, #tpu.memory_space<vmem>>) target_semaphore(%arg16 : memref<!tpu.dma_semaphore, #tpu.memory_space<semaphore_mem>>)
      %add3A_169 = arith.constant 2 : i32
      %add3A_170 = arith.addi %mul3A_18, %add3A_169 : i32
      %slice3A_171 = vector.extract_strided_slice %get3A_19 {offsets = [2], sizes = [1], strides = [1]} : vector<16xi32> to vector<1xi32>
      %squeeze3A_172 = vector.extract %slice3A_171[0] : i32 from vector<1xi32>
      %slice3A_173 = vector.extract_strided_slice %get3A_21 {offsets = [2], sizes = [1], strides = [1]} : vector<16xi32> to vector<1xi32>
      %squeeze3A_174 = vector.extract %slice3A_173[0] : i32 from vector<1xi32>
      %slice3A_175 = vector.extract_strided_slice %get3A_23 {offsets = [2], sizes = [1], strides = [1]} : vector<16xi32> to vector<1xi32>
      %squeeze3A_176 = vector.extract %slice3A_175[0] : i32 from vector<1xi32>
      %slice3A_177 = vector.extract_strided_slice %get3A_25 {offsets = [2], sizes = [1], strides = [1]} : vector<16xi32> to vector<1xi32>
      %squeeze3A_178 = vector.extract %slice3A_177[0] : i32 from vector<1xi32>
      %shift_right_arithmetic3A_179 = arith.constant 3 : i32
      %shift_right_arithmetic3A_180 = arith.shrsi %squeeze3A_172, %shift_right_arithmetic3A_179 : i32
      %and3A_181 = arith.constant 7 : i32
      %and3A_182 = arith.andi %squeeze3A_172, %and3A_181 : i32
      %dma_start3A_183 = arith.constant 0 : i32
      %dma_start3A_184 = tpu.memref_slice %arg15[%add3A_170, %dma_start3A_183] : memref<512x128xf32, #tpu.memory_space<vmem>> -> memref<1x64xf32, #tpu.memory_space<vmem>>
      %dma_start3A_185 = tpu.memref_squeeze %dma_start3A_184 : memref<1x64xf32, #tpu.memory_space<vmem>> -> memref<64xf32, #tpu.memory_space<vmem>>
      %dma_start3A_186 = arith.constant 0 : i32
      %dma_start3A_187 = tpu.memref_slice %arg6[%shift_right_arithmetic3A_180, %and3A_182, %dma_start3A_186] : memref<125000x8x64xf32, #tpu.memory_space<hbm>> -> memref<1x1x64xf32, #tpu.memory_space<hbm>>
      %dma_start3A_188 = tpu.memref_squeeze %dma_start3A_187 : memref<1x1x64xf32, #tpu.memory_space<hbm>> -> memref<64xf32, #tpu.memory_space<hbm>>
      %dma_start3A_189 = arith.constant 0 : i32
      %dma_start3A_190 = tpu.memref_slice %arg15[%add3A_170, %dma_start3A_189] : memref<512x128xf32, #tpu.memory_space<vmem>> -> memref<1x64xf32, #tpu.memory_space<vmem>>
      %dma_start3A_191 = tpu.memref_squeeze %dma_start3A_190 : memref<1x64xf32, #tpu.memory_space<vmem>> -> memref<64xf32, #tpu.memory_space<vmem>>
      %dma_start3A_192 = arith.constant 0 : i32
      %dma_start3A_193 = tpu.memref_slice %arg6[%shift_right_arithmetic3A_180, %and3A_182, %dma_start3A_192] : memref<125000x8x64xf32, #tpu.memory_space<hbm>> -> memref<1x1x64xf32, #tpu.memory_space<hbm>>
      %dma_start3A_194 = tpu.memref_squeeze %dma_start3A_193 : memref<1x1x64xf32, #tpu.memory_space<hbm>> -> memref<64xf32, #tpu.memory_space<hbm>>
      tpu.enqueue_dma source(%dma_start3A_194 : memref<64xf32, #tpu.memory_space<hbm>>) target(%dma_start3A_191 : memref<64xf32, #tpu.memory_space<vmem>>) target_semaphore(%arg16 : memref<!tpu.dma_semaphore, #tpu.memory_space<semaphore_mem>>)
      %shift_right_arithmetic3A_195 = arith.constant 3 : i32
      %shift_right_arithmetic3A_196 = arith.shrsi %squeeze3A_174, %shift_right_arithmetic3A_195 : i32
      %and3A_197 = arith.constant 7 : i32
      %and3A_198 = arith.andi %squeeze3A_174, %and3A_197 : i32
      %dma_start3A_199 = arith.constant 64 : i32
      %dma_start3A_200 = tpu.memref_slice %arg15[%add3A_170, %dma_start3A_199] : memref<512x128xf32, #tpu.memory_space<vmem>> -> memref<1x16xf32, #tpu.memory_space<vmem>>
      %dma_start3A_201 = tpu.memref_squeeze %dma_start3A_200 : memref<1x16xf32, #tpu.memory_space<vmem>> -> memref<16xf32, #tpu.memory_space<vmem>>
      %dma_start3A_202 = arith.constant 0 : i32
      %dma_start3A_203 = tpu.memref_slice %arg7[%shift_right_arithmetic3A_196, %and3A_198, %dma_start3A_202] : memref<125x8x16xf32, #tpu.memory_space<hbm>> -> memref<1x1x16xf32, #tpu.memory_space<hbm>>
      %dma_start3A_204 = tpu.memref_squeeze %dma_start3A_203 : memref<1x1x16xf32, #tpu.memory_space<hbm>> -> memref<16xf32, #tpu.memory_space<hbm>>
      %dma_start3A_205 = arith.constant 64 : i32
      %dma_start3A_206 = tpu.memref_slice %arg15[%add3A_170, %dma_start3A_205] : memref<512x128xf32, #tpu.memory_space<vmem>> -> memref<1x16xf32, #tpu.memory_space<vmem>>
      %dma_start3A_207 = tpu.memref_squeeze %dma_start3A_206 : memref<1x16xf32, #tpu.memory_space<vmem>> -> memref<16xf32, #tpu.memory_space<vmem>>
      %dma_start3A_208 = arith.constant 0 : i32
      %dma_start3A_209 = tpu.memref_slice %arg7[%shift_right_arithmetic3A_196, %and3A_198, %dma_start3A_208] : memref<125x8x16xf32, #tpu.memory_space<hbm>> -> memref<1x1x16xf32, #tpu.memory_space<hbm>>
      %dma_start3A_210 = tpu.memref_squeeze %dma_start3A_209 : memref<1x1x16xf32, #tpu.memory_space<hbm>> -> memref<16xf32, #tpu.memory_space<hbm>>
      tpu.enqueue_dma source(%dma_start3A_210 : memref<16xf32, #tpu.memory_space<hbm>>) target(%dma_start3A_207 : memref<16xf32, #tpu.memory_space<vmem>>) target_semaphore(%arg16 : memref<!tpu.dma_semaphore, #tpu.memory_space<semaphore_mem>>)
      %shift_right_arithmetic3A_211 = arith.constant 3 : i32
      %shift_right_arithmetic3A_212 = arith.shrsi %squeeze3A_176, %shift_right_arithmetic3A_211 : i32
      %and3A_213 = arith.constant 7 : i32
      %and3A_214 = arith.andi %squeeze3A_176, %and3A_213 : i32
      %dma_start3A_215 = arith.constant 80 : i32
      %dma_start3A_216 = tpu.memref_slice %arg15[%add3A_170, %dma_start3A_215] : memref<512x128xf32, #tpu.memory_space<vmem>> -> memref<1x32xf32, #tpu.memory_space<vmem>>
      %dma_start3A_217 = tpu.memref_squeeze %dma_start3A_216 : memref<1x32xf32, #tpu.memory_space<vmem>> -> memref<32xf32, #tpu.memory_space<vmem>>
      %dma_start3A_218 = arith.constant 0 : i32
      %dma_start3A_219 = tpu.memref_slice %arg8[%shift_right_arithmetic3A_212, %and3A_214, %dma_start3A_218] : memref<12500x8x32xf32, #tpu.memory_space<hbm>> -> memref<1x1x32xf32, #tpu.memory_space<hbm>>
      %dma_start3A_220 = tpu.memref_squeeze %dma_start3A_219 : memref<1x1x32xf32, #tpu.memory_space<hbm>> -> memref<32xf32, #tpu.memory_space<hbm>>
      %dma_start3A_221 = arith.constant 80 : i32
      %dma_start3A_222 = tpu.memref_slice %arg15[%add3A_170, %dma_start3A_221] : memref<512x128xf32, #tpu.memory_space<vmem>> -> memref<1x32xf32, #tpu.memory_space<vmem>>
      %dma_start3A_223 = tpu.memref_squeeze %dma_start3A_222 : memref<1x32xf32, #tpu.memory_space<vmem>> -> memref<32xf32, #tpu.memory_space<vmem>>
      %dma_start3A_224 = arith.constant 0 : i32
      %dma_start3A_225 = tpu.memref_slice %arg8[%shift_right_arithmetic3A_212, %and3A_214, %dma_start3A_224] : memref<12500x8x32xf32, #tpu.memory_space<hbm>> -> memref<1x1x32xf32, #tpu.memory_space<hbm>>
      %dma_start3A_226 = tpu.memref_squeeze %dma_start3A_225 : memref<1x1x32xf32, #tpu.memory_space<hbm>> -> memref<32xf32, #tpu.memory_space<hbm>>
      tpu.enqueue_dma source(%dma_start3A_226 : memref<32xf32, #tpu.memory_space<hbm>>) target(%dma_start3A_223 : memref<32xf32, #tpu.memory_space<vmem>>) target_semaphore(%arg16 : memref<!tpu.dma_semaphore, #tpu.memory_space<semaphore_mem>>)
      %shift_right_arithmetic3A_227 = arith.constant 3 : i32
      %shift_right_arithmetic3A_228 = arith.shrsi %squeeze3A_178, %shift_right_arithmetic3A_227 : i32
      %and3A_229 = arith.constant 7 : i32
      %and3A_230 = arith.andi %squeeze3A_178, %and3A_229 : i32
      %dma_start3A_231 = arith.constant 112 : i32
      %dma_start3A_232 = tpu.memref_slice %arg15[%add3A_170, %dma_start3A_231] : memref<512x128xf32, #tpu.memory_space<vmem>> -> memref<1x16xf32, #tpu.memory_space<vmem>>
      %dma_start3A_233 = tpu.memref_squeeze %dma_start3A_232 : memref<1x16xf32, #tpu.memory_space<vmem>> -> memref<16xf32, #tpu.memory_space<vmem>>
      %dma_start3A_234 = arith.constant 0 : i32
      %dma_start3A_235 = tpu.memref_slice %arg9[%shift_right_arithmetic3A_228, %and3A_230, %dma_start3A_234] : memref<125x8x16xf32, #tpu.memory_space<hbm>> -> memref<1x1x16xf32, #tpu.memory_space<hbm>>
      %dma_start3A_236 = tpu.memref_squeeze %dma_start3A_235 : memref<1x1x16xf32, #tpu.memory_space<hbm>> -> memref<16xf32, #tpu.memory_space<hbm>>
      %dma_start3A_237 = arith.constant 112 : i32
      %dma_start3A_238 = tpu.memref_slice %arg15[%add3A_170, %dma_start3A_237] : memref<512x128xf32, #tpu.memory_space<vmem>> -> memref<1x16xf32, #tpu.memory_space<vmem>>
      %dma_start3A_239 = tpu.memref_squeeze %dma_start3A_238 : memref<1x16xf32, #tpu.memory_space<vmem>> -> memref<16xf32, #tpu.memory_space<vmem>>
      %dma_start3A_240 = arith.constant 0 : i32
      %dma_start3A_241 = tpu.memref_slice %arg9[%shift_right_arithmetic3A_228, %and3A_230, %dma_start3A_240] : memref<125x8x16xf32, #tpu.memory_space<hbm>> -> memref<1x1x16xf32, #tpu.memory_space<hbm>>
      %dma_start3A_242 = tpu.memref_squeeze %dma_start3A_241 : memref<1x1x16xf32, #tpu.memory_space<hbm>> -> memref<16xf32, #tpu.memory_space<hbm>>
      tpu.enqueue_dma source(%dma_start3A_242 : memref<16xf32, #tpu.memory_space<hbm>>) target(%dma_start3A_239 : memref<16xf32, #tpu.memory_space<vmem>>) target_semaphore(%arg16 : memref<!tpu.dma_semaphore, #tpu.memory_space<semaphore_mem>>)
      %add3A_243 = arith.constant 3 : i32
      %add3A_244 = arith.addi %mul3A_18, %add3A_243 : i32
      %slice3A_245 = vector.extract_strided_slice %get3A_19 {offsets = [3], sizes = [1], strides = [1]} : vector<16xi32> to vector<1xi32>
      %squeeze3A_246 = vector.extract %slice3A_245[0] : i32 from vector<1xi32>
      %slice3A_247 = vector.extract_strided_slice %get3A_21 {offsets = [3], sizes = [1], strides = [1]} : vector<16xi32> to vector<1xi32>
      %squeeze3A_248 = vector.extract %slice3A_247[0] : i32 from vector<1xi32>
      %slice3A_249 = vector.extract_strided_slice %get3A_23 {offsets = [3], sizes = [1], strides = [1]} : vector<16xi32> to vector<1xi32>
      %squeeze3A_250 = vector.extract %slice3A_249[0] : i32 from vector<1xi32>
      %slice3A_251 = vector.extract_strided_slice %get3A_25 {offsets = [3], sizes = [1], strides = [1]} : vector<16xi32> to vector<1xi32>
      %squeeze3A_252 = vector.extract %slice3A_251[0] : i32 from vector<1xi32>
      %shift_right_arithmetic3A_253 = arith.constant 3 : i32
      %shift_right_arithmetic3A_254 = arith.shrsi %squeeze3A_246, %shift_right_arithmetic3A_253 : i32
      %and3A_255 = arith.constant 7 : i32
      %and3A_256 = arith.andi %squeeze3A_246, %and3A_255 : i32
      %dma_start3A_257 = arith.constant 0 : i32
      %dma_start3A_258 = tpu.memref_slice %arg15[%add3A_244, %dma_start3A_257] : memref<512x128xf32, #tpu.memory_space<vmem>> -> memref<1x64xf32, #tpu.memory_space<vmem>>
      %dma_start3A_259 = tpu.memref_squeeze %dma_start3A_258 : memref<1x64xf32, #tpu.memory_space<vmem>> -> memref<64xf32, #tpu.memory_space<vmem>>
      %dma_start3A_260 = arith.constant 0 : i32
      %dma_start3A_261 = tpu.memref_slice %arg6[%shift_right_arithmetic3A_254, %and3A_256, %dma_start3A_260] : memref<125000x8x64xf32, #tpu.memory_space<hbm>> -> memref<1x1x64xf32, #tpu.memory_space<hbm>>
      %dma_start3A_262 = tpu.memref_squeeze %dma_start3A_261 : memref<1x1x64xf32, #tpu.memory_space<hbm>> -> memref<64xf32, #tpu.memory_space<hbm>>
      %dma_start3A_263 = arith.constant 0 : i32
      %dma_start3A_264 = tpu.memref_slice %arg15[%add3A_244, %dma_start3A_263] : memref<512x128xf32, #tpu.memory_space<vmem>> -> memref<1x64xf32, #tpu.memory_space<vmem>>
      %dma_start3A_265 = tpu.memref_squeeze %dma_start3A_264 : memref<1x64xf32, #tpu.memory_space<vmem>> -> memref<64xf32, #tpu.memory_space<vmem>>
      %dma_start3A_266 = arith.constant 0 : i32
      %dma_start3A_267 = tpu.memref_slice %arg6[%shift_right_arithmetic3A_254, %and3A_256, %dma_start3A_266] : memref<125000x8x64xf32, #tpu.memory_space<hbm>> -> memref<1x1x64xf32, #tpu.memory_space<hbm>>
      %dma_start3A_268 = tpu.memref_squeeze %dma_start3A_267 : memref<1x1x64xf32, #tpu.memory_space<hbm>> -> memref<64xf32, #tpu.memory_space<hbm>>
      tpu.enqueue_dma source(%dma_start3A_268 : memref<64xf32, #tpu.memory_space<hbm>>) target(%dma_start3A_265 : memref<64xf32, #tpu.memory_space<vmem>>) target_semaphore(%arg16 : memref<!tpu.dma_semaphore, #tpu.memory_space<semaphore_mem>>)
      %shift_right_arithmetic3A_269 = arith.constant 3 : i32
      %shift_right_arithmetic3A_270 = arith.shrsi %squeeze3A_248, %shift_right_arithmetic3A_269 : i32
      %and3A_271 = arith.constant 7 : i32
      %and3A_272 = arith.andi %squeeze3A_248, %and3A_271 : i32
      %dma_start3A_273 = arith.constant 64 : i32
      %dma_start3A_274 = tpu.memref_slice %arg15[%add3A_244, %dma_start3A_273] : memref<512x128xf32, #tpu.memory_space<vmem>> -> memref<1x16xf32, #tpu.memory_space<vmem>>
      %dma_start3A_275 = tpu.memref_squeeze %dma_start3A_274 : memref<1x16xf32, #tpu.memory_space<vmem>> -> memref<16xf32, #tpu.memory_space<vmem>>
      %dma_start3A_276 = arith.constant 0 : i32
      %dma_start3A_277 = tpu.memref_slice %arg7[%shift_right_arithmetic3A_270, %and3A_272, %dma_start3A_276] : memref<125x8x16xf32, #tpu.memory_space<hbm>> -> memref<1x1x16xf32, #tpu.memory_space<hbm>>
      %dma_start3A_278 = tpu.memref_squeeze %dma_start3A_277 : memref<1x1x16xf32, #tpu.memory_space<hbm>> -> memref<16xf32, #tpu.memory_space<hbm>>
      %dma_start3A_279 = arith.constant 64 : i32
      %dma_start3A_280 = tpu.memref_slice %arg15[%add3A_244, %dma_start3A_279] : memref<512x128xf32, #tpu.memory_space<vmem>> -> memref<1x16xf32, #tpu.memory_space<vmem>>
      %dma_start3A_281 = tpu.memref_squeeze %dma_start3A_280 : memref<1x16xf32, #tpu.memory_space<vmem>> -> memref<16xf32, #tpu.memory_space<vmem>>
      %dma_start3A_282 = arith.constant 0 : i32
      %dma_start3A_283 = tpu.memref_slice %arg7[%shift_right_arithmetic3A_270, %and3A_272, %dma_start3A_282] : memref<125x8x16xf32, #tpu.memory_space<hbm>> -> memref<1x1x16xf32, #tpu.memory_space<hbm>>
      %dma_start3A_284 = tpu.memref_squeeze %dma_start3A_283 : memref<1x1x16xf32, #tpu.memory_space<hbm>> -> memref<16xf32, #tpu.memory_space<hbm>>
      tpu.enqueue_dma source(%dma_start3A_284 : memref<16xf32, #tpu.memory_space<hbm>>) target(%dma_start3A_281 : memref<16xf32, #tpu.memory_space<vmem>>) target_semaphore(%arg16 : memref<!tpu.dma_semaphore, #tpu.memory_space<semaphore_mem>>)
      %shift_right_arithmetic3A_285 = arith.constant 3 : i32
      %shift_right_arithmetic3A_286 = arith.shrsi %squeeze3A_250, %shift_right_arithmetic3A_285 : i32
      %and3A_287 = arith.constant 7 : i32
      %and3A_288 = arith.andi %squeeze3A_250, %and3A_287 : i32
      %dma_start3A_289 = arith.constant 80 : i32
      %dma_start3A_290 = tpu.memref_slice %arg15[%add3A_244, %dma_start3A_289] : memref<512x128xf32, #tpu.memory_space<vmem>> -> memref<1x32xf32, #tpu.memory_space<vmem>>
      %dma_start3A_291 = tpu.memref_squeeze %dma_start3A_290 : memref<1x32xf32, #tpu.memory_space<vmem>> -> memref<32xf32, #tpu.memory_space<vmem>>
      %dma_start3A_292 = arith.constant 0 : i32
      %dma_start3A_293 = tpu.memref_slice %arg8[%shift_right_arithmetic3A_286, %and3A_288, %dma_start3A_292] : memref<12500x8x32xf32, #tpu.memory_space<hbm>> -> memref<1x1x32xf32, #tpu.memory_space<hbm>>
      %dma_start3A_294 = tpu.memref_squeeze %dma_start3A_293 : memref<1x1x32xf32, #tpu.memory_space<hbm>> -> memref<32xf32, #tpu.memory_space<hbm>>
      %dma_start3A_295 = arith.constant 80 : i32
      %dma_start3A_296 = tpu.memref_slice %arg15[%add3A_244, %dma_start3A_295] : memref<512x128xf32, #tpu.memory_space<vmem>> -> memref<1x32xf32, #tpu.memory_space<vmem>>
      %dma_start3A_297 = tpu.memref_squeeze %dma_start3A_296 : memref<1x32xf32, #tpu.memory_space<vmem>> -> memref<32xf32, #tpu.memory_space<vmem>>
      %dma_start3A_298 = arith.constant 0 : i32
      %dma_start3A_299 = tpu.memref_slice %arg8[%shift_right_arithmetic3A_286, %and3A_288, %dma_start3A_298] : memref<12500x8x32xf32, #tpu.memory_space<hbm>> -> memref<1x1x32xf32, #tpu.memory_space<hbm>>
      %dma_start3A_300 = tpu.memref_squeeze %dma_start3A_299 : memref<1x1x32xf32, #tpu.memory_space<hbm>> -> memref<32xf32, #tpu.memory_space<hbm>>
      tpu.enqueue_dma source(%dma_start3A_300 : memref<32xf32, #tpu.memory_space<hbm>>) target(%dma_start3A_297 : memref<32xf32, #tpu.memory_space<vmem>>) target_semaphore(%arg16 : memref<!tpu.dma_semaphore, #tpu.memory_space<semaphore_mem>>)
      %shift_right_arithmetic3A_301 = arith.constant 3 : i32
      %shift_right_arithmetic3A_302 = arith.shrsi %squeeze3A_252, %shift_right_arithmetic3A_301 : i32
      %and3A_303 = arith.constant 7 : i32
      %and3A_304 = arith.andi %squeeze3A_252, %and3A_303 : i32
      %dma_start3A_305 = arith.constant 112 : i32
      %dma_start3A_306 = tpu.memref_slice %arg15[%add3A_244, %dma_start3A_305] : memref<512x128xf32, #tpu.memory_space<vmem>> -> memref<1x16xf32, #tpu.memory_space<vmem>>
      %dma_start3A_307 = tpu.memref_squeeze %dma_start3A_306 : memref<1x16xf32, #tpu.memory_space<vmem>> -> memref<16xf32, #tpu.memory_space<vmem>>
      %dma_start3A_308 = arith.constant 0 : i32
      %dma_start3A_309 = tpu.memref_slice %arg9[%shift_right_arithmetic3A_302, %and3A_304, %dma_start3A_308] : memref<125x8x16xf32, #tpu.memory_space<hbm>> -> memref<1x1x16xf32, #tpu.memory_space<hbm>>
      %dma_start3A_310 = tpu.memref_squeeze %dma_start3A_309 : memref<1x1x16xf32, #tpu.memory_space<hbm>> -> memref<16xf32, #tpu.memory_space<hbm>>
      %dma_start3A_311 = arith.constant 112 : i32
      %dma_start3A_312 = tpu.memref_slice %arg15[%add3A_244, %dma_start3A_311] : memref<512x128xf32, #tpu.memory_space<vmem>> -> memref<1x16xf32, #tpu.memory_space<vmem>>
      %dma_start3A_313 = tpu.memref_squeeze %dma_start3A_312 : memref<1x16xf32, #tpu.memory_space<vmem>> -> memref<16xf32, #tpu.memory_space<vmem>>
      %dma_start3A_314 = arith.constant 0 : i32
      %dma_start3A_315 = tpu.memref_slice %arg9[%shift_right_arithmetic3A_302, %and3A_304, %dma_start3A_314] : memref<125x8x16xf32, #tpu.memory_space<hbm>> -> memref<1x1x16xf32, #tpu.memory_space<hbm>>
      %dma_start3A_316 = tpu.memref_squeeze %dma_start3A_315 : memref<1x1x16xf32, #tpu.memory_space<hbm>> -> memref<16xf32, #tpu.memory_space<hbm>>
      tpu.enqueue_dma source(%dma_start3A_316 : memref<16xf32, #tpu.memory_space<hbm>>) target(%dma_start3A_313 : memref<16xf32, #tpu.memory_space<vmem>>) target_semaphore(%arg16 : memref<!tpu.dma_semaphore, #tpu.memory_space<semaphore_mem>>)
      %add3A_317 = arith.constant 4 : i32
      %add3A_318 = arith.addi %mul3A_18, %add3A_317 : i32
      %slice3A_319 = vector.extract_strided_slice %get3A_19 {offsets = [4], sizes = [1], strides = [1]} : vector<16xi32> to vector<1xi32>
      %squeeze3A_320 = vector.extract %slice3A_319[0] : i32 from vector<1xi32>
      %slice3A_321 = vector.extract_strided_slice %get3A_21 {offsets = [4], sizes = [1], strides = [1]} : vector<16xi32> to vector<1xi32>
      %squeeze3A_322 = vector.extract %slice3A_321[0] : i32 from vector<1xi32>
      %slice3A_323 = vector.extract_strided_slice %get3A_23 {offsets = [4], sizes = [1], strides = [1]} : vector<16xi32> to vector<1xi32>
      %squeeze3A_324 = vector.extract %slice3A_323[0] : i32 from vector<1xi32>
      %slice3A_325 = vector.extract_strided_slice %get3A_25 {offsets = [4], sizes = [1], strides = [1]} : vector<16xi32> to vector<1xi32>
      %squeeze3A_326 = vector.extract %slice3A_325[0] : i32 from vector<1xi32>
      %shift_right_arithmetic3A_327 = arith.constant 3 : i32
      %shift_right_arithmetic3A_328 = arith.shrsi %squeeze3A_320, %shift_right_arithmetic3A_327 : i32
      %and3A_329 = arith.constant 7 : i32
      %and3A_330 = arith.andi %squeeze3A_320, %and3A_329 : i32
      %dma_start3A_331 = arith.constant 0 : i32
      %dma_start3A_332 = tpu.memref_slice %arg15[%add3A_318, %dma_start3A_331] : memref<512x128xf32, #tpu.memory_space<vmem>> -> memref<1x64xf32, #tpu.memory_space<vmem>>
      %dma_start3A_333 = tpu.memref_squeeze %dma_start3A_332 : memref<1x64xf32, #tpu.memory_space<vmem>> -> memref<64xf32, #tpu.memory_space<vmem>>
      %dma_start3A_334 = arith.constant 0 : i32
      %dma_start3A_335 = tpu.memref_slice %arg6[%shift_right_arithmetic3A_328, %and3A_330, %dma_start3A_334] : memref<125000x8x64xf32, #tpu.memory_space<hbm>> -> memref<1x1x64xf32, #tpu.memory_space<hbm>>
      %dma_start3A_336 = tpu.memref_squeeze %dma_start3A_335 : memref<1x1x64xf32, #tpu.memory_space<hbm>> -> memref<64xf32, #tpu.memory_space<hbm>>
      %dma_start3A_337 = arith.constant 0 : i32
      %dma_start3A_338 = tpu.memref_slice %arg15[%add3A_318, %dma_start3A_337] : memref<512x128xf32, #tpu.memory_space<vmem>> -> memref<1x64xf32, #tpu.memory_space<vmem>>
      %dma_start3A_339 = tpu.memref_squeeze %dma_start3A_338 : memref<1x64xf32, #tpu.memory_space<vmem>> -> memref<64xf32, #tpu.memory_space<vmem>>
      %dma_start3A_340 = arith.constant 0 : i32
      %dma_start3A_341 = tpu.memref_slice %arg6[%shift_right_arithmetic3A_328, %and3A_330, %dma_start3A_340] : memref<125000x8x64xf32, #tpu.memory_space<hbm>> -> memref<1x1x64xf32, #tpu.memory_space<hbm>>
      %dma_start3A_342 = tpu.memref_squeeze %dma_start3A_341 : memref<1x1x64xf32, #tpu.memory_space<hbm>> -> memref<64xf32, #tpu.memory_space<hbm>>
      tpu.enqueue_dma source(%dma_start3A_342 : memref<64xf32, #tpu.memory_space<hbm>>) target(%dma_start3A_339 : memref<64xf32, #tpu.memory_space<vmem>>) target_semaphore(%arg16 : memref<!tpu.dma_semaphore, #tpu.memory_space<semaphore_mem>>)
      %shift_right_arithmetic3A_343 = arith.constant 3 : i32
      %shift_right_arithmetic3A_344 = arith.shrsi %squeeze3A_322, %shift_right_arithmetic3A_343 : i32
      %and3A_345 = arith.constant 7 : i32
      %and3A_346 = arith.andi %squeeze3A_322, %and3A_345 : i32
      %dma_start3A_347 = arith.constant 64 : i32
      %dma_start3A_348 = tpu.memref_slice %arg15[%add3A_318, %dma_start3A_347] : memref<512x128xf32, #tpu.memory_space<vmem>> -> memref<1x16xf32, #tpu.memory_space<vmem>>
      %dma_start3A_349 = tpu.memref_squeeze %dma_start3A_348 : memref<1x16xf32, #tpu.memory_space<vmem>> -> memref<16xf32, #tpu.memory_space<vmem>>
      %dma_start3A_350 = arith.constant 0 : i32
      %dma_start3A_351 = tpu.memref_slice %arg7[%shift_right_arithmetic3A_344, %and3A_346, %dma_start3A_350] : memref<125x8x16xf32, #tpu.memory_space<hbm>> -> memref<1x1x16xf32, #tpu.memory_space<hbm>>
      %dma_start3A_352 = tpu.memref_squeeze %dma_start3A_351 : memref<1x1x16xf32, #tpu.memory_space<hbm>> -> memref<16xf32, #tpu.memory_space<hbm>>
      %dma_start3A_353 = arith.constant 64 : i32
      %dma_start3A_354 = tpu.memref_slice %arg15[%add3A_318, %dma_start3A_353] : memref<512x128xf32, #tpu.memory_space<vmem>> -> memref<1x16xf32, #tpu.memory_space<vmem>>
      %dma_start3A_355 = tpu.memref_squeeze %dma_start3A_354 : memref<1x16xf32, #tpu.memory_space<vmem>> -> memref<16xf32, #tpu.memory_space<vmem>>
      %dma_start3A_356 = arith.constant 0 : i32
      %dma_start3A_357 = tpu.memref_slice %arg7[%shift_right_arithmetic3A_344, %and3A_346, %dma_start3A_356] : memref<125x8x16xf32, #tpu.memory_space<hbm>> -> memref<1x1x16xf32, #tpu.memory_space<hbm>>
      %dma_start3A_358 = tpu.memref_squeeze %dma_start3A_357 : memref<1x1x16xf32, #tpu.memory_space<hbm>> -> memref<16xf32, #tpu.memory_space<hbm>>
      tpu.enqueue_dma source(%dma_start3A_358 : memref<16xf32, #tpu.memory_space<hbm>>) target(%dma_start3A_355 : memref<16xf32, #tpu.memory_space<vmem>>) target_semaphore(%arg16 : memref<!tpu.dma_semaphore, #tpu.memory_space<semaphore_mem>>)
      %shift_right_arithmetic3A_359 = arith.constant 3 : i32
      %shift_right_arithmetic3A_360 = arith.shrsi %squeeze3A_324, %shift_right_arithmetic3A_359 : i32
      %and3A_361 = arith.constant 7 : i32
      %and3A_362 = arith.andi %squeeze3A_324, %and3A_361 : i32
      %dma_start3A_363 = arith.constant 80 : i32
      %dma_start3A_364 = tpu.memref_slice %arg15[%add3A_318, %dma_start3A_363] : memref<512x128xf32, #tpu.memory_space<vmem>> -> memref<1x32xf32, #tpu.memory_space<vmem>>
      %dma_start3A_365 = tpu.memref_squeeze %dma_start3A_364 : memref<1x32xf32, #tpu.memory_space<vmem>> -> memref<32xf32, #tpu.memory_space<vmem>>
      %dma_start3A_366 = arith.constant 0 : i32
      %dma_start3A_367 = tpu.memref_slice %arg8[%shift_right_arithmetic3A_360, %and3A_362, %dma_start3A_366] : memref<12500x8x32xf32, #tpu.memory_space<hbm>> -> memref<1x1x32xf32, #tpu.memory_space<hbm>>
      %dma_start3A_368 = tpu.memref_squeeze %dma_start3A_367 : memref<1x1x32xf32, #tpu.memory_space<hbm>> -> memref<32xf32, #tpu.memory_space<hbm>>
      %dma_start3A_369 = arith.constant 80 : i32
      %dma_start3A_370 = tpu.memref_slice %arg15[%add3A_318, %dma_start3A_369] : memref<512x128xf32, #tpu.memory_space<vmem>> -> memref<1x32xf32, #tpu.memory_space<vmem>>
      %dma_start3A_371 = tpu.memref_squeeze %dma_start3A_370 : memref<1x32xf32, #tpu.memory_space<vmem>> -> memref<32xf32, #tpu.memory_space<vmem>>
      %dma_start3A_372 = arith.constant 0 : i32
      %dma_start3A_373 = tpu.memref_slice %arg8[%shift_right_arithmetic3A_360, %and3A_362, %dma_start3A_372] : memref<12500x8x32xf32, #tpu.memory_space<hbm>> -> memref<1x1x32xf32, #tpu.memory_space<hbm>>
      %dma_start3A_374 = tpu.memref_squeeze %dma_start3A_373 : memref<1x1x32xf32, #tpu.memory_space<hbm>> -> memref<32xf32, #tpu.memory_space<hbm>>
      tpu.enqueue_dma source(%dma_start3A_374 : memref<32xf32, #tpu.memory_space<hbm>>) target(%dma_start3A_371 : memref<32xf32, #tpu.memory_space<vmem>>) target_semaphore(%arg16 : memref<!tpu.dma_semaphore, #tpu.memory_space<semaphore_mem>>)
      %shift_right_arithmetic3A_375 = arith.constant 3 : i32
      %shift_right_arithmetic3A_376 = arith.shrsi %squeeze3A_326, %shift_right_arithmetic3A_375 : i32
      %and3A_377 = arith.constant 7 : i32
      %and3A_378 = arith.andi %squeeze3A_326, %and3A_377 : i32
      %dma_start3A_379 = arith.constant 112 : i32
      %dma_start3A_380 = tpu.memref_slice %arg15[%add3A_318, %dma_start3A_379] : memref<512x128xf32, #tpu.memory_space<vmem>> -> memref<1x16xf32, #tpu.memory_space<vmem>>
      %dma_start3A_381 = tpu.memref_squeeze %dma_start3A_380 : memref<1x16xf32, #tpu.memory_space<vmem>> -> memref<16xf32, #tpu.memory_space<vmem>>
      %dma_start3A_382 = arith.constant 0 : i32
      %dma_start3A_383 = tpu.memref_slice %arg9[%shift_right_arithmetic3A_376, %and3A_378, %dma_start3A_382] : memref<125x8x16xf32, #tpu.memory_space<hbm>> -> memref<1x1x16xf32, #tpu.memory_space<hbm>>
      %dma_start3A_384 = tpu.memref_squeeze %dma_start3A_383 : memref<1x1x16xf32, #tpu.memory_space<hbm>> -> memref<16xf32, #tpu.memory_space<hbm>>
      %dma_start3A_385 = arith.constant 112 : i32
      %dma_start3A_386 = tpu.memref_slice %arg15[%add3A_318, %dma_start3A_385] : memref<512x128xf32, #tpu.memory_space<vmem>> -> memref<1x16xf32, #tpu.memory_space<vmem>>
      %dma_start3A_387 = tpu.memref_squeeze %dma_start3A_386 : memref<1x16xf32, #tpu.memory_space<vmem>> -> memref<16xf32, #tpu.memory_space<vmem>>
      %dma_start3A_388 = arith.constant 0 : i32
      %dma_start3A_389 = tpu.memref_slice %arg9[%shift_right_arithmetic3A_376, %and3A_378, %dma_start3A_388] : memref<125x8x16xf32, #tpu.memory_space<hbm>> -> memref<1x1x16xf32, #tpu.memory_space<hbm>>
      %dma_start3A_390 = tpu.memref_squeeze %dma_start3A_389 : memref<1x1x16xf32, #tpu.memory_space<hbm>> -> memref<16xf32, #tpu.memory_space<hbm>>
      tpu.enqueue_dma source(%dma_start3A_390 : memref<16xf32, #tpu.memory_space<hbm>>) target(%dma_start3A_387 : memref<16xf32, #tpu.memory_space<vmem>>) target_semaphore(%arg16 : memref<!tpu.dma_semaphore, #tpu.memory_space<semaphore_mem>>)
      %add3A_391 = arith.constant 5 : i32
      %add3A_392 = arith.addi %mul3A_18, %add3A_391 : i32
      %slice3A_393 = vector.extract_strided_slice %get3A_19 {offsets = [5], sizes = [1], strides = [1]} : vector<16xi32> to vector<1xi32>
      %squeeze3A_394 = vector.extract %slice3A_393[0] : i32 from vector<1xi32>
      %slice3A_395 = vector.extract_strided_slice %get3A_21 {offsets = [5], sizes = [1], strides = [1]} : vector<16xi32> to vector<1xi32>
      %squeeze3A_396 = vector.extract %slice3A_395[0] : i32 from vector<1xi32>
      %slice3A_397 = vector.extract_strided_slice %get3A_23 {offsets = [5], sizes = [1], strides = [1]} : vector<16xi32> to vector<1xi32>
      %squeeze3A_398 = vector.extract %slice3A_397[0] : i32 from vector<1xi32>
      %slice3A_399 = vector.extract_strided_slice %get3A_25 {offsets = [5], sizes = [1], strides = [1]} : vector<16xi32> to vector<1xi32>
      %squeeze3A_400 = vector.extract %slice3A_399[0] : i32 from vector<1xi32>
      %shift_right_arithmetic3A_401 = arith.constant 3 : i32
      %shift_right_arithmetic3A_402 = arith.shrsi %squeeze3A_394, %shift_right_arithmetic3A_401 : i32
      %and3A_403 = arith.constant 7 : i32
      %and3A_404 = arith.andi %squeeze3A_394, %and3A_403 : i32
      %dma_start3A_405 = arith.constant 0 : i32
      %dma_start3A_406 = tpu.memref_slice %arg15[%add3A_392, %dma_start3A_405] : memref<512x128xf32, #tpu.memory_space<vmem>> -> memref<1x64xf32, #tpu.memory_space<vmem>>
      %dma_start3A_407 = tpu.memref_squeeze %dma_start3A_406 : memref<1x64xf32, #tpu.memory_space<vmem>> -> memref<64xf32, #tpu.memory_space<vmem>>
      %dma_start3A_408 = arith.constant 0 : i32
      %dma_start3A_409 = tpu.memref_slice %arg6[%shift_right_arithmetic3A_402, %and3A_404, %dma_start3A_408] : memref<125000x8x64xf32, #tpu.memory_space<hbm>> -> memref<1x1x64xf32, #tpu.memory_space<hbm>>
      %dma_start3A_410 = tpu.memref_squeeze %dma_start3A_409 : memref<1x1x64xf32, #tpu.memory_space<hbm>> -> memref<64xf32, #tpu.memory_space<hbm>>
      %dma_start3A_411 = arith.constant 0 : i32
      %dma_start3A_412 = tpu.memref_slice %arg15[%add3A_392, %dma_start3A_411] : memref<512x128xf32, #tpu.memory_space<vmem>> -> memref<1x64xf32, #tpu.memory_space<vmem>>
      %dma_start3A_413 = tpu.memref_squeeze %dma_start3A_412 : memref<1x64xf32, #tpu.memory_space<vmem>> -> memref<64xf32, #tpu.memory_space<vmem>>
      %dma_start3A_414 = arith.constant 0 : i32
      %dma_start3A_415 = tpu.memref_slice %arg6[%shift_right_arithmetic3A_402, %and3A_404, %dma_start3A_414] : memref<125000x8x64xf32, #tpu.memory_space<hbm>> -> memref<1x1x64xf32, #tpu.memory_space<hbm>>
      %dma_start3A_416 = tpu.memref_squeeze %dma_start3A_415 : memref<1x1x64xf32, #tpu.memory_space<hbm>> -> memref<64xf32, #tpu.memory_space<hbm>>
      tpu.enqueue_dma source(%dma_start3A_416 : memref<64xf32, #tpu.memory_space<hbm>>) target(%dma_start3A_413 : memref<64xf32, #tpu.memory_space<vmem>>) target_semaphore(%arg16 : memref<!tpu.dma_semaphore, #tpu.memory_space<semaphore_mem>>)
      %shift_right_arithmetic3A_417 = arith.constant 3 : i32
      %shift_right_arithmetic3A_418 = arith.shrsi %squeeze3A_396, %shift_right_arithmetic3A_417 : i32
      %and3A_419 = arith.constant 7 : i32
      %and3A_420 = arith.andi %squeeze3A_396, %and3A_419 : i32
      %dma_start3A_421 = arith.constant 64 : i32
      %dma_start3A_422 = tpu.memref_slice %arg15[%add3A_392, %dma_start3A_421] : memref<512x128xf32, #tpu.memory_space<vmem>> -> memref<1x16xf32, #tpu.memory_space<vmem>>
      %dma_start3A_423 = tpu.memref_squeeze %dma_start3A_422 : memref<1x16xf32, #tpu.memory_space<vmem>> -> memref<16xf32, #tpu.memory_space<vmem>>
      %dma_start3A_424 = arith.constant 0 : i32
      %dma_start3A_425 = tpu.memref_slice %arg7[%shift_right_arithmetic3A_418, %and3A_420, %dma_start3A_424] : memref<125x8x16xf32, #tpu.memory_space<hbm>> -> memref<1x1x16xf32, #tpu.memory_space<hbm>>
      %dma_start3A_426 = tpu.memref_squeeze %dma_start3A_425 : memref<1x1x16xf32, #tpu.memory_space<hbm>> -> memref<16xf32, #tpu.memory_space<hbm>>
      %dma_start3A_427 = arith.constant 64 : i32
      %dma_start3A_428 = tpu.memref_slice %arg15[%add3A_392, %dma_start3A_427] : memref<512x128xf32, #tpu.memory_space<vmem>> -> memref<1x16xf32, #tpu.memory_space<vmem>>
      %dma_start3A_429 = tpu.memref_squeeze %dma_start3A_428 : memref<1x16xf32, #tpu.memory_space<vmem>> -> memref<16xf32, #tpu.memory_space<vmem>>
      %dma_start3A_430 = arith.constant 0 : i32
      %dma_start3A_431 = tpu.memref_slice %arg7[%shift_right_arithmetic3A_418, %and3A_420, %dma_start3A_430] : memref<125x8x16xf32, #tpu.memory_space<hbm>> -> memref<1x1x16xf32, #tpu.memory_space<hbm>>
      %dma_start3A_432 = tpu.memref_squeeze %dma_start3A_431 : memref<1x1x16xf32, #tpu.memory_space<hbm>> -> memref<16xf32, #tpu.memory_space<hbm>>
      tpu.enqueue_dma source(%dma_start3A_432 : memref<16xf32, #tpu.memory_space<hbm>>) target(%dma_start3A_429 : memref<16xf32, #tpu.memory_space<vmem>>) target_semaphore(%arg16 : memref<!tpu.dma_semaphore, #tpu.memory_space<semaphore_mem>>)
      %shift_right_arithmetic3A_433 = arith.constant 3 : i32
      %shift_right_arithmetic3A_434 = arith.shrsi %squeeze3A_398, %shift_right_arithmetic3A_433 : i32
      %and3A_435 = arith.constant 7 : i32
      %and3A_436 = arith.andi %squeeze3A_398, %and3A_435 : i32
      %dma_start3A_437 = arith.constant 80 : i32
      %dma_start3A_438 = tpu.memref_slice %arg15[%add3A_392, %dma_start3A_437] : memref<512x128xf32, #tpu.memory_space<vmem>> -> memref<1x32xf32, #tpu.memory_space<vmem>>
      %dma_start3A_439 = tpu.memref_squeeze %dma_start3A_438 : memref<1x32xf32, #tpu.memory_space<vmem>> -> memref<32xf32, #tpu.memory_space<vmem>>
      %dma_start3A_440 = arith.constant 0 : i32
      %dma_start3A_441 = tpu.memref_slice %arg8[%shift_right_arithmetic3A_434, %and3A_436, %dma_start3A_440] : memref<12500x8x32xf32, #tpu.memory_space<hbm>> -> memref<1x1x32xf32, #tpu.memory_space<hbm>>
      %dma_start3A_442 = tpu.memref_squeeze %dma_start3A_441 : memref<1x1x32xf32, #tpu.memory_space<hbm>> -> memref<32xf32, #tpu.memory_space<hbm>>
      %dma_start3A_443 = arith.constant 80 : i32
      %dma_start3A_444 = tpu.memref_slice %arg15[%add3A_392, %dma_start3A_443] : memref<512x128xf32, #tpu.memory_space<vmem>> -> memref<1x32xf32, #tpu.memory_space<vmem>>
      %dma_start3A_445 = tpu.memref_squeeze %dma_start3A_444 : memref<1x32xf32, #tpu.memory_space<vmem>> -> memref<32xf32, #tpu.memory_space<vmem>>
      %dma_start3A_446 = arith.constant 0 : i32
      %dma_start3A_447 = tpu.memref_slice %arg8[%shift_right_arithmetic3A_434, %and3A_436, %dma_start3A_446] : memref<12500x8x32xf32, #tpu.memory_space<hbm>> -> memref<1x1x32xf32, #tpu.memory_space<hbm>>
      %dma_start3A_448 = tpu.memref_squeeze %dma_start3A_447 : memref<1x1x32xf32, #tpu.memory_space<hbm>> -> memref<32xf32, #tpu.memory_space<hbm>>
      tpu.enqueue_dma source(%dma_start3A_448 : memref<32xf32, #tpu.memory_space<hbm>>) target(%dma_start3A_445 : memref<32xf32, #tpu.memory_space<vmem>>) target_semaphore(%arg16 : memref<!tpu.dma_semaphore, #tpu.memory_space<semaphore_mem>>)
      %shift_right_arithmetic3A_449 = arith.constant 3 : i32
      %shift_right_arithmetic3A_450 = arith.shrsi %squeeze3A_400, %shift_right_arithmetic3A_449 : i32
      %and3A_451 = arith.constant 7 : i32
      %and3A_452 = arith.andi %squeeze3A_400, %and3A_451 : i32
      %dma_start3A_453 = arith.constant 112 : i32
      %dma_start3A_454 = tpu.memref_slice %arg15[%add3A_392, %dma_start3A_453] : memref<512x128xf32, #tpu.memory_space<vmem>> -> memref<1x16xf32, #tpu.memory_space<vmem>>
      %dma_start3A_455 = tpu.memref_squeeze %dma_start3A_454 : memref<1x16xf32, #tpu.memory_space<vmem>> -> memref<16xf32, #tpu.memory_space<vmem>>
      %dma_start3A_456 = arith.constant 0 : i32
      %dma_start3A_457 = tpu.memref_slice %arg9[%shift_right_arithmetic3A_450, %and3A_452, %dma_start3A_456] : memref<125x8x16xf32, #tpu.memory_space<hbm>> -> memref<1x1x16xf32, #tpu.memory_space<hbm>>
      %dma_start3A_458 = tpu.memref_squeeze %dma_start3A_457 : memref<1x1x16xf32, #tpu.memory_space<hbm>> -> memref<16xf32, #tpu.memory_space<hbm>>
      %dma_start3A_459 = arith.constant 112 : i32
      %dma_start3A_460 = tpu.memref_slice %arg15[%add3A_392, %dma_start3A_459] : memref<512x128xf32, #tpu.memory_space<vmem>> -> memref<1x16xf32, #tpu.memory_space<vmem>>
      %dma_start3A_461 = tpu.memref_squeeze %dma_start3A_460 : memref<1x16xf32, #tpu.memory_space<vmem>> -> memref<16xf32, #tpu.memory_space<vmem>>
      %dma_start3A_462 = arith.constant 0 : i32
      %dma_start3A_463 = tpu.memref_slice %arg9[%shift_right_arithmetic3A_450, %and3A_452, %dma_start3A_462] : memref<125x8x16xf32, #tpu.memory_space<hbm>> -> memref<1x1x16xf32, #tpu.memory_space<hbm>>
      %dma_start3A_464 = tpu.memref_squeeze %dma_start3A_463 : memref<1x1x16xf32, #tpu.memory_space<hbm>> -> memref<16xf32, #tpu.memory_space<hbm>>
      tpu.enqueue_dma source(%dma_start3A_464 : memref<16xf32, #tpu.memory_space<hbm>>) target(%dma_start3A_461 : memref<16xf32, #tpu.memory_space<vmem>>) target_semaphore(%arg16 : memref<!tpu.dma_semaphore, #tpu.memory_space<semaphore_mem>>)
      %add3A_465 = arith.constant 6 : i32
      %add3A_466 = arith.addi %mul3A_18, %add3A_465 : i32
      %slice3A_467 = vector.extract_strided_slice %get3A_19 {offsets = [6], sizes = [1], strides = [1]} : vector<16xi32> to vector<1xi32>
      %squeeze3A_468 = vector.extract %slice3A_467[0] : i32 from vector<1xi32>
      %slice3A_469 = vector.extract_strided_slice %get3A_21 {offsets = [6], sizes = [1], strides = [1]} : vector<16xi32> to vector<1xi32>
      %squeeze3A_470 = vector.extract %slice3A_469[0] : i32 from vector<1xi32>
      %slice3A_471 = vector.extract_strided_slice %get3A_23 {offsets = [6], sizes = [1], strides = [1]} : vector<16xi32> to vector<1xi32>
      %squeeze3A_472 = vector.extract %slice3A_471[0] : i32 from vector<1xi32>
      %slice3A_473 = vector.extract_strided_slice %get3A_25 {offsets = [6], sizes = [1], strides = [1]} : vector<16xi32> to vector<1xi32>
      %squeeze3A_474 = vector.extract %slice3A_473[0] : i32 from vector<1xi32>
      %shift_right_arithmetic3A_475 = arith.constant 3 : i32
      %shift_right_arithmetic3A_476 = arith.shrsi %squeeze3A_468, %shift_right_arithmetic3A_475 : i32
      %and3A_477 = arith.constant 7 : i32
      %and3A_478 = arith.andi %squeeze3A_468, %and3A_477 : i32
      %dma_start3A_479 = arith.constant 0 : i32
      %dma_start3A_480 = tpu.memref_slice %arg15[%add3A_466, %dma_start3A_479] : memref<512x128xf32, #tpu.memory_space<vmem>> -> memref<1x64xf32, #tpu.memory_space<vmem>>
      %dma_start3A_481 = tpu.memref_squeeze %dma_start3A_480 : memref<1x64xf32, #tpu.memory_space<vmem>> -> memref<64xf32, #tpu.memory_space<vmem>>
      %dma_start3A_482 = arith.constant 0 : i32
      %dma_start3A_483 = tpu.memref_slice %arg6[%shift_right_arithmetic3A_476, %and3A_478, %dma_start3A_482] : memref<125000x8x64xf32, #tpu.memory_space<hbm>> -> memref<1x1x64xf32, #tpu.memory_space<hbm>>
      %dma_start3A_484 = tpu.memref_squeeze %dma_start3A_483 : memref<1x1x64xf32, #tpu.memory_space<hbm>> -> memref<64xf32, #tpu.memory_space<hbm>>
      %dma_start3A_485 = arith.constant 0 : i32
      %dma_start3A_486 = tpu.memref_slice %arg15[%add3A_466, %dma_start3A_485] : memref<512x128xf32, #tpu.memory_space<vmem>> -> memref<1x64xf32, #tpu.memory_space<vmem>>
      %dma_start3A_487 = tpu.memref_squeeze %dma_start3A_486 : memref<1x64xf32, #tpu.memory_space<vmem>> -> memref<64xf32, #tpu.memory_space<vmem>>
      %dma_start3A_488 = arith.constant 0 : i32
      %dma_start3A_489 = tpu.memref_slice %arg6[%shift_right_arithmetic3A_476, %and3A_478, %dma_start3A_488] : memref<125000x8x64xf32, #tpu.memory_space<hbm>> -> memref<1x1x64xf32, #tpu.memory_space<hbm>>
      %dma_start3A_490 = tpu.memref_squeeze %dma_start3A_489 : memref<1x1x64xf32, #tpu.memory_space<hbm>> -> memref<64xf32, #tpu.memory_space<hbm>>
      tpu.enqueue_dma source(%dma_start3A_490 : memref<64xf32, #tpu.memory_space<hbm>>) target(%dma_start3A_487 : memref<64xf32, #tpu.memory_space<vmem>>) target_semaphore(%arg16 : memref<!tpu.dma_semaphore, #tpu.memory_space<semaphore_mem>>)
      %shift_right_arithmetic3A_491 = arith.constant 3 : i32
      %shift_right_arithmetic3A_492 = arith.shrsi %squeeze3A_470, %shift_right_arithmetic3A_491 : i32
      %and3A_493 = arith.constant 7 : i32
      %and3A_494 = arith.andi %squeeze3A_470, %and3A_493 : i32
      %dma_start3A_495 = arith.constant 64 : i32
      %dma_start3A_496 = tpu.memref_slice %arg15[%add3A_466, %dma_start3A_495] : memref<512x128xf32, #tpu.memory_space<vmem>> -> memref<1x16xf32, #tpu.memory_space<vmem>>
      %dma_start3A_497 = tpu.memref_squeeze %dma_start3A_496 : memref<1x16xf32, #tpu.memory_space<vmem>> -> memref<16xf32, #tpu.memory_space<vmem>>
      %dma_start3A_498 = arith.constant 0 : i32
      %dma_start3A_499 = tpu.memref_slice %arg7[%shift_right_arithmetic3A_492, %and3A_494, %dma_start3A_498] : memref<125x8x16xf32, #tpu.memory_space<hbm>> -> memref<1x1x16xf32, #tpu.memory_space<hbm>>
      %dma_start3A_500 = tpu.memref_squeeze %dma_start3A_499 : memref<1x1x16xf32, #tpu.memory_space<hbm>> -> memref<16xf32, #tpu.memory_space<hbm>>
      %dma_start3A_501 = arith.constant 64 : i32
      %dma_start3A_502 = tpu.memref_slice %arg15[%add3A_466, %dma_start3A_501] : memref<512x128xf32, #tpu.memory_space<vmem>> -> memref<1x16xf32, #tpu.memory_space<vmem>>
      %dma_start3A_503 = tpu.memref_squeeze %dma_start3A_502 : memref<1x16xf32, #tpu.memory_space<vmem>> -> memref<16xf32, #tpu.memory_space<vmem>>
      %dma_start3A_504 = arith.constant 0 : i32
      %dma_start3A_505 = tpu.memref_slice %arg7[%shift_right_arithmetic3A_492, %and3A_494, %dma_start3A_504] : memref<125x8x16xf32, #tpu.memory_space<hbm>> -> memref<1x1x16xf32, #tpu.memory_space<hbm>>
      %dma_start3A_506 = tpu.memref_squeeze %dma_start3A_505 : memref<1x1x16xf32, #tpu.memory_space<hbm>> -> memref<16xf32, #tpu.memory_space<hbm>>
      tpu.enqueue_dma source(%dma_start3A_506 : memref<16xf32, #tpu.memory_space<hbm>>) target(%dma_start3A_503 : memref<16xf32, #tpu.memory_space<vmem>>) target_semaphore(%arg16 : memref<!tpu.dma_semaphore, #tpu.memory_space<semaphore_mem>>)
      %shift_right_arithmetic3A_507 = arith.constant 3 : i32
      %shift_right_arithmetic3A_508 = arith.shrsi %squeeze3A_472, %shift_right_arithmetic3A_507 : i32
      %and3A_509 = arith.constant 7 : i32
      %and3A_510 = arith.andi %squeeze3A_472, %and3A_509 : i32
      %dma_start3A_511 = arith.constant 80 : i32
      %dma_start3A_512 = tpu.memref_slice %arg15[%add3A_466, %dma_start3A_511] : memref<512x128xf32, #tpu.memory_space<vmem>> -> memref<1x32xf32, #tpu.memory_space<vmem>>
      %dma_start3A_513 = tpu.memref_squeeze %dma_start3A_512 : memref<1x32xf32, #tpu.memory_space<vmem>> -> memref<32xf32, #tpu.memory_space<vmem>>
      %dma_start3A_514 = arith.constant 0 : i32
      %dma_start3A_515 = tpu.memref_slice %arg8[%shift_right_arithmetic3A_508, %and3A_510, %dma_start3A_514] : memref<12500x8x32xf32, #tpu.memory_space<hbm>> -> memref<1x1x32xf32, #tpu.memory_space<hbm>>
      %dma_start3A_516 = tpu.memref_squeeze %dma_start3A_515 : memref<1x1x32xf32, #tpu.memory_space<hbm>> -> memref<32xf32, #tpu.memory_space<hbm>>
      %dma_start3A_517 = arith.constant 80 : i32
      %dma_start3A_518 = tpu.memref_slice %arg15[%add3A_466, %dma_start3A_517] : memref<512x128xf32, #tpu.memory_space<vmem>> -> memref<1x32xf32, #tpu.memory_space<vmem>>
      %dma_start3A_519 = tpu.memref_squeeze %dma_start3A_518 : memref<1x32xf32, #tpu.memory_space<vmem>> -> memref<32xf32, #tpu.memory_space<vmem>>
      %dma_start3A_520 = arith.constant 0 : i32
      %dma_start3A_521 = tpu.memref_slice %arg8[%shift_right_arithmetic3A_508, %and3A_510, %dma_start3A_520] : memref<12500x8x32xf32, #tpu.memory_space<hbm>> -> memref<1x1x32xf32, #tpu.memory_space<hbm>>
      %dma_start3A_522 = tpu.memref_squeeze %dma_start3A_521 : memref<1x1x32xf32, #tpu.memory_space<hbm>> -> memref<32xf32, #tpu.memory_space<hbm>>
      tpu.enqueue_dma source(%dma_start3A_522 : memref<32xf32, #tpu.memory_space<hbm>>) target(%dma_start3A_519 : memref<32xf32, #tpu.memory_space<vmem>>) target_semaphore(%arg16 : memref<!tpu.dma_semaphore, #tpu.memory_space<semaphore_mem>>)
      %shift_right_arithmetic3A_523 = arith.constant 3 : i32
      %shift_right_arithmetic3A_524 = arith.shrsi %squeeze3A_474, %shift_right_arithmetic3A_523 : i32
      %and3A_525 = arith.constant 7 : i32
      %and3A_526 = arith.andi %squeeze3A_474, %and3A_525 : i32
      %dma_start3A_527 = arith.constant 112 : i32
      %dma_start3A_528 = tpu.memref_slice %arg15[%add3A_466, %dma_start3A_527] : memref<512x128xf32, #tpu.memory_space<vmem>> -> memref<1x16xf32, #tpu.memory_space<vmem>>
      %dma_start3A_529 = tpu.memref_squeeze %dma_start3A_528 : memref<1x16xf32, #tpu.memory_space<vmem>> -> memref<16xf32, #tpu.memory_space<vmem>>
      %dma_start3A_530 = arith.constant 0 : i32
      %dma_start3A_531 = tpu.memref_slice %arg9[%shift_right_arithmetic3A_524, %and3A_526, %dma_start3A_530] : memref<125x8x16xf32, #tpu.memory_space<hbm>> -> memref<1x1x16xf32, #tpu.memory_space<hbm>>
      %dma_start3A_532 = tpu.memref_squeeze %dma_start3A_531 : memref<1x1x16xf32, #tpu.memory_space<hbm>> -> memref<16xf32, #tpu.memory_space<hbm>>
      %dma_start3A_533 = arith.constant 112 : i32
      %dma_start3A_534 = tpu.memref_slice %arg15[%add3A_466, %dma_start3A_533] : memref<512x128xf32, #tpu.memory_space<vmem>> -> memref<1x16xf32, #tpu.memory_space<vmem>>
      %dma_start3A_535 = tpu.memref_squeeze %dma_start3A_534 : memref<1x16xf32, #tpu.memory_space<vmem>> -> memref<16xf32, #tpu.memory_space<vmem>>
      %dma_start3A_536 = arith.constant 0 : i32
      %dma_start3A_537 = tpu.memref_slice %arg9[%shift_right_arithmetic3A_524, %and3A_526, %dma_start3A_536] : memref<125x8x16xf32, #tpu.memory_space<hbm>> -> memref<1x1x16xf32, #tpu.memory_space<hbm>>
      %dma_start3A_538 = tpu.memref_squeeze %dma_start3A_537 : memref<1x1x16xf32, #tpu.memory_space<hbm>> -> memref<16xf32, #tpu.memory_space<hbm>>
      tpu.enqueue_dma source(%dma_start3A_538 : memref<16xf32, #tpu.memory_space<hbm>>) target(%dma_start3A_535 : memref<16xf32, #tpu.memory_space<vmem>>) target_semaphore(%arg16 : memref<!tpu.dma_semaphore, #tpu.memory_space<semaphore_mem>>)
      %add3A_539 = arith.constant 7 : i32
      %add3A_540 = arith.addi %mul3A_18, %add3A_539 : i32
      %slice3A_541 = vector.extract_strided_slice %get3A_19 {offsets = [7], sizes = [1], strides = [1]} : vector<16xi32> to vector<1xi32>
      %squeeze3A_542 = vector.extract %slice3A_541[0] : i32 from vector<1xi32>
      %slice3A_543 = vector.extract_strided_slice %get3A_21 {offsets = [7], sizes = [1], strides = [1]} : vector<16xi32> to vector<1xi32>
      %squeeze3A_544 = vector.extract %slice3A_543[0] : i32 from vector<1xi32>
      %slice3A_545 = vector.extract_strided_slice %get3A_23 {offsets = [7], sizes = [1], strides = [1]} : vector<16xi32> to vector<1xi32>
      %squeeze3A_546 = vector.extract %slice3A_545[0] : i32 from vector<1xi32>
      %slice3A_547 = vector.extract_strided_slice %get3A_25 {offsets = [7], sizes = [1], strides = [1]} : vector<16xi32> to vector<1xi32>
      %squeeze3A_548 = vector.extract %slice3A_547[0] : i32 from vector<1xi32>
      %shift_right_arithmetic3A_549 = arith.constant 3 : i32
      %shift_right_arithmetic3A_550 = arith.shrsi %squeeze3A_542, %shift_right_arithmetic3A_549 : i32
      %and3A_551 = arith.constant 7 : i32
      %and3A_552 = arith.andi %squeeze3A_542, %and3A_551 : i32
      %dma_start3A_553 = arith.constant 0 : i32
      %dma_start3A_554 = tpu.memref_slice %arg15[%add3A_540, %dma_start3A_553] : memref<512x128xf32, #tpu.memory_space<vmem>> -> memref<1x64xf32, #tpu.memory_space<vmem>>
      %dma_start3A_555 = tpu.memref_squeeze %dma_start3A_554 : memref<1x64xf32, #tpu.memory_space<vmem>> -> memref<64xf32, #tpu.memory_space<vmem>>
      %dma_start3A_556 = arith.constant 0 : i32
      %dma_start3A_557 = tpu.memref_slice %arg6[%shift_right_arithmetic3A_550, %and3A_552, %dma_start3A_556] : memref<125000x8x64xf32, #tpu.memory_space<hbm>> -> memref<1x1x64xf32, #tpu.memory_space<hbm>>
      %dma_start3A_558 = tpu.memref_squeeze %dma_start3A_557 : memref<1x1x64xf32, #tpu.memory_space<hbm>> -> memref<64xf32, #tpu.memory_space<hbm>>
      %dma_start3A_559 = arith.constant 0 : i32
      %dma_start3A_560 = tpu.memref_slice %arg15[%add3A_540, %dma_start3A_559] : memref<512x128xf32, #tpu.memory_space<vmem>> -> memref<1x64xf32, #tpu.memory_space<vmem>>
      %dma_start3A_561 = tpu.memref_squeeze %dma_start3A_560 : memref<1x64xf32, #tpu.memory_space<vmem>> -> memref<64xf32, #tpu.memory_space<vmem>>
      %dma_start3A_562 = arith.constant 0 : i32
      %dma_start3A_563 = tpu.memref_slice %arg6[%shift_right_arithmetic3A_550, %and3A_552, %dma_start3A_562] : memref<125000x8x64xf32, #tpu.memory_space<hbm>> -> memref<1x1x64xf32, #tpu.memory_space<hbm>>
      %dma_start3A_564 = tpu.memref_squeeze %dma_start3A_563 : memref<1x1x64xf32, #tpu.memory_space<hbm>> -> memref<64xf32, #tpu.memory_space<hbm>>
      tpu.enqueue_dma source(%dma_start3A_564 : memref<64xf32, #tpu.memory_space<hbm>>) target(%dma_start3A_561 : memref<64xf32, #tpu.memory_space<vmem>>) target_semaphore(%arg16 : memref<!tpu.dma_semaphore, #tpu.memory_space<semaphore_mem>>)
      %shift_right_arithmetic3A_565 = arith.constant 3 : i32
      %shift_right_arithmetic3A_566 = arith.shrsi %squeeze3A_544, %shift_right_arithmetic3A_565 : i32
      %and3A_567 = arith.constant 7 : i32
      %and3A_568 = arith.andi %squeeze3A_544, %and3A_567 : i32
      %dma_start3A_569 = arith.constant 64 : i32
      %dma_start3A_570 = tpu.memref_slice %arg15[%add3A_540, %dma_start3A_569] : memref<512x128xf32, #tpu.memory_space<vmem>> -> memref<1x16xf32, #tpu.memory_space<vmem>>
      %dma_start3A_571 = tpu.memref_squeeze %dma_start3A_570 : memref<1x16xf32, #tpu.memory_space<vmem>> -> memref<16xf32, #tpu.memory_space<vmem>>
      %dma_start3A_572 = arith.constant 0 : i32
      %dma_start3A_573 = tpu.memref_slice %arg7[%shift_right_arithmetic3A_566, %and3A_568, %dma_start3A_572] : memref<125x8x16xf32, #tpu.memory_space<hbm>> -> memref<1x1x16xf32, #tpu.memory_space<hbm>>
      %dma_start3A_574 = tpu.memref_squeeze %dma_start3A_573 : memref<1x1x16xf32, #tpu.memory_space<hbm>> -> memref<16xf32, #tpu.memory_space<hbm>>
      %dma_start3A_575 = arith.constant 64 : i32
      %dma_start3A_576 = tpu.memref_slice %arg15[%add3A_540, %dma_start3A_575] : memref<512x128xf32, #tpu.memory_space<vmem>> -> memref<1x16xf32, #tpu.memory_space<vmem>>
      %dma_start3A_577 = tpu.memref_squeeze %dma_start3A_576 : memref<1x16xf32, #tpu.memory_space<vmem>> -> memref<16xf32, #tpu.memory_space<vmem>>
      %dma_start3A_578 = arith.constant 0 : i32
      %dma_start3A_579 = tpu.memref_slice %arg7[%shift_right_arithmetic3A_566, %and3A_568, %dma_start3A_578] : memref<125x8x16xf32, #tpu.memory_space<hbm>> -> memref<1x1x16xf32, #tpu.memory_space<hbm>>
      %dma_start3A_580 = tpu.memref_squeeze %dma_start3A_579 : memref<1x1x16xf32, #tpu.memory_space<hbm>> -> memref<16xf32, #tpu.memory_space<hbm>>
      tpu.enqueue_dma source(%dma_start3A_580 : memref<16xf32, #tpu.memory_space<hbm>>) target(%dma_start3A_577 : memref<16xf32, #tpu.memory_space<vmem>>) target_semaphore(%arg16 : memref<!tpu.dma_semaphore, #tpu.memory_space<semaphore_mem>>)
      %shift_right_arithmetic3A_581 = arith.constant 3 : i32
      %shift_right_arithmetic3A_582 = arith.shrsi %squeeze3A_546, %shift_right_arithmetic3A_581 : i32
      %and3A_583 = arith.constant 7 : i32
      %and3A_584 = arith.andi %squeeze3A_546, %and3A_583 : i32
      %dma_start3A_585 = arith.constant 80 : i32
      %dma_start3A_586 = tpu.memref_slice %arg15[%add3A_540, %dma_start3A_585] : memref<512x128xf32, #tpu.memory_space<vmem>> -> memref<1x32xf32, #tpu.memory_space<vmem>>
      %dma_start3A_587 = tpu.memref_squeeze %dma_start3A_586 : memref<1x32xf32, #tpu.memory_space<vmem>> -> memref<32xf32, #tpu.memory_space<vmem>>
      %dma_start3A_588 = arith.constant 0 : i32
      %dma_start3A_589 = tpu.memref_slice %arg8[%shift_right_arithmetic3A_582, %and3A_584, %dma_start3A_588] : memref<12500x8x32xf32, #tpu.memory_space<hbm>> -> memref<1x1x32xf32, #tpu.memory_space<hbm>>
      %dma_start3A_590 = tpu.memref_squeeze %dma_start3A_589 : memref<1x1x32xf32, #tpu.memory_space<hbm>> -> memref<32xf32, #tpu.memory_space<hbm>>
      %dma_start3A_591 = arith.constant 80 : i32
      %dma_start3A_592 = tpu.memref_slice %arg15[%add3A_540, %dma_start3A_591] : memref<512x128xf32, #tpu.memory_space<vmem>> -> memref<1x32xf32, #tpu.memory_space<vmem>>
      %dma_start3A_593 = tpu.memref_squeeze %dma_start3A_592 : memref<1x32xf32, #tpu.memory_space<vmem>> -> memref<32xf32, #tpu.memory_space<vmem>>
      %dma_start3A_594 = arith.constant 0 : i32
      %dma_start3A_595 = tpu.memref_slice %arg8[%shift_right_arithmetic3A_582, %and3A_584, %dma_start3A_594] : memref<12500x8x32xf32, #tpu.memory_space<hbm>> -> memref<1x1x32xf32, #tpu.memory_space<hbm>>
      %dma_start3A_596 = tpu.memref_squeeze %dma_start3A_595 : memref<1x1x32xf32, #tpu.memory_space<hbm>> -> memref<32xf32, #tpu.memory_space<hbm>>
      tpu.enqueue_dma source(%dma_start3A_596 : memref<32xf32, #tpu.memory_space<hbm>>) target(%dma_start3A_593 : memref<32xf32, #tpu.memory_space<vmem>>) target_semaphore(%arg16 : memref<!tpu.dma_semaphore, #tpu.memory_space<semaphore_mem>>)
      %shift_right_arithmetic3A_597 = arith.constant 3 : i32
      %shift_right_arithmetic3A_598 = arith.shrsi %squeeze3A_548, %shift_right_arithmetic3A_597 : i32
      %and3A_599 = arith.constant 7 : i32
      %and3A_600 = arith.andi %squeeze3A_548, %and3A_599 : i32
      %dma_start3A_601 = arith.constant 112 : i32
      %dma_start3A_602 = tpu.memref_slice %arg15[%add3A_540, %dma_start3A_601] : memref<512x128xf32, #tpu.memory_space<vmem>> -> memref<1x16xf32, #tpu.memory_space<vmem>>
      %dma_start3A_603 = tpu.memref_squeeze %dma_start3A_602 : memref<1x16xf32, #tpu.memory_space<vmem>> -> memref<16xf32, #tpu.memory_space<vmem>>
      %dma_start3A_604 = arith.constant 0 : i32
      %dma_start3A_605 = tpu.memref_slice %arg9[%shift_right_arithmetic3A_598, %and3A_600, %dma_start3A_604] : memref<125x8x16xf32, #tpu.memory_space<hbm>> -> memref<1x1x16xf32, #tpu.memory_space<hbm>>
      %dma_start3A_606 = tpu.memref_squeeze %dma_start3A_605 : memref<1x1x16xf32, #tpu.memory_space<hbm>> -> memref<16xf32, #tpu.memory_space<hbm>>
      %dma_start3A_607 = arith.constant 112 : i32
      %dma_start3A_608 = tpu.memref_slice %arg15[%add3A_540, %dma_start3A_607] : memref<512x128xf32, #tpu.memory_space<vmem>> -> memref<1x16xf32, #tpu.memory_space<vmem>>
      %dma_start3A_609 = tpu.memref_squeeze %dma_start3A_608 : memref<1x16xf32, #tpu.memory_space<vmem>> -> memref<16xf32, #tpu.memory_space<vmem>>
      %dma_start3A_610 = arith.constant 0 : i32
      %dma_start3A_611 = tpu.memref_slice %arg9[%shift_right_arithmetic3A_598, %and3A_600, %dma_start3A_610] : memref<125x8x16xf32, #tpu.memory_space<hbm>> -> memref<1x1x16xf32, #tpu.memory_space<hbm>>
      %dma_start3A_612 = tpu.memref_squeeze %dma_start3A_611 : memref<1x1x16xf32, #tpu.memory_space<hbm>> -> memref<16xf32, #tpu.memory_space<hbm>>
      tpu.enqueue_dma source(%dma_start3A_612 : memref<16xf32, #tpu.memory_space<hbm>>) target(%dma_start3A_609 : memref<16xf32, #tpu.memory_space<vmem>>) target_semaphore(%arg16 : memref<!tpu.dma_semaphore, #tpu.memory_space<semaphore_mem>>)
      %add3A_613 = arith.constant 8 : i32
      %add3A_614 = arith.addi %mul3A_18, %add3A_613 : i32
      %slice3A_615 = vector.extract_strided_slice %get3A_19 {offsets = [8], sizes = [1], strides = [1]} : vector<16xi32> to vector<1xi32>
      %squeeze3A_616 = vector.extract %slice3A_615[0] : i32 from vector<1xi32>
      %slice3A_617 = vector.extract_strided_slice %get3A_21 {offsets = [8], sizes = [1], strides = [1]} : vector<16xi32> to vector<1xi32>
      %squeeze3A_618 = vector.extract %slice3A_617[0] : i32 from vector<1xi32>
      %slice3A_619 = vector.extract_strided_slice %get3A_23 {offsets = [8], sizes = [1], strides = [1]} : vector<16xi32> to vector<1xi32>
      %squeeze3A_620 = vector.extract %slice3A_619[0] : i32 from vector<1xi32>
      %slice3A_621 = vector.extract_strided_slice %get3A_25 {offsets = [8], sizes = [1], strides = [1]} : vector<16xi32> to vector<1xi32>
      %squeeze3A_622 = vector.extract %slice3A_621[0] : i32 from vector<1xi32>
      %shift_right_arithmetic3A_623 = arith.constant 3 : i32
      %shift_right_arithmetic3A_624 = arith.shrsi %squeeze3A_616, %shift_right_arithmetic3A_623 : i32
      %and3A_625 = arith.constant 7 : i32
      %and3A_626 = arith.andi %squeeze3A_616, %and3A_625 : i32
      %dma_start3A_627 = arith.constant 0 : i32
      %dma_start3A_628 = tpu.memref_slice %arg15[%add3A_614, %dma_start3A_627] : memref<512x128xf32, #tpu.memory_space<vmem>> -> memref<1x64xf32, #tpu.memory_space<vmem>>
      %dma_start3A_629 = tpu.memref_squeeze %dma_start3A_628 : memref<1x64xf32, #tpu.memory_space<vmem>> -> memref<64xf32, #tpu.memory_space<vmem>>
      %dma_start3A_630 = arith.constant 0 : i32
      %dma_start3A_631 = tpu.memref_slice %arg6[%shift_right_arithmetic3A_624, %and3A_626, %dma_start3A_630] : memref<125000x8x64xf32, #tpu.memory_space<hbm>> -> memref<1x1x64xf32, #tpu.memory_space<hbm>>
      %dma_start3A_632 = tpu.memref_squeeze %dma_start3A_631 : memref<1x1x64xf32, #tpu.memory_space<hbm>> -> memref<64xf32, #tpu.memory_space<hbm>>
      %dma_start3A_633 = arith.constant 0 : i32
      %dma_start3A_634 = tpu.memref_slice %arg15[%add3A_614, %dma_start3A_633] : memref<512x128xf32, #tpu.memory_space<vmem>> -> memref<1x64xf32, #tpu.memory_space<vmem>>
      %dma_start3A_635 = tpu.memref_squeeze %dma_start3A_634 : memref<1x64xf32, #tpu.memory_space<vmem>> -> memref<64xf32, #tpu.memory_space<vmem>>
      %dma_start3A_636 = arith.constant 0 : i32
      %dma_start3A_637 = tpu.memref_slice %arg6[%shift_right_arithmetic3A_624, %and3A_626, %dma_start3A_636] : memref<125000x8x64xf32, #tpu.memory_space<hbm>> -> memref<1x1x64xf32, #tpu.memory_space<hbm>>
      %dma_start3A_638 = tpu.memref_squeeze %dma_start3A_637 : memref<1x1x64xf32, #tpu.memory_space<hbm>> -> memref<64xf32, #tpu.memory_space<hbm>>
      tpu.enqueue_dma source(%dma_start3A_638 : memref<64xf32, #tpu.memory_space<hbm>>) target(%dma_start3A_635 : memref<64xf32, #tpu.memory_space<vmem>>) target_semaphore(%arg16 : memref<!tpu.dma_semaphore, #tpu.memory_space<semaphore_mem>>)
      %shift_right_arithmetic3A_639 = arith.constant 3 : i32
      %shift_right_arithmetic3A_640 = arith.shrsi %squeeze3A_618, %shift_right_arithmetic3A_639 : i32
      %and3A_641 = arith.constant 7 : i32
      %and3A_642 = arith.andi %squeeze3A_618, %and3A_641 : i32
      %dma_start3A_643 = arith.constant 64 : i32
      %dma_start3A_644 = tpu.memref_slice %arg15[%add3A_614, %dma_start3A_643] : memref<512x128xf32, #tpu.memory_space<vmem>> -> memref<1x16xf32, #tpu.memory_space<vmem>>
      %dma_start3A_645 = tpu.memref_squeeze %dma_start3A_644 : memref<1x16xf32, #tpu.memory_space<vmem>> -> memref<16xf32, #tpu.memory_space<vmem>>
      %dma_start3A_646 = arith.constant 0 : i32
      %dma_start3A_647 = tpu.memref_slice %arg7[%shift_right_arithmetic3A_640, %and3A_642, %dma_start3A_646] : memref<125x8x16xf32, #tpu.memory_space<hbm>> -> memref<1x1x16xf32, #tpu.memory_space<hbm>>
      %dma_start3A_648 = tpu.memref_squeeze %dma_start3A_647 : memref<1x1x16xf32, #tpu.memory_space<hbm>> -> memref<16xf32, #tpu.memory_space<hbm>>
      %dma_start3A_649 = arith.constant 64 : i32
      %dma_start3A_650 = tpu.memref_slice %arg15[%add3A_614, %dma_start3A_649] : memref<512x128xf32, #tpu.memory_space<vmem>> -> memref<1x16xf32, #tpu.memory_space<vmem>>
      %dma_start3A_651 = tpu.memref_squeeze %dma_start3A_650 : memref<1x16xf32, #tpu.memory_space<vmem>> -> memref<16xf32, #tpu.memory_space<vmem>>
      %dma_start3A_652 = arith.constant 0 : i32
      %dma_start3A_653 = tpu.memref_slice %arg7[%shift_right_arithmetic3A_640, %and3A_642, %dma_start3A_652] : memref<125x8x16xf32, #tpu.memory_space<hbm>> -> memref<1x1x16xf32, #tpu.memory_space<hbm>>
      %dma_start3A_654 = tpu.memref_squeeze %dma_start3A_653 : memref<1x1x16xf32, #tpu.memory_space<hbm>> -> memref<16xf32, #tpu.memory_space<hbm>>
      tpu.enqueue_dma source(%dma_start3A_654 : memref<16xf32, #tpu.memory_space<hbm>>) target(%dma_start3A_651 : memref<16xf32, #tpu.memory_space<vmem>>) target_semaphore(%arg16 : memref<!tpu.dma_semaphore, #tpu.memory_space<semaphore_mem>>)
      %shift_right_arithmetic3A_655 = arith.constant 3 : i32
      %shift_right_arithmetic3A_656 = arith.shrsi %squeeze3A_620, %shift_right_arithmetic3A_655 : i32
      %and3A_657 = arith.constant 7 : i32
      %and3A_658 = arith.andi %squeeze3A_620, %and3A_657 : i32
      %dma_start3A_659 = arith.constant 80 : i32
      %dma_start3A_660 = tpu.memref_slice %arg15[%add3A_614, %dma_start3A_659] : memref<512x128xf32, #tpu.memory_space<vmem>> -> memref<1x32xf32, #tpu.memory_space<vmem>>
      %dma_start3A_661 = tpu.memref_squeeze %dma_start3A_660 : memref<1x32xf32, #tpu.memory_space<vmem>> -> memref<32xf32, #tpu.memory_space<vmem>>
      %dma_start3A_662 = arith.constant 0 : i32
      %dma_start3A_663 = tpu.memref_slice %arg8[%shift_right_arithmetic3A_656, %and3A_658, %dma_start3A_662] : memref<12500x8x32xf32, #tpu.memory_space<hbm>> -> memref<1x1x32xf32, #tpu.memory_space<hbm>>
      %dma_start3A_664 = tpu.memref_squeeze %dma_start3A_663 : memref<1x1x32xf32, #tpu.memory_space<hbm>> -> memref<32xf32, #tpu.memory_space<hbm>>
      %dma_start3A_665 = arith.constant 80 : i32
      %dma_start3A_666 = tpu.memref_slice %arg15[%add3A_614, %dma_start3A_665] : memref<512x128xf32, #tpu.memory_space<vmem>> -> memref<1x32xf32, #tpu.memory_space<vmem>>
      %dma_start3A_667 = tpu.memref_squeeze %dma_start3A_666 : memref<1x32xf32, #tpu.memory_space<vmem>> -> memref<32xf32, #tpu.memory_space<vmem>>
      %dma_start3A_668 = arith.constant 0 : i32
      %dma_start3A_669 = tpu.memref_slice %arg8[%shift_right_arithmetic3A_656, %and3A_658, %dma_start3A_668] : memref<12500x8x32xf32, #tpu.memory_space<hbm>> -> memref<1x1x32xf32, #tpu.memory_space<hbm>>
      %dma_start3A_670 = tpu.memref_squeeze %dma_start3A_669 : memref<1x1x32xf32, #tpu.memory_space<hbm>> -> memref<32xf32, #tpu.memory_space<hbm>>
      tpu.enqueue_dma source(%dma_start3A_670 : memref<32xf32, #tpu.memory_space<hbm>>) target(%dma_start3A_667 : memref<32xf32, #tpu.memory_space<vmem>>) target_semaphore(%arg16 : memref<!tpu.dma_semaphore, #tpu.memory_space<semaphore_mem>>)
      %shift_right_arithmetic3A_671 = arith.constant 3 : i32
      %shift_right_arithmetic3A_672 = arith.shrsi %squeeze3A_622, %shift_right_arithmetic3A_671 : i32
      %and3A_673 = arith.constant 7 : i32
      %and3A_674 = arith.andi %squeeze3A_622, %and3A_673 : i32
      %dma_start3A_675 = arith.constant 112 : i32
      %dma_start3A_676 = tpu.memref_slice %arg15[%add3A_614, %dma_start3A_675] : memref<512x128xf32, #tpu.memory_space<vmem>> -> memref<1x16xf32, #tpu.memory_space<vmem>>
      %dma_start3A_677 = tpu.memref_squeeze %dma_start3A_676 : memref<1x16xf32, #tpu.memory_space<vmem>> -> memref<16xf32, #tpu.memory_space<vmem>>
      %dma_start3A_678 = arith.constant 0 : i32
      %dma_start3A_679 = tpu.memref_slice %arg9[%shift_right_arithmetic3A_672, %and3A_674, %dma_start3A_678] : memref<125x8x16xf32, #tpu.memory_space<hbm>> -> memref<1x1x16xf32, #tpu.memory_space<hbm>>
      %dma_start3A_680 = tpu.memref_squeeze %dma_start3A_679 : memref<1x1x16xf32, #tpu.memory_space<hbm>> -> memref<16xf32, #tpu.memory_space<hbm>>
      %dma_start3A_681 = arith.constant 112 : i32
      %dma_start3A_682 = tpu.memref_slice %arg15[%add3A_614, %dma_start3A_681] : memref<512x128xf32, #tpu.memory_space<vmem>> -> memref<1x16xf32, #tpu.memory_space<vmem>>
      %dma_start3A_683 = tpu.memref_squeeze %dma_start3A_682 : memref<1x16xf32, #tpu.memory_space<vmem>> -> memref<16xf32, #tpu.memory_space<vmem>>
      %dma_start3A_684 = arith.constant 0 : i32
      %dma_start3A_685 = tpu.memref_slice %arg9[%shift_right_arithmetic3A_672, %and3A_674, %dma_start3A_684] : memref<125x8x16xf32, #tpu.memory_space<hbm>> -> memref<1x1x16xf32, #tpu.memory_space<hbm>>
      %dma_start3A_686 = tpu.memref_squeeze %dma_start3A_685 : memref<1x1x16xf32, #tpu.memory_space<hbm>> -> memref<16xf32, #tpu.memory_space<hbm>>
      tpu.enqueue_dma source(%dma_start3A_686 : memref<16xf32, #tpu.memory_space<hbm>>) target(%dma_start3A_683 : memref<16xf32, #tpu.memory_space<vmem>>) target_semaphore(%arg16 : memref<!tpu.dma_semaphore, #tpu.memory_space<semaphore_mem>>)
      %add3A_687 = arith.constant 9 : i32
      %add3A_688 = arith.addi %mul3A_18, %add3A_687 : i32
      %slice3A_689 = vector.extract_strided_slice %get3A_19 {offsets = [9], sizes = [1], strides = [1]} : vector<16xi32> to vector<1xi32>
      %squeeze3A_690 = vector.extract %slice3A_689[0] : i32 from vector<1xi32>
      %slice3A_691 = vector.extract_strided_slice %get3A_21 {offsets = [9], sizes = [1], strides = [1]} : vector<16xi32> to vector<1xi32>
      %squeeze3A_692 = vector.extract %slice3A_691[0] : i32 from vector<1xi32>
      %slice3A_693 = vector.extract_strided_slice %get3A_23 {offsets = [9], sizes = [1], strides = [1]} : vector<16xi32> to vector<1xi32>
      %squeeze3A_694 = vector.extract %slice3A_693[0] : i32 from vector<1xi32>
      %slice3A_695 = vector.extract_strided_slice %get3A_25 {offsets = [9], sizes = [1], strides = [1]} : vector<16xi32> to vector<1xi32>
      %squeeze3A_696 = vector.extract %slice3A_695[0] : i32 from vector<1xi32>
      %shift_right_arithmetic3A_697 = arith.constant 3 : i32
      %shift_right_arithmetic3A_698 = arith.shrsi %squeeze3A_690, %shift_right_arithmetic3A_697 : i32
      %and3A_699 = arith.constant 7 : i32
      %and3A_700 = arith.andi %squeeze3A_690, %and3A_699 : i32
      %dma_start3A_701 = arith.constant 0 : i32
      %dma_start3A_702 = tpu.memref_slice %arg15[%add3A_688, %dma_start3A_701] : memref<512x128xf32, #tpu.memory_space<vmem>> -> memref<1x64xf32, #tpu.memory_space<vmem>>
      %dma_start3A_703 = tpu.memref_squeeze %dma_start3A_702 : memref<1x64xf32, #tpu.memory_space<vmem>> -> memref<64xf32, #tpu.memory_space<vmem>>
      %dma_start3A_704 = arith.constant 0 : i32
      %dma_start3A_705 = tpu.memref_slice %arg6[%shift_right_arithmetic3A_698, %and3A_700, %dma_start3A_704] : memref<125000x8x64xf32, #tpu.memory_space<hbm>> -> memref<1x1x64xf32, #tpu.memory_space<hbm>>
      %dma_start3A_706 = tpu.memref_squeeze %dma_start3A_705 : memref<1x1x64xf32, #tpu.memory_space<hbm>> -> memref<64xf32, #tpu.memory_space<hbm>>
      %dma_start3A_707 = arith.constant 0 : i32
      %dma_start3A_708 = tpu.memref_slice %arg15[%add3A_688, %dma_start3A_707] : memref<512x128xf32, #tpu.memory_space<vmem>> -> memref<1x64xf32, #tpu.memory_space<vmem>>
      %dma_start3A_709 = tpu.memref_squeeze %dma_start3A_708 : memref<1x64xf32, #tpu.memory_space<vmem>> -> memref<64xf32, #tpu.memory_space<vmem>>
      %dma_start3A_710 = arith.constant 0 : i32
      %dma_start3A_711 = tpu.memref_slice %arg6[%shift_right_arithmetic3A_698, %and3A_700, %dma_start3A_710] : memref<125000x8x64xf32, #tpu.memory_space<hbm>> -> memref<1x1x64xf32, #tpu.memory_space<hbm>>
      %dma_start3A_712 = tpu.memref_squeeze %dma_start3A_711 : memref<1x1x64xf32, #tpu.memory_space<hbm>> -> memref<64xf32, #tpu.memory_space<hbm>>
      tpu.enqueue_dma source(%dma_start3A_712 : memref<64xf32, #tpu.memory_space<hbm>>) target(%dma_start3A_709 : memref<64xf32, #tpu.memory_space<vmem>>) target_semaphore(%arg16 : memref<!tpu.dma_semaphore, #tpu.memory_space<semaphore_mem>>)
      %shift_right_arithmetic3A_713 = arith.constant 3 : i32
      %shift_right_arithmetic3A_714 = arith.shrsi %squeeze3A_692, %shift_right_arithmetic3A_713 : i32
      %and3A_715 = arith.constant 7 : i32
      %and3A_716 = arith.andi %squeeze3A_692, %and3A_715 : i32
      %dma_start3A_717 = arith.constant 64 : i32
      %dma_start3A_718 = tpu.memref_slice %arg15[%add3A_688, %dma_start3A_717] : memref<512x128xf32, #tpu.memory_space<vmem>> -> memref<1x16xf32, #tpu.memory_space<vmem>>
      %dma_start3A_719 = tpu.memref_squeeze %dma_start3A_718 : memref<1x16xf32, #tpu.memory_space<vmem>> -> memref<16xf32, #tpu.memory_space<vmem>>
      %dma_start3A_720 = arith.constant 0 : i32
      %dma_start3A_721 = tpu.memref_slice %arg7[%shift_right_arithmetic3A_714, %and3A_716, %dma_start3A_720] : memref<125x8x16xf32, #tpu.memory_space<hbm>> -> memref<1x1x16xf32, #tpu.memory_space<hbm>>
      %dma_start3A_722 = tpu.memref_squeeze %dma_start3A_721 : memref<1x1x16xf32, #tpu.memory_space<hbm>> -> memref<16xf32, #tpu.memory_space<hbm>>
      %dma_start3A_723 = arith.constant 64 : i32
      %dma_start3A_724 = tpu.memref_slice %arg15[%add3A_688, %dma_start3A_723] : memref<512x128xf32, #tpu.memory_space<vmem>> -> memref<1x16xf32, #tpu.memory_space<vmem>>
      %dma_start3A_725 = tpu.memref_squeeze %dma_start3A_724 : memref<1x16xf32, #tpu.memory_space<vmem>> -> memref<16xf32, #tpu.memory_space<vmem>>
      %dma_start3A_726 = arith.constant 0 : i32
      %dma_start3A_727 = tpu.memref_slice %arg7[%shift_right_arithmetic3A_714, %and3A_716, %dma_start3A_726] : memref<125x8x16xf32, #tpu.memory_space<hbm>> -> memref<1x1x16xf32, #tpu.memory_space<hbm>>
      %dma_start3A_728 = tpu.memref_squeeze %dma_start3A_727 : memref<1x1x16xf32, #tpu.memory_space<hbm>> -> memref<16xf32, #tpu.memory_space<hbm>>
      tpu.enqueue_dma source(%dma_start3A_728 : memref<16xf32, #tpu.memory_space<hbm>>) target(%dma_start3A_725 : memref<16xf32, #tpu.memory_space<vmem>>) target_semaphore(%arg16 : memref<!tpu.dma_semaphore, #tpu.memory_space<semaphore_mem>>)
      %shift_right_arithmetic3A_729 = arith.constant 3 : i32
      %shift_right_arithmetic3A_730 = arith.shrsi %squeeze3A_694, %shift_right_arithmetic3A_729 : i32
      %and3A_731 = arith.constant 7 : i32
      %and3A_732 = arith.andi %squeeze3A_694, %and3A_731 : i32
      %dma_start3A_733 = arith.constant 80 : i32
      %dma_start3A_734 = tpu.memref_slice %arg15[%add3A_688, %dma_start3A_733] : memref<512x128xf32, #tpu.memory_space<vmem>> -> memref<1x32xf32, #tpu.memory_space<vmem>>
      %dma_start3A_735 = tpu.memref_squeeze %dma_start3A_734 : memref<1x32xf32, #tpu.memory_space<vmem>> -> memref<32xf32, #tpu.memory_space<vmem>>
      %dma_start3A_736 = arith.constant 0 : i32
      %dma_start3A_737 = tpu.memref_slice %arg8[%shift_right_arithmetic3A_730, %and3A_732, %dma_start3A_736] : memref<12500x8x32xf32, #tpu.memory_space<hbm>> -> memref<1x1x32xf32, #tpu.memory_space<hbm>>
      %dma_start3A_738 = tpu.memref_squeeze %dma_start3A_737 : memref<1x1x32xf32, #tpu.memory_space<hbm>> -> memref<32xf32, #tpu.memory_space<hbm>>
      %dma_start3A_739 = arith.constant 80 : i32
      %dma_start3A_740 = tpu.memref_slice %arg15[%add3A_688, %dma_start3A_739] : memref<512x128xf32, #tpu.memory_space<vmem>> -> memref<1x32xf32, #tpu.memory_space<vmem>>
      %dma_start3A_741 = tpu.memref_squeeze %dma_start3A_740 : memref<1x32xf32, #tpu.memory_space<vmem>> -> memref<32xf32, #tpu.memory_space<vmem>>
      %dma_start3A_742 = arith.constant 0 : i32
      %dma_start3A_743 = tpu.memref_slice %arg8[%shift_right_arithmetic3A_730, %and3A_732, %dma_start3A_742] : memref<12500x8x32xf32, #tpu.memory_space<hbm>> -> memref<1x1x32xf32, #tpu.memory_space<hbm>>
      %dma_start3A_744 = tpu.memref_squeeze %dma_start3A_743 : memref<1x1x32xf32, #tpu.memory_space<hbm>> -> memref<32xf32, #tpu.memory_space<hbm>>
      tpu.enqueue_dma source(%dma_start3A_744 : memref<32xf32, #tpu.memory_space<hbm>>) target(%dma_start3A_741 : memref<32xf32, #tpu.memory_space<vmem>>) target_semaphore(%arg16 : memref<!tpu.dma_semaphore, #tpu.memory_space<semaphore_mem>>)
      %shift_right_arithmetic3A_745 = arith.constant 3 : i32
      %shift_right_arithmetic3A_746 = arith.shrsi %squeeze3A_696, %shift_right_arithmetic3A_745 : i32
      %and3A_747 = arith.constant 7 : i32
      %and3A_748 = arith.andi %squeeze3A_696, %and3A_747 : i32
      %dma_start3A_749 = arith.constant 112 : i32
      %dma_start3A_750 = tpu.memref_slice %arg15[%add3A_688, %dma_start3A_749] : memref<512x128xf32, #tpu.memory_space<vmem>> -> memref<1x16xf32, #tpu.memory_space<vmem>>
      %dma_start3A_751 = tpu.memref_squeeze %dma_start3A_750 : memref<1x16xf32, #tpu.memory_space<vmem>> -> memref<16xf32, #tpu.memory_space<vmem>>
      %dma_start3A_752 = arith.constant 0 : i32
      %dma_start3A_753 = tpu.memref_slice %arg9[%shift_right_arithmetic3A_746, %and3A_748, %dma_start3A_752] : memref<125x8x16xf32, #tpu.memory_space<hbm>> -> memref<1x1x16xf32, #tpu.memory_space<hbm>>
      %dma_start3A_754 = tpu.memref_squeeze %dma_start3A_753 : memref<1x1x16xf32, #tpu.memory_space<hbm>> -> memref<16xf32, #tpu.memory_space<hbm>>
      %dma_start3A_755 = arith.constant 112 : i32
      %dma_start3A_756 = tpu.memref_slice %arg15[%add3A_688, %dma_start3A_755] : memref<512x128xf32, #tpu.memory_space<vmem>> -> memref<1x16xf32, #tpu.memory_space<vmem>>
      %dma_start3A_757 = tpu.memref_squeeze %dma_start3A_756 : memref<1x16xf32, #tpu.memory_space<vmem>> -> memref<16xf32, #tpu.memory_space<vmem>>
      %dma_start3A_758 = arith.constant 0 : i32
      %dma_start3A_759 = tpu.memref_slice %arg9[%shift_right_arithmetic3A_746, %and3A_748, %dma_start3A_758] : memref<125x8x16xf32, #tpu.memory_space<hbm>> -> memref<1x1x16xf32, #tpu.memory_space<hbm>>
      %dma_start3A_760 = tpu.memref_squeeze %dma_start3A_759 : memref<1x1x16xf32, #tpu.memory_space<hbm>> -> memref<16xf32, #tpu.memory_space<hbm>>
      tpu.enqueue_dma source(%dma_start3A_760 : memref<16xf32, #tpu.memory_space<hbm>>) target(%dma_start3A_757 : memref<16xf32, #tpu.memory_space<vmem>>) target_semaphore(%arg16 : memref<!tpu.dma_semaphore, #tpu.memory_space<semaphore_mem>>)
      %add3A_761 = arith.constant 10 : i32
      %add3A_762 = arith.addi %mul3A_18, %add3A_761 : i32
      %slice3A_763 = vector.extract_strided_slice %get3A_19 {offsets = [10], sizes = [1], strides = [1]} : vector<16xi32> to vector<1xi32>
      %squeeze3A_764 = vector.extract %slice3A_763[0] : i32 from vector<1xi32>
      %slice3A_765 = vector.extract_strided_slice %get3A_21 {offsets = [10], sizes = [1], strides = [1]} : vector<16xi32> to vector<1xi32>
      %squeeze3A_766 = vector.extract %slice3A_765[0] : i32 from vector<1xi32>
      %slice3A_767 = vector.extract_strided_slice %get3A_23 {offsets = [10], sizes = [1], strides = [1]} : vector<16xi32> to vector<1xi32>
      %squeeze3A_768 = vector.extract %slice3A_767[0] : i32 from vector<1xi32>
      %slice3A_769 = vector.extract_strided_slice %get3A_25 {offsets = [10], sizes = [1], strides = [1]} : vector<16xi32> to vector<1xi32>
      %squeeze3A_770 = vector.extract %slice3A_769[0] : i32 from vector<1xi32>
      %shift_right_arithmetic3A_771 = arith.constant 3 : i32
      %shift_right_arithmetic3A_772 = arith.shrsi %squeeze3A_764, %shift_right_arithmetic3A_771 : i32
      %and3A_773 = arith.constant 7 : i32
      %and3A_774 = arith.andi %squeeze3A_764, %and3A_773 : i32
      %dma_start3A_775 = arith.constant 0 : i32
      %dma_start3A_776 = tpu.memref_slice %arg15[%add3A_762, %dma_start3A_775] : memref<512x128xf32, #tpu.memory_space<vmem>> -> memref<1x64xf32, #tpu.memory_space<vmem>>
      %dma_start3A_777 = tpu.memref_squeeze %dma_start3A_776 : memref<1x64xf32, #tpu.memory_space<vmem>> -> memref<64xf32, #tpu.memory_space<vmem>>
      %dma_start3A_778 = arith.constant 0 : i32
      %dma_start3A_779 = tpu.memref_slice %arg6[%shift_right_arithmetic3A_772, %and3A_774, %dma_start3A_778] : memref<125000x8x64xf32, #tpu.memory_space<hbm>> -> memref<1x1x64xf32, #tpu.memory_space<hbm>>
      %dma_start3A_780 = tpu.memref_squeeze %dma_start3A_779 : memref<1x1x64xf32, #tpu.memory_space<hbm>> -> memref<64xf32, #tpu.memory_space<hbm>>
      %dma_start3A_781 = arith.constant 0 : i32
      %dma_start3A_782 = tpu.memref_slice %arg15[%add3A_762, %dma_start3A_781] : memref<512x128xf32, #tpu.memory_space<vmem>> -> memref<1x64xf32, #tpu.memory_space<vmem>>
      %dma_start3A_783 = tpu.memref_squeeze %dma_start3A_782 : memref<1x64xf32, #tpu.memory_space<vmem>> -> memref<64xf32, #tpu.memory_space<vmem>>
      %dma_start3A_784 = arith.constant 0 : i32
      %dma_start3A_785 = tpu.memref_slice %arg6[%shift_right_arithmetic3A_772, %and3A_774, %dma_start3A_784] : memref<125000x8x64xf32, #tpu.memory_space<hbm>> -> memref<1x1x64xf32, #tpu.memory_space<hbm>>
      %dma_start3A_786 = tpu.memref_squeeze %dma_start3A_785 : memref<1x1x64xf32, #tpu.memory_space<hbm>> -> memref<64xf32, #tpu.memory_space<hbm>>
      tpu.enqueue_dma source(%dma_start3A_786 : memref<64xf32, #tpu.memory_space<hbm>>) target(%dma_start3A_783 : memref<64xf32, #tpu.memory_space<vmem>>) target_semaphore(%arg16 : memref<!tpu.dma_semaphore, #tpu.memory_space<semaphore_mem>>)
      %shift_right_arithmetic3A_787 = arith.constant 3 : i32
      %shift_right_arithmetic3A_788 = arith.shrsi %squeeze3A_766, %shift_right_arithmetic3A_787 : i32
      %and3A_789 = arith.constant 7 : i32
      %and3A_790 = arith.andi %squeeze3A_766, %and3A_789 : i32
      %dma_start3A_791 = arith.constant 64 : i32
      %dma_start3A_792 = tpu.memref_slice %arg15[%add3A_762, %dma_start3A_791] : memref<512x128xf32, #tpu.memory_space<vmem>> -> memref<1x16xf32, #tpu.memory_space<vmem>>
      %dma_start3A_793 = tpu.memref_squeeze %dma_start3A_792 : memref<1x16xf32, #tpu.memory_space<vmem>> -> memref<16xf32, #tpu.memory_space<vmem>>
      %dma_start3A_794 = arith.constant 0 : i32
      %dma_start3A_795 = tpu.memref_slice %arg7[%shift_right_arithmetic3A_788, %and3A_790, %dma_start3A_794] : memref<125x8x16xf32, #tpu.memory_space<hbm>> -> memref<1x1x16xf32, #tpu.memory_space<hbm>>
      %dma_start3A_796 = tpu.memref_squeeze %dma_start3A_795 : memref<1x1x16xf32, #tpu.memory_space<hbm>> -> memref<16xf32, #tpu.memory_space<hbm>>
      %dma_start3A_797 = arith.constant 64 : i32
      %dma_start3A_798 = tpu.memref_slice %arg15[%add3A_762, %dma_start3A_797] : memref<512x128xf32, #tpu.memory_space<vmem>> -> memref<1x16xf32, #tpu.memory_space<vmem>>
      %dma_start3A_799 = tpu.memref_squeeze %dma_start3A_798 : memref<1x16xf32, #tpu.memory_space<vmem>> -> memref<16xf32, #tpu.memory_space<vmem>>
      %dma_start3A_800 = arith.constant 0 : i32
      %dma_start3A_801 = tpu.memref_slice %arg7[%shift_right_arithmetic3A_788, %and3A_790, %dma_start3A_800] : memref<125x8x16xf32, #tpu.memory_space<hbm>> -> memref<1x1x16xf32, #tpu.memory_space<hbm>>
      %dma_start3A_802 = tpu.memref_squeeze %dma_start3A_801 : memref<1x1x16xf32, #tpu.memory_space<hbm>> -> memref<16xf32, #tpu.memory_space<hbm>>
      tpu.enqueue_dma source(%dma_start3A_802 : memref<16xf32, #tpu.memory_space<hbm>>) target(%dma_start3A_799 : memref<16xf32, #tpu.memory_space<vmem>>) target_semaphore(%arg16 : memref<!tpu.dma_semaphore, #tpu.memory_space<semaphore_mem>>)
      %shift_right_arithmetic3A_803 = arith.constant 3 : i32
      %shift_right_arithmetic3A_804 = arith.shrsi %squeeze3A_768, %shift_right_arithmetic3A_803 : i32
      %and3A_805 = arith.constant 7 : i32
      %and3A_806 = arith.andi %squeeze3A_768, %and3A_805 : i32
      %dma_start3A_807 = arith.constant 80 : i32
      %dma_start3A_808 = tpu.memref_slice %arg15[%add3A_762, %dma_start3A_807] : memref<512x128xf32, #tpu.memory_space<vmem>> -> memref<1x32xf32, #tpu.memory_space<vmem>>
      %dma_start3A_809 = tpu.memref_squeeze %dma_start3A_808 : memref<1x32xf32, #tpu.memory_space<vmem>> -> memref<32xf32, #tpu.memory_space<vmem>>
      %dma_start3A_810 = arith.constant 0 : i32
      %dma_start3A_811 = tpu.memref_slice %arg8[%shift_right_arithmetic3A_804, %and3A_806, %dma_start3A_810] : memref<12500x8x32xf32, #tpu.memory_space<hbm>> -> memref<1x1x32xf32, #tpu.memory_space<hbm>>
      %dma_start3A_812 = tpu.memref_squeeze %dma_start3A_811 : memref<1x1x32xf32, #tpu.memory_space<hbm>> -> memref<32xf32, #tpu.memory_space<hbm>>
      %dma_start3A_813 = arith.constant 80 : i32
      %dma_start3A_814 = tpu.memref_slice %arg15[%add3A_762, %dma_start3A_813] : memref<512x128xf32, #tpu.memory_space<vmem>> -> memref<1x32xf32, #tpu.memory_space<vmem>>
      %dma_start3A_815 = tpu.memref_squeeze %dma_start3A_814 : memref<1x32xf32, #tpu.memory_space<vmem>> -> memref<32xf32, #tpu.memory_space<vmem>>
      %dma_start3A_816 = arith.constant 0 : i32
      %dma_start3A_817 = tpu.memref_slice %arg8[%shift_right_arithmetic3A_804, %and3A_806, %dma_start3A_816] : memref<12500x8x32xf32, #tpu.memory_space<hbm>> -> memref<1x1x32xf32, #tpu.memory_space<hbm>>
      %dma_start3A_818 = tpu.memref_squeeze %dma_start3A_817 : memref<1x1x32xf32, #tpu.memory_space<hbm>> -> memref<32xf32, #tpu.memory_space<hbm>>
      tpu.enqueue_dma source(%dma_start3A_818 : memref<32xf32, #tpu.memory_space<hbm>>) target(%dma_start3A_815 : memref<32xf32, #tpu.memory_space<vmem>>) target_semaphore(%arg16 : memref<!tpu.dma_semaphore, #tpu.memory_space<semaphore_mem>>)
      %shift_right_arithmetic3A_819 = arith.constant 3 : i32
      %shift_right_arithmetic3A_820 = arith.shrsi %squeeze3A_770, %shift_right_arithmetic3A_819 : i32
      %and3A_821 = arith.constant 7 : i32
      %and3A_822 = arith.andi %squeeze3A_770, %and3A_821 : i32
      %dma_start3A_823 = arith.constant 112 : i32
      %dma_start3A_824 = tpu.memref_slice %arg15[%add3A_762, %dma_start3A_823] : memref<512x128xf32, #tpu.memory_space<vmem>> -> memref<1x16xf32, #tpu.memory_space<vmem>>
      %dma_start3A_825 = tpu.memref_squeeze %dma_start3A_824 : memref<1x16xf32, #tpu.memory_space<vmem>> -> memref<16xf32, #tpu.memory_space<vmem>>
      %dma_start3A_826 = arith.constant 0 : i32
      %dma_start3A_827 = tpu.memref_slice %arg9[%shift_right_arithmetic3A_820, %and3A_822, %dma_start3A_826] : memref<125x8x16xf32, #tpu.memory_space<hbm>> -> memref<1x1x16xf32, #tpu.memory_space<hbm>>
      %dma_start3A_828 = tpu.memref_squeeze %dma_start3A_827 : memref<1x1x16xf32, #tpu.memory_space<hbm>> -> memref<16xf32, #tpu.memory_space<hbm>>
      %dma_start3A_829 = arith.constant 112 : i32
      %dma_start3A_830 = tpu.memref_slice %arg15[%add3A_762, %dma_start3A_829] : memref<512x128xf32, #tpu.memory_space<vmem>> -> memref<1x16xf32, #tpu.memory_space<vmem>>
      %dma_start3A_831 = tpu.memref_squeeze %dma_start3A_830 : memref<1x16xf32, #tpu.memory_space<vmem>> -> memref<16xf32, #tpu.memory_space<vmem>>
      %dma_start3A_832 = arith.constant 0 : i32
      %dma_start3A_833 = tpu.memref_slice %arg9[%shift_right_arithmetic3A_820, %and3A_822, %dma_start3A_832] : memref<125x8x16xf32, #tpu.memory_space<hbm>> -> memref<1x1x16xf32, #tpu.memory_space<hbm>>
      %dma_start3A_834 = tpu.memref_squeeze %dma_start3A_833 : memref<1x1x16xf32, #tpu.memory_space<hbm>> -> memref<16xf32, #tpu.memory_space<hbm>>
      tpu.enqueue_dma source(%dma_start3A_834 : memref<16xf32, #tpu.memory_space<hbm>>) target(%dma_start3A_831 : memref<16xf32, #tpu.memory_space<vmem>>) target_semaphore(%arg16 : memref<!tpu.dma_semaphore, #tpu.memory_space<semaphore_mem>>)
      %add3A_835 = arith.constant 11 : i32
      %add3A_836 = arith.addi %mul3A_18, %add3A_835 : i32
      %slice3A_837 = vector.extract_strided_slice %get3A_19 {offsets = [11], sizes = [1], strides = [1]} : vector<16xi32> to vector<1xi32>
      %squeeze3A_838 = vector.extract %slice3A_837[0] : i32 from vector<1xi32>
      %slice3A_839 = vector.extract_strided_slice %get3A_21 {offsets = [11], sizes = [1], strides = [1]} : vector<16xi32> to vector<1xi32>
      %squeeze3A_840 = vector.extract %slice3A_839[0] : i32 from vector<1xi32>
      %slice3A_841 = vector.extract_strided_slice %get3A_23 {offsets = [11], sizes = [1], strides = [1]} : vector<16xi32> to vector<1xi32>
      %squeeze3A_842 = vector.extract %slice3A_841[0] : i32 from vector<1xi32>
      %slice3A_843 = vector.extract_strided_slice %get3A_25 {offsets = [11], sizes = [1], strides = [1]} : vector<16xi32> to vector<1xi32>
      %squeeze3A_844 = vector.extract %slice3A_843[0] : i32 from vector<1xi32>
      %shift_right_arithmetic3A_845 = arith.constant 3 : i32
      %shift_right_arithmetic3A_846 = arith.shrsi %squeeze3A_838, %shift_right_arithmetic3A_845 : i32
      %and3A_847 = arith.constant 7 : i32
      %and3A_848 = arith.andi %squeeze3A_838, %and3A_847 : i32
      %dma_start3A_849 = arith.constant 0 : i32
      %dma_start3A_850 = tpu.memref_slice %arg15[%add3A_836, %dma_start3A_849] : memref<512x128xf32, #tpu.memory_space<vmem>> -> memref<1x64xf32, #tpu.memory_space<vmem>>
      %dma_start3A_851 = tpu.memref_squeeze %dma_start3A_850 : memref<1x64xf32, #tpu.memory_space<vmem>> -> memref<64xf32, #tpu.memory_space<vmem>>
      %dma_start3A_852 = arith.constant 0 : i32
      %dma_start3A_853 = tpu.memref_slice %arg6[%shift_right_arithmetic3A_846, %and3A_848, %dma_start3A_852] : memref<125000x8x64xf32, #tpu.memory_space<hbm>> -> memref<1x1x64xf32, #tpu.memory_space<hbm>>
      %dma_start3A_854 = tpu.memref_squeeze %dma_start3A_853 : memref<1x1x64xf32, #tpu.memory_space<hbm>> -> memref<64xf32, #tpu.memory_space<hbm>>
      %dma_start3A_855 = arith.constant 0 : i32
      %dma_start3A_856 = tpu.memref_slice %arg15[%add3A_836, %dma_start3A_855] : memref<512x128xf32, #tpu.memory_space<vmem>> -> memref<1x64xf32, #tpu.memory_space<vmem>>
      %dma_start3A_857 = tpu.memref_squeeze %dma_start3A_856 : memref<1x64xf32, #tpu.memory_space<vmem>> -> memref<64xf32, #tpu.memory_space<vmem>>
      %dma_start3A_858 = arith.constant 0 : i32
      %dma_start3A_859 = tpu.memref_slice %arg6[%shift_right_arithmetic3A_846, %and3A_848, %dma_start3A_858] : memref<125000x8x64xf32, #tpu.memory_space<hbm>> -> memref<1x1x64xf32, #tpu.memory_space<hbm>>
      %dma_start3A_860 = tpu.memref_squeeze %dma_start3A_859 : memref<1x1x64xf32, #tpu.memory_space<hbm>> -> memref<64xf32, #tpu.memory_space<hbm>>
      tpu.enqueue_dma source(%dma_start3A_860 : memref<64xf32, #tpu.memory_space<hbm>>) target(%dma_start3A_857 : memref<64xf32, #tpu.memory_space<vmem>>) target_semaphore(%arg16 : memref<!tpu.dma_semaphore, #tpu.memory_space<semaphore_mem>>)
      %shift_right_arithmetic3A_861 = arith.constant 3 : i32
      %shift_right_arithmetic3A_862 = arith.shrsi %squeeze3A_840, %shift_right_arithmetic3A_861 : i32
      %and3A_863 = arith.constant 7 : i32
      %and3A_864 = arith.andi %squeeze3A_840, %and3A_863 : i32
      %dma_start3A_865 = arith.constant 64 : i32
      %dma_start3A_866 = tpu.memref_slice %arg15[%add3A_836, %dma_start3A_865] : memref<512x128xf32, #tpu.memory_space<vmem>> -> memref<1x16xf32, #tpu.memory_space<vmem>>
      %dma_start3A_867 = tpu.memref_squeeze %dma_start3A_866 : memref<1x16xf32, #tpu.memory_space<vmem>> -> memref<16xf32, #tpu.memory_space<vmem>>
      %dma_start3A_868 = arith.constant 0 : i32
      %dma_start3A_869 = tpu.memref_slice %arg7[%shift_right_arithmetic3A_862, %and3A_864, %dma_start3A_868] : memref<125x8x16xf32, #tpu.memory_space<hbm>> -> memref<1x1x16xf32, #tpu.memory_space<hbm>>
      %dma_start3A_870 = tpu.memref_squeeze %dma_start3A_869 : memref<1x1x16xf32, #tpu.memory_space<hbm>> -> memref<16xf32, #tpu.memory_space<hbm>>
      %dma_start3A_871 = arith.constant 64 : i32
      %dma_start3A_872 = tpu.memref_slice %arg15[%add3A_836, %dma_start3A_871] : memref<512x128xf32, #tpu.memory_space<vmem>> -> memref<1x16xf32, #tpu.memory_space<vmem>>
      %dma_start3A_873 = tpu.memref_squeeze %dma_start3A_872 : memref<1x16xf32, #tpu.memory_space<vmem>> -> memref<16xf32, #tpu.memory_space<vmem>>
      %dma_start3A_874 = arith.constant 0 : i32
      %dma_start3A_875 = tpu.memref_slice %arg7[%shift_right_arithmetic3A_862, %and3A_864, %dma_start3A_874] : memref<125x8x16xf32, #tpu.memory_space<hbm>> -> memref<1x1x16xf32, #tpu.memory_space<hbm>>
      %dma_start3A_876 = tpu.memref_squeeze %dma_start3A_875 : memref<1x1x16xf32, #tpu.memory_space<hbm>> -> memref<16xf32, #tpu.memory_space<hbm>>
      tpu.enqueue_dma source(%dma_start3A_876 : memref<16xf32, #tpu.memory_space<hbm>>) target(%dma_start3A_873 : memref<16xf32, #tpu.memory_space<vmem>>) target_semaphore(%arg16 : memref<!tpu.dma_semaphore, #tpu.memory_space<semaphore_mem>>)
      %shift_right_arithmetic3A_877 = arith.constant 3 : i32
      %shift_right_arithmetic3A_878 = arith.shrsi %squeeze3A_842, %shift_right_arithmetic3A_877 : i32
      %and3A_879 = arith.constant 7 : i32
      %and3A_880 = arith.andi %squeeze3A_842, %and3A_879 : i32
      %dma_start3A_881 = arith.constant 80 : i32
      %dma_start3A_882 = tpu.memref_slice %arg15[%add3A_836, %dma_start3A_881] : memref<512x128xf32, #tpu.memory_space<vmem>> -> memref<1x32xf32, #tpu.memory_space<vmem>>
      %dma_start3A_883 = tpu.memref_squeeze %dma_start3A_882 : memref<1x32xf32, #tpu.memory_space<vmem>> -> memref<32xf32, #tpu.memory_space<vmem>>
      %dma_start3A_884 = arith.constant 0 : i32
      %dma_start3A_885 = tpu.memref_slice %arg8[%shift_right_arithmetic3A_878, %and3A_880, %dma_start3A_884] : memref<12500x8x32xf32, #tpu.memory_space<hbm>> -> memref<1x1x32xf32, #tpu.memory_space<hbm>>
      %dma_start3A_886 = tpu.memref_squeeze %dma_start3A_885 : memref<1x1x32xf32, #tpu.memory_space<hbm>> -> memref<32xf32, #tpu.memory_space<hbm>>
      %dma_start3A_887 = arith.constant 80 : i32
      %dma_start3A_888 = tpu.memref_slice %arg15[%add3A_836, %dma_start3A_887] : memref<512x128xf32, #tpu.memory_space<vmem>> -> memref<1x32xf32, #tpu.memory_space<vmem>>
      %dma_start3A_889 = tpu.memref_squeeze %dma_start3A_888 : memref<1x32xf32, #tpu.memory_space<vmem>> -> memref<32xf32, #tpu.memory_space<vmem>>
      %dma_start3A_890 = arith.constant 0 : i32
      %dma_start3A_891 = tpu.memref_slice %arg8[%shift_right_arithmetic3A_878, %and3A_880, %dma_start3A_890] : memref<12500x8x32xf32, #tpu.memory_space<hbm>> -> memref<1x1x32xf32, #tpu.memory_space<hbm>>
      %dma_start3A_892 = tpu.memref_squeeze %dma_start3A_891 : memref<1x1x32xf32, #tpu.memory_space<hbm>> -> memref<32xf32, #tpu.memory_space<hbm>>
      tpu.enqueue_dma source(%dma_start3A_892 : memref<32xf32, #tpu.memory_space<hbm>>) target(%dma_start3A_889 : memref<32xf32, #tpu.memory_space<vmem>>) target_semaphore(%arg16 : memref<!tpu.dma_semaphore, #tpu.memory_space<semaphore_mem>>)
      %shift_right_arithmetic3A_893 = arith.constant 3 : i32
      %shift_right_arithmetic3A_894 = arith.shrsi %squeeze3A_844, %shift_right_arithmetic3A_893 : i32
      %and3A_895 = arith.constant 7 : i32
      %and3A_896 = arith.andi %squeeze3A_844, %and3A_895 : i32
      %dma_start3A_897 = arith.constant 112 : i32
      %dma_start3A_898 = tpu.memref_slice %arg15[%add3A_836, %dma_start3A_897] : memref<512x128xf32, #tpu.memory_space<vmem>> -> memref<1x16xf32, #tpu.memory_space<vmem>>
      %dma_start3A_899 = tpu.memref_squeeze %dma_start3A_898 : memref<1x16xf32, #tpu.memory_space<vmem>> -> memref<16xf32, #tpu.memory_space<vmem>>
      %dma_start3A_900 = arith.constant 0 : i32
      %dma_start3A_901 = tpu.memref_slice %arg9[%shift_right_arithmetic3A_894, %and3A_896, %dma_start3A_900] : memref<125x8x16xf32, #tpu.memory_space<hbm>> -> memref<1x1x16xf32, #tpu.memory_space<hbm>>
      %dma_start3A_902 = tpu.memref_squeeze %dma_start3A_901 : memref<1x1x16xf32, #tpu.memory_space<hbm>> -> memref<16xf32, #tpu.memory_space<hbm>>
      %dma_start3A_903 = arith.constant 112 : i32
      %dma_start3A_904 = tpu.memref_slice %arg15[%add3A_836, %dma_start3A_903] : memref<512x128xf32, #tpu.memory_space<vmem>> -> memref<1x16xf32, #tpu.memory_space<vmem>>
      %dma_start3A_905 = tpu.memref_squeeze %dma_start3A_904 : memref<1x16xf32, #tpu.memory_space<vmem>> -> memref<16xf32, #tpu.memory_space<vmem>>
      %dma_start3A_906 = arith.constant 0 : i32
      %dma_start3A_907 = tpu.memref_slice %arg9[%shift_right_arithmetic3A_894, %and3A_896, %dma_start3A_906] : memref<125x8x16xf32, #tpu.memory_space<hbm>> -> memref<1x1x16xf32, #tpu.memory_space<hbm>>
      %dma_start3A_908 = tpu.memref_squeeze %dma_start3A_907 : memref<1x1x16xf32, #tpu.memory_space<hbm>> -> memref<16xf32, #tpu.memory_space<hbm>>
      tpu.enqueue_dma source(%dma_start3A_908 : memref<16xf32, #tpu.memory_space<hbm>>) target(%dma_start3A_905 : memref<16xf32, #tpu.memory_space<vmem>>) target_semaphore(%arg16 : memref<!tpu.dma_semaphore, #tpu.memory_space<semaphore_mem>>)
      %add3A_909 = arith.constant 12 : i32
      %add3A_910 = arith.addi %mul3A_18, %add3A_909 : i32
      %slice3A_911 = vector.extract_strided_slice %get3A_19 {offsets = [12], sizes = [1], strides = [1]} : vector<16xi32> to vector<1xi32>
      %squeeze3A_912 = vector.extract %slice3A_911[0] : i32 from vector<1xi32>
      %slice3A_913 = vector.extract_strided_slice %get3A_21 {offsets = [12], sizes = [1], strides = [1]} : vector<16xi32> to vector<1xi32>
      %squeeze3A_914 = vector.extract %slice3A_913[0] : i32 from vector<1xi32>
      %slice3A_915 = vector.extract_strided_slice %get3A_23 {offsets = [12], sizes = [1], strides = [1]} : vector<16xi32> to vector<1xi32>
      %squeeze3A_916 = vector.extract %slice3A_915[0] : i32 from vector<1xi32>
      %slice3A_917 = vector.extract_strided_slice %get3A_25 {offsets = [12], sizes = [1], strides = [1]} : vector<16xi32> to vector<1xi32>
      %squeeze3A_918 = vector.extract %slice3A_917[0] : i32 from vector<1xi32>
      %shift_right_arithmetic3A_919 = arith.constant 3 : i32
      %shift_right_arithmetic3A_920 = arith.shrsi %squeeze3A_912, %shift_right_arithmetic3A_919 : i32
      %and3A_921 = arith.constant 7 : i32
      %and3A_922 = arith.andi %squeeze3A_912, %and3A_921 : i32
      %dma_start3A_923 = arith.constant 0 : i32
      %dma_start3A_924 = tpu.memref_slice %arg15[%add3A_910, %dma_start3A_923] : memref<512x128xf32, #tpu.memory_space<vmem>> -> memref<1x64xf32, #tpu.memory_space<vmem>>
      %dma_start3A_925 = tpu.memref_squeeze %dma_start3A_924 : memref<1x64xf32, #tpu.memory_space<vmem>> -> memref<64xf32, #tpu.memory_space<vmem>>
      %dma_start3A_926 = arith.constant 0 : i32
      %dma_start3A_927 = tpu.memref_slice %arg6[%shift_right_arithmetic3A_920, %and3A_922, %dma_start3A_926] : memref<125000x8x64xf32, #tpu.memory_space<hbm>> -> memref<1x1x64xf32, #tpu.memory_space<hbm>>
      %dma_start3A_928 = tpu.memref_squeeze %dma_start3A_927 : memref<1x1x64xf32, #tpu.memory_space<hbm>> -> memref<64xf32, #tpu.memory_space<hbm>>
      %dma_start3A_929 = arith.constant 0 : i32
      %dma_start3A_930 = tpu.memref_slice %arg15[%add3A_910, %dma_start3A_929] : memref<512x128xf32, #tpu.memory_space<vmem>> -> memref<1x64xf32, #tpu.memory_space<vmem>>
      %dma_start3A_931 = tpu.memref_squeeze %dma_start3A_930 : memref<1x64xf32, #tpu.memory_space<vmem>> -> memref<64xf32, #tpu.memory_space<vmem>>
      %dma_start3A_932 = arith.constant 0 : i32
      %dma_start3A_933 = tpu.memref_slice %arg6[%shift_right_arithmetic3A_920, %and3A_922, %dma_start3A_932] : memref<125000x8x64xf32, #tpu.memory_space<hbm>> -> memref<1x1x64xf32, #tpu.memory_space<hbm>>
      %dma_start3A_934 = tpu.memref_squeeze %dma_start3A_933 : memref<1x1x64xf32, #tpu.memory_space<hbm>> -> memref<64xf32, #tpu.memory_space<hbm>>
      tpu.enqueue_dma source(%dma_start3A_934 : memref<64xf32, #tpu.memory_space<hbm>>) target(%dma_start3A_931 : memref<64xf32, #tpu.memory_space<vmem>>) target_semaphore(%arg16 : memref<!tpu.dma_semaphore, #tpu.memory_space<semaphore_mem>>)
      %shift_right_arithmetic3A_935 = arith.constant 3 : i32
      %shift_right_arithmetic3A_936 = arith.shrsi %squeeze3A_914, %shift_right_arithmetic3A_935 : i32
      %and3A_937 = arith.constant 7 : i32
      %and3A_938 = arith.andi %squeeze3A_914, %and3A_937 : i32
      %dma_start3A_939 = arith.constant 64 : i32
      %dma_start3A_940 = tpu.memref_slice %arg15[%add3A_910, %dma_start3A_939] : memref<512x128xf32, #tpu.memory_space<vmem>> -> memref<1x16xf32, #tpu.memory_space<vmem>>
      %dma_start3A_941 = tpu.memref_squeeze %dma_start3A_940 : memref<1x16xf32, #tpu.memory_space<vmem>> -> memref<16xf32, #tpu.memory_space<vmem>>
      %dma_start3A_942 = arith.constant 0 : i32
      %dma_start3A_943 = tpu.memref_slice %arg7[%shift_right_arithmetic3A_936, %and3A_938, %dma_start3A_942] : memref<125x8x16xf32, #tpu.memory_space<hbm>> -> memref<1x1x16xf32, #tpu.memory_space<hbm>>
      %dma_start3A_944 = tpu.memref_squeeze %dma_start3A_943 : memref<1x1x16xf32, #tpu.memory_space<hbm>> -> memref<16xf32, #tpu.memory_space<hbm>>
      %dma_start3A_945 = arith.constant 64 : i32
      %dma_start3A_946 = tpu.memref_slice %arg15[%add3A_910, %dma_start3A_945] : memref<512x128xf32, #tpu.memory_space<vmem>> -> memref<1x16xf32, #tpu.memory_space<vmem>>
      %dma_start3A_947 = tpu.memref_squeeze %dma_start3A_946 : memref<1x16xf32, #tpu.memory_space<vmem>> -> memref<16xf32, #tpu.memory_space<vmem>>
      %dma_start3A_948 = arith.constant 0 : i32
      %dma_start3A_949 = tpu.memref_slice %arg7[%shift_right_arithmetic3A_936, %and3A_938, %dma_start3A_948] : memref<125x8x16xf32, #tpu.memory_space<hbm>> -> memref<1x1x16xf32, #tpu.memory_space<hbm>>
      %dma_start3A_950 = tpu.memref_squeeze %dma_start3A_949 : memref<1x1x16xf32, #tpu.memory_space<hbm>> -> memref<16xf32, #tpu.memory_space<hbm>>
      tpu.enqueue_dma source(%dma_start3A_950 : memref<16xf32, #tpu.memory_space<hbm>>) target(%dma_start3A_947 : memref<16xf32, #tpu.memory_space<vmem>>) target_semaphore(%arg16 : memref<!tpu.dma_semaphore, #tpu.memory_space<semaphore_mem>>)
      %shift_right_arithmetic3A_951 = arith.constant 3 : i32
      %shift_right_arithmetic3A_952 = arith.shrsi %squeeze3A_916, %shift_right_arithmetic3A_951 : i32
      %and3A_953 = arith.constant 7 : i32
      %and3A_954 = arith.andi %squeeze3A_916, %and3A_953 : i32
      %dma_start3A_955 = arith.constant 80 : i32
      %dma_start3A_956 = tpu.memref_slice %arg15[%add3A_910, %dma_start3A_955] : memref<512x128xf32, #tpu.memory_space<vmem>> -> memref<1x32xf32, #tpu.memory_space<vmem>>
      %dma_start3A_957 = tpu.memref_squeeze %dma_start3A_956 : memref<1x32xf32, #tpu.memory_space<vmem>> -> memref<32xf32, #tpu.memory_space<vmem>>
      %dma_start3A_958 = arith.constant 0 : i32
      %dma_start3A_959 = tpu.memref_slice %arg8[%shift_right_arithmetic3A_952, %and3A_954, %dma_start3A_958] : memref<12500x8x32xf32, #tpu.memory_space<hbm>> -> memref<1x1x32xf32, #tpu.memory_space<hbm>>
      %dma_start3A_960 = tpu.memref_squeeze %dma_start3A_959 : memref<1x1x32xf32, #tpu.memory_space<hbm>> -> memref<32xf32, #tpu.memory_space<hbm>>
      %dma_start3A_961 = arith.constant 80 : i32
      %dma_start3A_962 = tpu.memref_slice %arg15[%add3A_910, %dma_start3A_961] : memref<512x128xf32, #tpu.memory_space<vmem>> -> memref<1x32xf32, #tpu.memory_space<vmem>>
      %dma_start3A_963 = tpu.memref_squeeze %dma_start3A_962 : memref<1x32xf32, #tpu.memory_space<vmem>> -> memref<32xf32, #tpu.memory_space<vmem>>
      %dma_start3A_964 = arith.constant 0 : i32
      %dma_start3A_965 = tpu.memref_slice %arg8[%shift_right_arithmetic3A_952, %and3A_954, %dma_start3A_964] : memref<12500x8x32xf32, #tpu.memory_space<hbm>> -> memref<1x1x32xf32, #tpu.memory_space<hbm>>
      %dma_start3A_966 = tpu.memref_squeeze %dma_start3A_965 : memref<1x1x32xf32, #tpu.memory_space<hbm>> -> memref<32xf32, #tpu.memory_space<hbm>>
      tpu.enqueue_dma source(%dma_start3A_966 : memref<32xf32, #tpu.memory_space<hbm>>) target(%dma_start3A_963 : memref<32xf32, #tpu.memory_space<vmem>>) target_semaphore(%arg16 : memref<!tpu.dma_semaphore, #tpu.memory_space<semaphore_mem>>)
      %shift_right_arithmetic3A_967 = arith.constant 3 : i32
      %shift_right_arithmetic3A_968 = arith.shrsi %squeeze3A_918, %shift_right_arithmetic3A_967 : i32
      %and3A_969 = arith.constant 7 : i32
      %and3A_970 = arith.andi %squeeze3A_918, %and3A_969 : i32
      %dma_start3A_971 = arith.constant 112 : i32
      %dma_start3A_972 = tpu.memref_slice %arg15[%add3A_910, %dma_start3A_971] : memref<512x128xf32, #tpu.memory_space<vmem>> -> memref<1x16xf32, #tpu.memory_space<vmem>>
      %dma_start3A_973 = tpu.memref_squeeze %dma_start3A_972 : memref<1x16xf32, #tpu.memory_space<vmem>> -> memref<16xf32, #tpu.memory_space<vmem>>
      %dma_start3A_974 = arith.constant 0 : i32
      %dma_start3A_975 = tpu.memref_slice %arg9[%shift_right_arithmetic3A_968, %and3A_970, %dma_start3A_974] : memref<125x8x16xf32, #tpu.memory_space<hbm>> -> memref<1x1x16xf32, #tpu.memory_space<hbm>>
      %dma_start3A_976 = tpu.memref_squeeze %dma_start3A_975 : memref<1x1x16xf32, #tpu.memory_space<hbm>> -> memref<16xf32, #tpu.memory_space<hbm>>
      %dma_start3A_977 = arith.constant 112 : i32
      %dma_start3A_978 = tpu.memref_slice %arg15[%add3A_910, %dma_start3A_977] : memref<512x128xf32, #tpu.memory_space<vmem>> -> memref<1x16xf32, #tpu.memory_space<vmem>>
      %dma_start3A_979 = tpu.memref_squeeze %dma_start3A_978 : memref<1x16xf32, #tpu.memory_space<vmem>> -> memref<16xf32, #tpu.memory_space<vmem>>
      %dma_start3A_980 = arith.constant 0 : i32
      %dma_start3A_981 = tpu.memref_slice %arg9[%shift_right_arithmetic3A_968, %and3A_970, %dma_start3A_980] : memref<125x8x16xf32, #tpu.memory_space<hbm>> -> memref<1x1x16xf32, #tpu.memory_space<hbm>>
      %dma_start3A_982 = tpu.memref_squeeze %dma_start3A_981 : memref<1x1x16xf32, #tpu.memory_space<hbm>> -> memref<16xf32, #tpu.memory_space<hbm>>
      tpu.enqueue_dma source(%dma_start3A_982 : memref<16xf32, #tpu.memory_space<hbm>>) target(%dma_start3A_979 : memref<16xf32, #tpu.memory_space<vmem>>) target_semaphore(%arg16 : memref<!tpu.dma_semaphore, #tpu.memory_space<semaphore_mem>>)
      %add3A_983 = arith.constant 13 : i32
      %add3A_984 = arith.addi %mul3A_18, %add3A_983 : i32
      %slice3A_985 = vector.extract_strided_slice %get3A_19 {offsets = [13], sizes = [1], strides = [1]} : vector<16xi32> to vector<1xi32>
      %squeeze3A_986 = vector.extract %slice3A_985[0] : i32 from vector<1xi32>
      %slice3A_987 = vector.extract_strided_slice %get3A_21 {offsets = [13], sizes = [1], strides = [1]} : vector<16xi32> to vector<1xi32>
      %squeeze3A_988 = vector.extract %slice3A_987[0] : i32 from vector<1xi32>
      %slice3A_989 = vector.extract_strided_slice %get3A_23 {offsets = [13], sizes = [1], strides = [1]} : vector<16xi32> to vector<1xi32>
      %squeeze3A_990 = vector.extract %slice3A_989[0] : i32 from vector<1xi32>
      %slice3A_991 = vector.extract_strided_slice %get3A_25 {offsets = [13], sizes = [1], strides = [1]} : vector<16xi32> to vector<1xi32>
      %squeeze3A_992 = vector.extract %slice3A_991[0] : i32 from vector<1xi32>
      %shift_right_arithmetic3A_993 = arith.constant 3 : i32
      %shift_right_arithmetic3A_994 = arith.shrsi %squeeze3A_986, %shift_right_arithmetic3A_993 : i32
      %and3A_995 = arith.constant 7 : i32
      %and3A_996 = arith.andi %squeeze3A_986, %and3A_995 : i32
      %dma_start3A_997 = arith.constant 0 : i32
      %dma_start3A_998 = tpu.memref_slice %arg15[%add3A_984, %dma_start3A_997] : memref<512x128xf32, #tpu.memory_space<vmem>> -> memref<1x64xf32, #tpu.memory_space<vmem>>
      %dma_start3A_999 = tpu.memref_squeeze %dma_start3A_998 : memref<1x64xf32, #tpu.memory_space<vmem>> -> memref<64xf32, #tpu.memory_space<vmem>>
      %dma_start3A_1000 = arith.constant 0 : i32
      %dma_start3A_1001 = tpu.memref_slice %arg6[%shift_right_arithmetic3A_994, %and3A_996, %dma_start3A_1000] : memref<125000x8x64xf32, #tpu.memory_space<hbm>> -> memref<1x1x64xf32, #tpu.memory_space<hbm>>
      %dma_start3A_1002 = tpu.memref_squeeze %dma_start3A_1001 : memref<1x1x64xf32, #tpu.memory_space<hbm>> -> memref<64xf32, #tpu.memory_space<hbm>>
      %dma_start3A_1003 = arith.constant 0 : i32
      %dma_start3A_1004 = tpu.memref_slice %arg15[%add3A_984, %dma_start3A_1003] : memref<512x128xf32, #tpu.memory_space<vmem>> -> memref<1x64xf32, #tpu.memory_space<vmem>>
      %dma_start3A_1005 = tpu.memref_squeeze %dma_start3A_1004 : memref<1x64xf32, #tpu.memory_space<vmem>> -> memref<64xf32, #tpu.memory_space<vmem>>
      %dma_start3A_1006 = arith.constant 0 : i32
      %dma_start3A_1007 = tpu.memref_slice %arg6[%shift_right_arithmetic3A_994, %and3A_996, %dma_start3A_1006] : memref<125000x8x64xf32, #tpu.memory_space<hbm>> -> memref<1x1x64xf32, #tpu.memory_space<hbm>>
      %dma_start3A_1008 = tpu.memref_squeeze %dma_start3A_1007 : memref<1x1x64xf32, #tpu.memory_space<hbm>> -> memref<64xf32, #tpu.memory_space<hbm>>
      tpu.enqueue_dma source(%dma_start3A_1008 : memref<64xf32, #tpu.memory_space<hbm>>) target(%dma_start3A_1005 : memref<64xf32, #tpu.memory_space<vmem>>) target_semaphore(%arg16 : memref<!tpu.dma_semaphore, #tpu.memory_space<semaphore_mem>>)
      %shift_right_arithmetic3A_1009 = arith.constant 3 : i32
      %shift_right_arithmetic3A_1010 = arith.shrsi %squeeze3A_988, %shift_right_arithmetic3A_1009 : i32
      %and3A_1011 = arith.constant 7 : i32
      %and3A_1012 = arith.andi %squeeze3A_988, %and3A_1011 : i32
      %dma_start3A_1013 = arith.constant 64 : i32
      %dma_start3A_1014 = tpu.memref_slice %arg15[%add3A_984, %dma_start3A_1013] : memref<512x128xf32, #tpu.memory_space<vmem>> -> memref<1x16xf32, #tpu.memory_space<vmem>>
      %dma_start3A_1015 = tpu.memref_squeeze %dma_start3A_1014 : memref<1x16xf32, #tpu.memory_space<vmem>> -> memref<16xf32, #tpu.memory_space<vmem>>
      %dma_start3A_1016 = arith.constant 0 : i32
      %dma_start3A_1017 = tpu.memref_slice %arg7[%shift_right_arithmetic3A_1010, %and3A_1012, %dma_start3A_1016] : memref<125x8x16xf32, #tpu.memory_space<hbm>> -> memref<1x1x16xf32, #tpu.memory_space<hbm>>
      %dma_start3A_1018 = tpu.memref_squeeze %dma_start3A_1017 : memref<1x1x16xf32, #tpu.memory_space<hbm>> -> memref<16xf32, #tpu.memory_space<hbm>>
      %dma_start3A_1019 = arith.constant 64 : i32
      %dma_start3A_1020 = tpu.memref_slice %arg15[%add3A_984, %dma_start3A_1019] : memref<512x128xf32, #tpu.memory_space<vmem>> -> memref<1x16xf32, #tpu.memory_space<vmem>>
      %dma_start3A_1021 = tpu.memref_squeeze %dma_start3A_1020 : memref<1x16xf32, #tpu.memory_space<vmem>> -> memref<16xf32, #tpu.memory_space<vmem>>
      %dma_start3A_1022 = arith.constant 0 : i32
      %dma_start3A_1023 = tpu.memref_slice %arg7[%shift_right_arithmetic3A_1010, %and3A_1012, %dma_start3A_1022] : memref<125x8x16xf32, #tpu.memory_space<hbm>> -> memref<1x1x16xf32, #tpu.memory_space<hbm>>
      %dma_start3A_1024 = tpu.memref_squeeze %dma_start3A_1023 : memref<1x1x16xf32, #tpu.memory_space<hbm>> -> memref<16xf32, #tpu.memory_space<hbm>>
      tpu.enqueue_dma source(%dma_start3A_1024 : memref<16xf32, #tpu.memory_space<hbm>>) target(%dma_start3A_1021 : memref<16xf32, #tpu.memory_space<vmem>>) target_semaphore(%arg16 : memref<!tpu.dma_semaphore, #tpu.memory_space<semaphore_mem>>)
      %shift_right_arithmetic3A_1025 = arith.constant 3 : i32
      %shift_right_arithmetic3A_1026 = arith.shrsi %squeeze3A_990, %shift_right_arithmetic3A_1025 : i32
      %and3A_1027 = arith.constant 7 : i32
      %and3A_1028 = arith.andi %squeeze3A_990, %and3A_1027 : i32
      %dma_start3A_1029 = arith.constant 80 : i32
      %dma_start3A_1030 = tpu.memref_slice %arg15[%add3A_984, %dma_start3A_1029] : memref<512x128xf32, #tpu.memory_space<vmem>> -> memref<1x32xf32, #tpu.memory_space<vmem>>
      %dma_start3A_1031 = tpu.memref_squeeze %dma_start3A_1030 : memref<1x32xf32, #tpu.memory_space<vmem>> -> memref<32xf32, #tpu.memory_space<vmem>>
      %dma_start3A_1032 = arith.constant 0 : i32
      %dma_start3A_1033 = tpu.memref_slice %arg8[%shift_right_arithmetic3A_1026, %and3A_1028, %dma_start3A_1032] : memref<12500x8x32xf32, #tpu.memory_space<hbm>> -> memref<1x1x32xf32, #tpu.memory_space<hbm>>
      %dma_start3A_1034 = tpu.memref_squeeze %dma_start3A_1033 : memref<1x1x32xf32, #tpu.memory_space<hbm>> -> memref<32xf32, #tpu.memory_space<hbm>>
      %dma_start3A_1035 = arith.constant 80 : i32
      %dma_start3A_1036 = tpu.memref_slice %arg15[%add3A_984, %dma_start3A_1035] : memref<512x128xf32, #tpu.memory_space<vmem>> -> memref<1x32xf32, #tpu.memory_space<vmem>>
      %dma_start3A_1037 = tpu.memref_squeeze %dma_start3A_1036 : memref<1x32xf32, #tpu.memory_space<vmem>> -> memref<32xf32, #tpu.memory_space<vmem>>
      %dma_start3A_1038 = arith.constant 0 : i32
      %dma_start3A_1039 = tpu.memref_slice %arg8[%shift_right_arithmetic3A_1026, %and3A_1028, %dma_start3A_1038] : memref<12500x8x32xf32, #tpu.memory_space<hbm>> -> memref<1x1x32xf32, #tpu.memory_space<hbm>>
      %dma_start3A_1040 = tpu.memref_squeeze %dma_start3A_1039 : memref<1x1x32xf32, #tpu.memory_space<hbm>> -> memref<32xf32, #tpu.memory_space<hbm>>
      tpu.enqueue_dma source(%dma_start3A_1040 : memref<32xf32, #tpu.memory_space<hbm>>) target(%dma_start3A_1037 : memref<32xf32, #tpu.memory_space<vmem>>) target_semaphore(%arg16 : memref<!tpu.dma_semaphore, #tpu.memory_space<semaphore_mem>>)
      %shift_right_arithmetic3A_1041 = arith.constant 3 : i32
      %shift_right_arithmetic3A_1042 = arith.shrsi %squeeze3A_992, %shift_right_arithmetic3A_1041 : i32
      %and3A_1043 = arith.constant 7 : i32
      %and3A_1044 = arith.andi %squeeze3A_992, %and3A_1043 : i32
      %dma_start3A_1045 = arith.constant 112 : i32
      %dma_start3A_1046 = tpu.memref_slice %arg15[%add3A_984, %dma_start3A_1045] : memref<512x128xf32, #tpu.memory_space<vmem>> -> memref<1x16xf32, #tpu.memory_space<vmem>>
      %dma_start3A_1047 = tpu.memref_squeeze %dma_start3A_1046 : memref<1x16xf32, #tpu.memory_space<vmem>> -> memref<16xf32, #tpu.memory_space<vmem>>
      %dma_start3A_1048 = arith.constant 0 : i32
      %dma_start3A_1049 = tpu.memref_slice %arg9[%shift_right_arithmetic3A_1042, %and3A_1044, %dma_start3A_1048] : memref<125x8x16xf32, #tpu.memory_space<hbm>> -> memref<1x1x16xf32, #tpu.memory_space<hbm>>
      %dma_start3A_1050 = tpu.memref_squeeze %dma_start3A_1049 : memref<1x1x16xf32, #tpu.memory_space<hbm>> -> memref<16xf32, #tpu.memory_space<hbm>>
      %dma_start3A_1051 = arith.constant 112 : i32
      %dma_start3A_1052 = tpu.memref_slice %arg15[%add3A_984, %dma_start3A_1051] : memref<512x128xf32, #tpu.memory_space<vmem>> -> memref<1x16xf32, #tpu.memory_space<vmem>>
      %dma_start3A_1053 = tpu.memref_squeeze %dma_start3A_1052 : memref<1x16xf32, #tpu.memory_space<vmem>> -> memref<16xf32, #tpu.memory_space<vmem>>
      %dma_start3A_1054 = arith.constant 0 : i32
      %dma_start3A_1055 = tpu.memref_slice %arg9[%shift_right_arithmetic3A_1042, %and3A_1044, %dma_start3A_1054] : memref<125x8x16xf32, #tpu.memory_space<hbm>> -> memref<1x1x16xf32, #tpu.memory_space<hbm>>
      %dma_start3A_1056 = tpu.memref_squeeze %dma_start3A_1055 : memref<1x1x16xf32, #tpu.memory_space<hbm>> -> memref<16xf32, #tpu.memory_space<hbm>>
      tpu.enqueue_dma source(%dma_start3A_1056 : memref<16xf32, #tpu.memory_space<hbm>>) target(%dma_start3A_1053 : memref<16xf32, #tpu.memory_space<vmem>>) target_semaphore(%arg16 : memref<!tpu.dma_semaphore, #tpu.memory_space<semaphore_mem>>)
      %add3A_1057 = arith.constant 14 : i32
      %add3A_1058 = arith.addi %mul3A_18, %add3A_1057 : i32
      %slice3A_1059 = vector.extract_strided_slice %get3A_19 {offsets = [14], sizes = [1], strides = [1]} : vector<16xi32> to vector<1xi32>
      %squeeze3A_1060 = vector.extract %slice3A_1059[0] : i32 from vector<1xi32>
      %slice3A_1061 = vector.extract_strided_slice %get3A_21 {offsets = [14], sizes = [1], strides = [1]} : vector<16xi32> to vector<1xi32>
      %squeeze3A_1062 = vector.extract %slice3A_1061[0] : i32 from vector<1xi32>
      %slice3A_1063 = vector.extract_strided_slice %get3A_23 {offsets = [14], sizes = [1], strides = [1]} : vector<16xi32> to vector<1xi32>
      %squeeze3A_1064 = vector.extract %slice3A_1063[0] : i32 from vector<1xi32>
      %slice3A_1065 = vector.extract_strided_slice %get3A_25 {offsets = [14], sizes = [1], strides = [1]} : vector<16xi32> to vector<1xi32>
      %squeeze3A_1066 = vector.extract %slice3A_1065[0] : i32 from vector<1xi32>
      %shift_right_arithmetic3A_1067 = arith.constant 3 : i32
      %shift_right_arithmetic3A_1068 = arith.shrsi %squeeze3A_1060, %shift_right_arithmetic3A_1067 : i32
      %and3A_1069 = arith.constant 7 : i32
      %and3A_1070 = arith.andi %squeeze3A_1060, %and3A_1069 : i32
      %dma_start3A_1071 = arith.constant 0 : i32
      %dma_start3A_1072 = tpu.memref_slice %arg15[%add3A_1058, %dma_start3A_1071] : memref<512x128xf32, #tpu.memory_space<vmem>> -> memref<1x64xf32, #tpu.memory_space<vmem>>
      %dma_start3A_1073 = tpu.memref_squeeze %dma_start3A_1072 : memref<1x64xf32, #tpu.memory_space<vmem>> -> memref<64xf32, #tpu.memory_space<vmem>>
      %dma_start3A_1074 = arith.constant 0 : i32
      %dma_start3A_1075 = tpu.memref_slice %arg6[%shift_right_arithmetic3A_1068, %and3A_1070, %dma_start3A_1074] : memref<125000x8x64xf32, #tpu.memory_space<hbm>> -> memref<1x1x64xf32, #tpu.memory_space<hbm>>
      %dma_start3A_1076 = tpu.memref_squeeze %dma_start3A_1075 : memref<1x1x64xf32, #tpu.memory_space<hbm>> -> memref<64xf32, #tpu.memory_space<hbm>>
      %dma_start3A_1077 = arith.constant 0 : i32
      %dma_start3A_1078 = tpu.memref_slice %arg15[%add3A_1058, %dma_start3A_1077] : memref<512x128xf32, #tpu.memory_space<vmem>> -> memref<1x64xf32, #tpu.memory_space<vmem>>
      %dma_start3A_1079 = tpu.memref_squeeze %dma_start3A_1078 : memref<1x64xf32, #tpu.memory_space<vmem>> -> memref<64xf32, #tpu.memory_space<vmem>>
      %dma_start3A_1080 = arith.constant 0 : i32
      %dma_start3A_1081 = tpu.memref_slice %arg6[%shift_right_arithmetic3A_1068, %and3A_1070, %dma_start3A_1080] : memref<125000x8x64xf32, #tpu.memory_space<hbm>> -> memref<1x1x64xf32, #tpu.memory_space<hbm>>
      %dma_start3A_1082 = tpu.memref_squeeze %dma_start3A_1081 : memref<1x1x64xf32, #tpu.memory_space<hbm>> -> memref<64xf32, #tpu.memory_space<hbm>>
      tpu.enqueue_dma source(%dma_start3A_1082 : memref<64xf32, #tpu.memory_space<hbm>>) target(%dma_start3A_1079 : memref<64xf32, #tpu.memory_space<vmem>>) target_semaphore(%arg16 : memref<!tpu.dma_semaphore, #tpu.memory_space<semaphore_mem>>)
      %shift_right_arithmetic3A_1083 = arith.constant 3 : i32
      %shift_right_arithmetic3A_1084 = arith.shrsi %squeeze3A_1062, %shift_right_arithmetic3A_1083 : i32
      %and3A_1085 = arith.constant 7 : i32
      %and3A_1086 = arith.andi %squeeze3A_1062, %and3A_1085 : i32
      %dma_start3A_1087 = arith.constant 64 : i32
      %dma_start3A_1088 = tpu.memref_slice %arg15[%add3A_1058, %dma_start3A_1087] : memref<512x128xf32, #tpu.memory_space<vmem>> -> memref<1x16xf32, #tpu.memory_space<vmem>>
      %dma_start3A_1089 = tpu.memref_squeeze %dma_start3A_1088 : memref<1x16xf32, #tpu.memory_space<vmem>> -> memref<16xf32, #tpu.memory_space<vmem>>
      %dma_start3A_1090 = arith.constant 0 : i32
      %dma_start3A_1091 = tpu.memref_slice %arg7[%shift_right_arithmetic3A_1084, %and3A_1086, %dma_start3A_1090] : memref<125x8x16xf32, #tpu.memory_space<hbm>> -> memref<1x1x16xf32, #tpu.memory_space<hbm>>
      %dma_start3A_1092 = tpu.memref_squeeze %dma_start3A_1091 : memref<1x1x16xf32, #tpu.memory_space<hbm>> -> memref<16xf32, #tpu.memory_space<hbm>>
      %dma_start3A_1093 = arith.constant 64 : i32
      %dma_start3A_1094 = tpu.memref_slice %arg15[%add3A_1058, %dma_start3A_1093] : memref<512x128xf32, #tpu.memory_space<vmem>> -> memref<1x16xf32, #tpu.memory_space<vmem>>
      %dma_start3A_1095 = tpu.memref_squeeze %dma_start3A_1094 : memref<1x16xf32, #tpu.memory_space<vmem>> -> memref<16xf32, #tpu.memory_space<vmem>>
      %dma_start3A_1096 = arith.constant 0 : i32
      %dma_start3A_1097 = tpu.memref_slice %arg7[%shift_right_arithmetic3A_1084, %and3A_1086, %dma_start3A_1096] : memref<125x8x16xf32, #tpu.memory_space<hbm>> -> memref<1x1x16xf32, #tpu.memory_space<hbm>>
      %dma_start3A_1098 = tpu.memref_squeeze %dma_start3A_1097 : memref<1x1x16xf32, #tpu.memory_space<hbm>> -> memref<16xf32, #tpu.memory_space<hbm>>
      tpu.enqueue_dma source(%dma_start3A_1098 : memref<16xf32, #tpu.memory_space<hbm>>) target(%dma_start3A_1095 : memref<16xf32, #tpu.memory_space<vmem>>) target_semaphore(%arg16 : memref<!tpu.dma_semaphore, #tpu.memory_space<semaphore_mem>>)
      %shift_right_arithmetic3A_1099 = arith.constant 3 : i32
      %shift_right_arithmetic3A_1100 = arith.shrsi %squeeze3A_1064, %shift_right_arithmetic3A_1099 : i32
      %and3A_1101 = arith.constant 7 : i32
      %and3A_1102 = arith.andi %squeeze3A_1064, %and3A_1101 : i32
      %dma_start3A_1103 = arith.constant 80 : i32
      %dma_start3A_1104 = tpu.memref_slice %arg15[%add3A_1058, %dma_start3A_1103] : memref<512x128xf32, #tpu.memory_space<vmem>> -> memref<1x32xf32, #tpu.memory_space<vmem>>
      %dma_start3A_1105 = tpu.memref_squeeze %dma_start3A_1104 : memref<1x32xf32, #tpu.memory_space<vmem>> -> memref<32xf32, #tpu.memory_space<vmem>>
      %dma_start3A_1106 = arith.constant 0 : i32
      %dma_start3A_1107 = tpu.memref_slice %arg8[%shift_right_arithmetic3A_1100, %and3A_1102, %dma_start3A_1106] : memref<12500x8x32xf32, #tpu.memory_space<hbm>> -> memref<1x1x32xf32, #tpu.memory_space<hbm>>
      %dma_start3A_1108 = tpu.memref_squeeze %dma_start3A_1107 : memref<1x1x32xf32, #tpu.memory_space<hbm>> -> memref<32xf32, #tpu.memory_space<hbm>>
      %dma_start3A_1109 = arith.constant 80 : i32
      %dma_start3A_1110 = tpu.memref_slice %arg15[%add3A_1058, %dma_start3A_1109] : memref<512x128xf32, #tpu.memory_space<vmem>> -> memref<1x32xf32, #tpu.memory_space<vmem>>
      %dma_start3A_1111 = tpu.memref_squeeze %dma_start3A_1110 : memref<1x32xf32, #tpu.memory_space<vmem>> -> memref<32xf32, #tpu.memory_space<vmem>>
      %dma_start3A_1112 = arith.constant 0 : i32
      %dma_start3A_1113 = tpu.memref_slice %arg8[%shift_right_arithmetic3A_1100, %and3A_1102, %dma_start3A_1112] : memref<12500x8x32xf32, #tpu.memory_space<hbm>> -> memref<1x1x32xf32, #tpu.memory_space<hbm>>
      %dma_start3A_1114 = tpu.memref_squeeze %dma_start3A_1113 : memref<1x1x32xf32, #tpu.memory_space<hbm>> -> memref<32xf32, #tpu.memory_space<hbm>>
      tpu.enqueue_dma source(%dma_start3A_1114 : memref<32xf32, #tpu.memory_space<hbm>>) target(%dma_start3A_1111 : memref<32xf32, #tpu.memory_space<vmem>>) target_semaphore(%arg16 : memref<!tpu.dma_semaphore, #tpu.memory_space<semaphore_mem>>)
      %shift_right_arithmetic3A_1115 = arith.constant 3 : i32
      %shift_right_arithmetic3A_1116 = arith.shrsi %squeeze3A_1066, %shift_right_arithmetic3A_1115 : i32
      %and3A_1117 = arith.constant 7 : i32
      %and3A_1118 = arith.andi %squeeze3A_1066, %and3A_1117 : i32
      %dma_start3A_1119 = arith.constant 112 : i32
      %dma_start3A_1120 = tpu.memref_slice %arg15[%add3A_1058, %dma_start3A_1119] : memref<512x128xf32, #tpu.memory_space<vmem>> -> memref<1x16xf32, #tpu.memory_space<vmem>>
      %dma_start3A_1121 = tpu.memref_squeeze %dma_start3A_1120 : memref<1x16xf32, #tpu.memory_space<vmem>> -> memref<16xf32, #tpu.memory_space<vmem>>
      %dma_start3A_1122 = arith.constant 0 : i32
      %dma_start3A_1123 = tpu.memref_slice %arg9[%shift_right_arithmetic3A_1116, %and3A_1118, %dma_start3A_1122] : memref<125x8x16xf32, #tpu.memory_space<hbm>> -> memref<1x1x16xf32, #tpu.memory_space<hbm>>
      %dma_start3A_1124 = tpu.memref_squeeze %dma_start3A_1123 : memref<1x1x16xf32, #tpu.memory_space<hbm>> -> memref<16xf32, #tpu.memory_space<hbm>>
      %dma_start3A_1125 = arith.constant 112 : i32
      %dma_start3A_1126 = tpu.memref_slice %arg15[%add3A_1058, %dma_start3A_1125] : memref<512x128xf32, #tpu.memory_space<vmem>> -> memref<1x16xf32, #tpu.memory_space<vmem>>
      %dma_start3A_1127 = tpu.memref_squeeze %dma_start3A_1126 : memref<1x16xf32, #tpu.memory_space<vmem>> -> memref<16xf32, #tpu.memory_space<vmem>>
      %dma_start3A_1128 = arith.constant 0 : i32
      %dma_start3A_1129 = tpu.memref_slice %arg9[%shift_right_arithmetic3A_1116, %and3A_1118, %dma_start3A_1128] : memref<125x8x16xf32, #tpu.memory_space<hbm>> -> memref<1x1x16xf32, #tpu.memory_space<hbm>>
      %dma_start3A_1130 = tpu.memref_squeeze %dma_start3A_1129 : memref<1x1x16xf32, #tpu.memory_space<hbm>> -> memref<16xf32, #tpu.memory_space<hbm>>
      tpu.enqueue_dma source(%dma_start3A_1130 : memref<16xf32, #tpu.memory_space<hbm>>) target(%dma_start3A_1127 : memref<16xf32, #tpu.memory_space<vmem>>) target_semaphore(%arg16 : memref<!tpu.dma_semaphore, #tpu.memory_space<semaphore_mem>>)
      %add3A_1131 = arith.constant 15 : i32
      %add3A_1132 = arith.addi %mul3A_18, %add3A_1131 : i32
      %slice3A_1133 = vector.extract_strided_slice %get3A_19 {offsets = [15], sizes = [1], strides = [1]} : vector<16xi32> to vector<1xi32>
      %squeeze3A_1134 = vector.extract %slice3A_1133[0] : i32 from vector<1xi32>
      %slice3A_1135 = vector.extract_strided_slice %get3A_21 {offsets = [15], sizes = [1], strides = [1]} : vector<16xi32> to vector<1xi32>
      %squeeze3A_1136 = vector.extract %slice3A_1135[0] : i32 from vector<1xi32>
      %slice3A_1137 = vector.extract_strided_slice %get3A_23 {offsets = [15], sizes = [1], strides = [1]} : vector<16xi32> to vector<1xi32>
      %squeeze3A_1138 = vector.extract %slice3A_1137[0] : i32 from vector<1xi32>
      %slice3A_1139 = vector.extract_strided_slice %get3A_25 {offsets = [15], sizes = [1], strides = [1]} : vector<16xi32> to vector<1xi32>
      %squeeze3A_1140 = vector.extract %slice3A_1139[0] : i32 from vector<1xi32>
      %shift_right_arithmetic3A_1141 = arith.constant 3 : i32
      %shift_right_arithmetic3A_1142 = arith.shrsi %squeeze3A_1134, %shift_right_arithmetic3A_1141 : i32
      %and3A_1143 = arith.constant 7 : i32
      %and3A_1144 = arith.andi %squeeze3A_1134, %and3A_1143 : i32
      %dma_start3A_1145 = arith.constant 0 : i32
      %dma_start3A_1146 = tpu.memref_slice %arg15[%add3A_1132, %dma_start3A_1145] : memref<512x128xf32, #tpu.memory_space<vmem>> -> memref<1x64xf32, #tpu.memory_space<vmem>>
      %dma_start3A_1147 = tpu.memref_squeeze %dma_start3A_1146 : memref<1x64xf32, #tpu.memory_space<vmem>> -> memref<64xf32, #tpu.memory_space<vmem>>
      %dma_start3A_1148 = arith.constant 0 : i32
      %dma_start3A_1149 = tpu.memref_slice %arg6[%shift_right_arithmetic3A_1142, %and3A_1144, %dma_start3A_1148] : memref<125000x8x64xf32, #tpu.memory_space<hbm>> -> memref<1x1x64xf32, #tpu.memory_space<hbm>>
      %dma_start3A_1150 = tpu.memref_squeeze %dma_start3A_1149 : memref<1x1x64xf32, #tpu.memory_space<hbm>> -> memref<64xf32, #tpu.memory_space<hbm>>
      %dma_start3A_1151 = arith.constant 0 : i32
      %dma_start3A_1152 = tpu.memref_slice %arg15[%add3A_1132, %dma_start3A_1151] : memref<512x128xf32, #tpu.memory_space<vmem>> -> memref<1x64xf32, #tpu.memory_space<vmem>>
      %dma_start3A_1153 = tpu.memref_squeeze %dma_start3A_1152 : memref<1x64xf32, #tpu.memory_space<vmem>> -> memref<64xf32, #tpu.memory_space<vmem>>
      %dma_start3A_1154 = arith.constant 0 : i32
      %dma_start3A_1155 = tpu.memref_slice %arg6[%shift_right_arithmetic3A_1142, %and3A_1144, %dma_start3A_1154] : memref<125000x8x64xf32, #tpu.memory_space<hbm>> -> memref<1x1x64xf32, #tpu.memory_space<hbm>>
      %dma_start3A_1156 = tpu.memref_squeeze %dma_start3A_1155 : memref<1x1x64xf32, #tpu.memory_space<hbm>> -> memref<64xf32, #tpu.memory_space<hbm>>
      tpu.enqueue_dma source(%dma_start3A_1156 : memref<64xf32, #tpu.memory_space<hbm>>) target(%dma_start3A_1153 : memref<64xf32, #tpu.memory_space<vmem>>) target_semaphore(%arg16 : memref<!tpu.dma_semaphore, #tpu.memory_space<semaphore_mem>>)
      %shift_right_arithmetic3A_1157 = arith.constant 3 : i32
      %shift_right_arithmetic3A_1158 = arith.shrsi %squeeze3A_1136, %shift_right_arithmetic3A_1157 : i32
      %and3A_1159 = arith.constant 7 : i32
      %and3A_1160 = arith.andi %squeeze3A_1136, %and3A_1159 : i32
      %dma_start3A_1161 = arith.constant 64 : i32
      %dma_start3A_1162 = tpu.memref_slice %arg15[%add3A_1132, %dma_start3A_1161] : memref<512x128xf32, #tpu.memory_space<vmem>> -> memref<1x16xf32, #tpu.memory_space<vmem>>
      %dma_start3A_1163 = tpu.memref_squeeze %dma_start3A_1162 : memref<1x16xf32, #tpu.memory_space<vmem>> -> memref<16xf32, #tpu.memory_space<vmem>>
      %dma_start3A_1164 = arith.constant 0 : i32
      %dma_start3A_1165 = tpu.memref_slice %arg7[%shift_right_arithmetic3A_1158, %and3A_1160, %dma_start3A_1164] : memref<125x8x16xf32, #tpu.memory_space<hbm>> -> memref<1x1x16xf32, #tpu.memory_space<hbm>>
      %dma_start3A_1166 = tpu.memref_squeeze %dma_start3A_1165 : memref<1x1x16xf32, #tpu.memory_space<hbm>> -> memref<16xf32, #tpu.memory_space<hbm>>
      %dma_start3A_1167 = arith.constant 64 : i32
      %dma_start3A_1168 = tpu.memref_slice %arg15[%add3A_1132, %dma_start3A_1167] : memref<512x128xf32, #tpu.memory_space<vmem>> -> memref<1x16xf32, #tpu.memory_space<vmem>>
      %dma_start3A_1169 = tpu.memref_squeeze %dma_start3A_1168 : memref<1x16xf32, #tpu.memory_space<vmem>> -> memref<16xf32, #tpu.memory_space<vmem>>
      %dma_start3A_1170 = arith.constant 0 : i32
      %dma_start3A_1171 = tpu.memref_slice %arg7[%shift_right_arithmetic3A_1158, %and3A_1160, %dma_start3A_1170] : memref<125x8x16xf32, #tpu.memory_space<hbm>> -> memref<1x1x16xf32, #tpu.memory_space<hbm>>
      %dma_start3A_1172 = tpu.memref_squeeze %dma_start3A_1171 : memref<1x1x16xf32, #tpu.memory_space<hbm>> -> memref<16xf32, #tpu.memory_space<hbm>>
      tpu.enqueue_dma source(%dma_start3A_1172 : memref<16xf32, #tpu.memory_space<hbm>>) target(%dma_start3A_1169 : memref<16xf32, #tpu.memory_space<vmem>>) target_semaphore(%arg16 : memref<!tpu.dma_semaphore, #tpu.memory_space<semaphore_mem>>)
      %shift_right_arithmetic3A_1173 = arith.constant 3 : i32
      %shift_right_arithmetic3A_1174 = arith.shrsi %squeeze3A_1138, %shift_right_arithmetic3A_1173 : i32
      %and3A_1175 = arith.constant 7 : i32
      %and3A_1176 = arith.andi %squeeze3A_1138, %and3A_1175 : i32
      %dma_start3A_1177 = arith.constant 80 : i32
      %dma_start3A_1178 = tpu.memref_slice %arg15[%add3A_1132, %dma_start3A_1177] : memref<512x128xf32, #tpu.memory_space<vmem>> -> memref<1x32xf32, #tpu.memory_space<vmem>>
      %dma_start3A_1179 = tpu.memref_squeeze %dma_start3A_1178 : memref<1x32xf32, #tpu.memory_space<vmem>> -> memref<32xf32, #tpu.memory_space<vmem>>
      %dma_start3A_1180 = arith.constant 0 : i32
      %dma_start3A_1181 = tpu.memref_slice %arg8[%shift_right_arithmetic3A_1174, %and3A_1176, %dma_start3A_1180] : memref<12500x8x32xf32, #tpu.memory_space<hbm>> -> memref<1x1x32xf32, #tpu.memory_space<hbm>>
      %dma_start3A_1182 = tpu.memref_squeeze %dma_start3A_1181 : memref<1x1x32xf32, #tpu.memory_space<hbm>> -> memref<32xf32, #tpu.memory_space<hbm>>
      %dma_start3A_1183 = arith.constant 80 : i32
      %dma_start3A_1184 = tpu.memref_slice %arg15[%add3A_1132, %dma_start3A_1183] : memref<512x128xf32, #tpu.memory_space<vmem>> -> memref<1x32xf32, #tpu.memory_space<vmem>>
      %dma_start3A_1185 = tpu.memref_squeeze %dma_start3A_1184 : memref<1x32xf32, #tpu.memory_space<vmem>> -> memref<32xf32, #tpu.memory_space<vmem>>
      %dma_start3A_1186 = arith.constant 0 : i32
      %dma_start3A_1187 = tpu.memref_slice %arg8[%shift_right_arithmetic3A_1174, %and3A_1176, %dma_start3A_1186] : memref<12500x8x32xf32, #tpu.memory_space<hbm>> -> memref<1x1x32xf32, #tpu.memory_space<hbm>>
      %dma_start3A_1188 = tpu.memref_squeeze %dma_start3A_1187 : memref<1x1x32xf32, #tpu.memory_space<hbm>> -> memref<32xf32, #tpu.memory_space<hbm>>
      tpu.enqueue_dma source(%dma_start3A_1188 : memref<32xf32, #tpu.memory_space<hbm>>) target(%dma_start3A_1185 : memref<32xf32, #tpu.memory_space<vmem>>) target_semaphore(%arg16 : memref<!tpu.dma_semaphore, #tpu.memory_space<semaphore_mem>>)
      %shift_right_arithmetic3A_1189 = arith.constant 3 : i32
      %shift_right_arithmetic3A_1190 = arith.shrsi %squeeze3A_1140, %shift_right_arithmetic3A_1189 : i32
      %and3A_1191 = arith.constant 7 : i32
      %and3A_1192 = arith.andi %squeeze3A_1140, %and3A_1191 : i32
      %dma_start3A_1193 = arith.constant 112 : i32
      %dma_start3A_1194 = tpu.memref_slice %arg15[%add3A_1132, %dma_start3A_1193] : memref<512x128xf32, #tpu.memory_space<vmem>> -> memref<1x16xf32, #tpu.memory_space<vmem>>
      %dma_start3A_1195 = tpu.memref_squeeze %dma_start3A_1194 : memref<1x16xf32, #tpu.memory_space<vmem>> -> memref<16xf32, #tpu.memory_space<vmem>>
      %dma_start3A_1196 = arith.constant 0 : i32
      %dma_start3A_1197 = tpu.memref_slice %arg9[%shift_right_arithmetic3A_1190, %and3A_1192, %dma_start3A_1196] : memref<125x8x16xf32, #tpu.memory_space<hbm>> -> memref<1x1x16xf32, #tpu.memory_space<hbm>>
      %dma_start3A_1198 = tpu.memref_squeeze %dma_start3A_1197 : memref<1x1x16xf32, #tpu.memory_space<hbm>> -> memref<16xf32, #tpu.memory_space<hbm>>
      %dma_start3A_1199 = arith.constant 112 : i32
      %dma_start3A_1200 = tpu.memref_slice %arg15[%add3A_1132, %dma_start3A_1199] : memref<512x128xf32, #tpu.memory_space<vmem>> -> memref<1x16xf32, #tpu.memory_space<vmem>>
      %dma_start3A_1201 = tpu.memref_squeeze %dma_start3A_1200 : memref<1x16xf32, #tpu.memory_space<vmem>> -> memref<16xf32, #tpu.memory_space<vmem>>
      %dma_start3A_1202 = arith.constant 0 : i32
      %dma_start3A_1203 = tpu.memref_slice %arg9[%shift_right_arithmetic3A_1190, %and3A_1192, %dma_start3A_1202] : memref<125x8x16xf32, #tpu.memory_space<hbm>> -> memref<1x1x16xf32, #tpu.memory_space<hbm>>
      %dma_start3A_1204 = tpu.memref_squeeze %dma_start3A_1203 : memref<1x1x16xf32, #tpu.memory_space<hbm>> -> memref<16xf32, #tpu.memory_space<hbm>>
      tpu.enqueue_dma source(%dma_start3A_1204 : memref<16xf32, #tpu.memory_space<hbm>>) target(%dma_start3A_1201 : memref<16xf32, #tpu.memory_space<vmem>>) target_semaphore(%arg16 : memref<!tpu.dma_semaphore, #tpu.memory_space<semaphore_mem>>)
    }
    %scan3A_6 = arith.constant 32 : i32
    %dma_wait3A = arith.constant 0 : i32
    %dma_wait3A_7 = arith.constant 0 : i32
    %dma_wait3A_8 = tpu.memref_slice %arg10[%dma_wait3A, %dma_wait3A_7] : memref<16384x128xf32, #tpu.memory_space<hbm>> -> memref<512x128xf32, #tpu.memory_space<hbm>>
    %dma_wait3A_9 = arith.constant 0 : i32
    %dma_wait3A_10 = arith.constant 0 : i32
    %dma_wait3A_11 = tpu.memref_slice %arg10[%dma_wait3A_9, %dma_wait3A_10] : memref<16384x128xf32, #tpu.memory_space<hbm>> -> memref<512x128xf32, #tpu.memory_space<hbm>>
    tpu.wait_dma2 semaphore(%arg16 : memref<!tpu.dma_semaphore, #tpu.memory_space<semaphore_mem>>) src(%dma_wait3A_11 : memref<512x128xf32, #tpu.memory_space<hbm>>) dst(%arg15 : memref<512x128xf32, #tpu.memory_space<vmem>>)
    "tpu.region"() ({
      %run_scoped3A = tpu.sem_alloc : memref<!tpu.dma_semaphore, #tpu.memory_space<semaphore_mem>>
      %dma_start3A = arith.constant 0 : i32
      %dma_start3A_12 = tpu.memref_slice %arg10[%mul3A_2, %dma_start3A] : memref<16384x128xf32, #tpu.memory_space<hbm>> -> memref<512x128xf32, #tpu.memory_space<hbm>>
      %dma_start3A_13 = arith.constant 0 : i32
      %dma_start3A_14 = tpu.memref_slice %arg10[%mul3A_2, %dma_start3A_13] : memref<16384x128xf32, #tpu.memory_space<hbm>> -> memref<512x128xf32, #tpu.memory_space<hbm>>
      tpu.enqueue_dma source(%arg15 : memref<512x128xf32, #tpu.memory_space<vmem>>) target(%dma_start3A_14 : memref<512x128xf32, #tpu.memory_space<hbm>>) target_semaphore(%run_scoped3A : memref<!tpu.dma_semaphore, #tpu.memory_space<semaphore_mem>>)
      %dma_wait3A_15 = arith.constant 0 : i32
      %dma_wait3A_16 = tpu.memref_slice %arg10[%mul3A_2, %dma_wait3A_15] : memref<16384x128xf32, #tpu.memory_space<hbm>> -> memref<512x128xf32, #tpu.memory_space<hbm>>
      %dma_wait3A_17 = arith.constant 0 : i32
      %dma_wait3A_18 = tpu.memref_slice %arg10[%mul3A_2, %dma_wait3A_17] : memref<16384x128xf32, #tpu.memory_space<hbm>> -> memref<512x128xf32, #tpu.memory_space<hbm>>
      tpu.wait_dma2 semaphore(%run_scoped3A : memref<!tpu.dma_semaphore, #tpu.memory_space<semaphore_mem>>) src(%arg15 : memref<512x128xf32, #tpu.memory_space<vmem>>) dst(%dma_wait3A_18 : memref<512x128xf32, #tpu.memory_space<hbm>>)
      tpu.yield
    }) : () -> ()
    return
  }
}

module attributes {stable_mosaic.version = 14 : i64} {
  func.func @_mlp_body(%arg0: i32, %arg1: memref<4096x128xf32, #tpu.memory_space<vmem>>, %arg2: memref<16x4096xf32, #tpu.memory_space<vmem>>, %arg3: memref<16x4096xf32, #tpu.memory_space<vmem>>, %arg4: memref<8x4096xf32, #tpu.memory_space<vmem>>, %arg5: memref<168x128xf32, #tpu.memory_space<vmem>>, %arg6: memref<1x128xf32, #tpu.memory_space<vmem>>, %arg7: memref<32x128xf32, #tpu.memory_space<vmem>>, %arg8: memref<1x32xf32, #tpu.memory_space<vmem>>, %arg9: memref<1x32xf32, #tpu.memory_space<vmem>>, %arg10: memref<1x1xf32, #tpu.memory_space<vmem>>, %arg11: memref<1x4096xf32, #tpu.memory_space<vmem>>) attributes {dimension_semantics = [#tpu.dimension_semantics<arbitrary>], iteration_bounds = array<i64: 4>, scalar_prefetch = 0 : i64, scratch_operands = 0 : i64, tpu.core_type = #tpu.core_type<tc>, window_params = [{transform_indices = @transform_0, window_bounds = array<i64: 4096, 128>}, {transform_indices = @transform_1, window_bounds = array<i64: 16, 4096>}, {transform_indices = @transform_2, window_bounds = array<i64: 16, 4096>}, {transform_indices = @transform_3, window_bounds = array<i64: 8, 4096>}, {pipeline_mode = #tpu.pipeline_mode<synchronous>, transform_indices = @transform_4, window_bounds = array<i64: 168, 128>}, {pipeline_mode = #tpu.pipeline_mode<synchronous>, transform_indices = @transform_5, window_bounds = array<i64: 1, 128>}, {pipeline_mode = #tpu.pipeline_mode<synchronous>, transform_indices = @transform_6, window_bounds = array<i64: 32, 128>}, {pipeline_mode = #tpu.pipeline_mode<synchronous>, transform_indices = @transform_7, window_bounds = array<i64: 1, 32>}, {pipeline_mode = #tpu.pipeline_mode<synchronous>, transform_indices = @transform_8, window_bounds = array<i64: 1, 32>}, {pipeline_mode = #tpu.pipeline_mode<synchronous>, transform_indices = @transform_9, window_bounds = array<i64: 1, 1>}, {transform_indices = @transform_10, window_bounds = array<i64: 1, 4096>}]} {
    %get3A = arith.constant 0 : index
    %get3A_0 = arith.constant 0 : index
    %get3A_1 = vector.load %arg1[%get3A, %get3A_0] : memref<4096x128xf32, #tpu.memory_space<vmem>>, vector<4096x128xf32>
    %get3A_2 = arith.constant 0 : index
    %get3A_3 = arith.constant 0 : index
    %get3A_4 = vector.load %arg5[%get3A_2, %get3A_3] : memref<168x128xf32, #tpu.memory_space<vmem>>, vector<128x128xf32>
    %dot_general3A = arith.constant dense<0.000000e+00> : vector<4096x128xf32>
    %dot_general3A_5 = tpu.matmul %get3A_1, %get3A_4, %dot_general3A {dimension_numbers = #tpu.dot_dimension_numbers<[1], [0], [0], [1], [0, 0, 1, 1], [], []>, transpose_lhs_hint = false} : vector<4096x128xf32>, vector<128x128xf32>, vector<4096x128xf32> -> vector<4096x128xf32>
    %get3A_6 = arith.constant 0 : index
    %get3A_7 = arith.constant 0 : index
    %get3A_8 = vector.load %arg2[%get3A_6, %get3A_7] : memref<16x4096xf32, #tpu.memory_space<vmem>>, vector<16x4096xf32>
    %get3A_9 = arith.constant 128 : index
    %get3A_10 = arith.constant 0 : index
    %get3A_11 = vector.load %arg5[%get3A_9, %get3A_10] : memref<168x128xf32, #tpu.memory_space<vmem>>, vector<16x128xf32>
    %dot_general3A_12 = arith.constant dense<0.000000e+00> : vector<4096x128xf32>
    %dot_general3A_13 = tpu.matmul %get3A_8, %get3A_11, %dot_general3A_12 {dimension_numbers = #tpu.dot_dimension_numbers<[0], [0], [1], [1], [0, 1, 1, 1], [], []>, transpose_lhs_hint = false} : vector<16x4096xf32>, vector<16x128xf32>, vector<4096x128xf32> -> vector<4096x128xf32>
    %add3A = arith.addf %dot_general3A_5, %dot_general3A_13 : vector<4096x128xf32>
    %get3A_14 = arith.constant 0 : index
    %get3A_15 = arith.constant 0 : index
    %get3A_16 = vector.load %arg3[%get3A_14, %get3A_15] : memref<16x4096xf32, #tpu.memory_space<vmem>>, vector<16x4096xf32>
    %get3A_17 = arith.constant 144 : index
    %get3A_18 = arith.constant 0 : index
    %get3A_19 = vector.load %arg5[%get3A_17, %get3A_18] : memref<168x128xf32, #tpu.memory_space<vmem>>, vector<16x128xf32>
    %dot_general3A_20 = arith.constant dense<0.000000e+00> : vector<4096x128xf32>
    %dot_general3A_21 = tpu.matmul %get3A_16, %get3A_19, %dot_general3A_20 {dimension_numbers = #tpu.dot_dimension_numbers<[0], [0], [1], [1], [0, 1, 1, 1], [], []>, transpose_lhs_hint = false} : vector<16x4096xf32>, vector<16x128xf32>, vector<4096x128xf32> -> vector<4096x128xf32>
    %add3A_22 = arith.addf %add3A, %dot_general3A_21 : vector<4096x128xf32>
    %get3A_23 = arith.constant 0 : index
    %get3A_24 = arith.constant 0 : index
    %get3A_25 = vector.load %arg4[%get3A_23, %get3A_24] : memref<8x4096xf32, #tpu.memory_space<vmem>>, vector<8x4096xf32>
    %get3A_26 = arith.constant 160 : index
    %get3A_27 = arith.constant 0 : index
    %get3A_28 = vector.load %arg5[%get3A_26, %get3A_27] : memref<168x128xf32, #tpu.memory_space<vmem>>, vector<8x128xf32>
    %dot_general3A_29 = arith.constant dense<0.000000e+00> : vector<4096x128xf32>
    %dot_general3A_30 = tpu.matmul %get3A_25, %get3A_28, %dot_general3A_29 {dimension_numbers = #tpu.dot_dimension_numbers<[0], [0], [1], [1], [0, 1, 1, 1], [], []>, transpose_lhs_hint = false} : vector<8x4096xf32>, vector<8x128xf32>, vector<4096x128xf32> -> vector<4096x128xf32>
    %add3A_31 = arith.addf %add3A_22, %dot_general3A_30 : vector<4096x128xf32>
    %get3A_32 = arith.constant 0 : index
    %get3A_33 = arith.constant 0 : index
    %get3A_34 = vector.load %arg6[%get3A_32, %get3A_33] : memref<1x128xf32, #tpu.memory_space<vmem>>, vector<1x128xf32>
    %add3A_35 = vector.broadcast %get3A_34 : vector<1x128xf32> to vector<4096x128xf32>
    %add3A_36 = arith.addf %add3A_31, %add3A_35 : vector<4096x128xf32>
    %max3A = arith.constant 0.000000e+00 : f32
    %max3A_37 = vector.broadcast %max3A : f32 to vector<4096x128xf32>
    %max3A_38 = arith.maximumf %add3A_36, %max3A_37 : vector<4096x128xf32>
    %get3A_39 = arith.constant 0 : index
    %get3A_40 = arith.constant 0 : index
    %get3A_41 = vector.load %arg7[%get3A_39, %get3A_40] : memref<32x128xf32, #tpu.memory_space<vmem>>, vector<32x128xf32>
    %dot_general3A_42 = arith.constant dense<0.000000e+00> : vector<4096x32xf32>
    %dot_general3A_43 = tpu.matmul %max3A_38, %get3A_41, %dot_general3A_42 {dimension_numbers = #tpu.dot_dimension_numbers<[1], [1], [0], [0], [0, 0, 1, 0], [], []>, transpose_lhs_hint = false} : vector<4096x128xf32>, vector<32x128xf32>, vector<4096x32xf32> -> vector<4096x32xf32>
    %get3A_44 = arith.constant 0 : index
    %get3A_45 = arith.constant 0 : index
    %get3A_46 = vector.load %arg8[%get3A_44, %get3A_45] : memref<1x32xf32, #tpu.memory_space<vmem>>, vector<1x32xf32>
    %add3A_47 = vector.broadcast %get3A_46 : vector<1x32xf32> to vector<4096x32xf32>
    %add3A_48 = arith.addf %dot_general3A_43, %add3A_47 : vector<4096x32xf32>
    %max3A_49 = arith.constant 0.000000e+00 : f32
    %max3A_50 = vector.broadcast %max3A_49 : f32 to vector<4096x32xf32>
    %max3A_51 = arith.maximumf %add3A_48, %max3A_50 : vector<4096x32xf32>
    %get3A_52 = arith.constant 0 : index
    %get3A_53 = arith.constant 0 : index
    %get3A_54 = vector.load %arg9[%get3A_52, %get3A_53] : memref<1x32xf32, #tpu.memory_space<vmem>>, vector<1x32xf32>
    %mul3A = vector.broadcast %get3A_54 : vector<1x32xf32> to vector<4096x32xf32>
    %mul3A_55 = arith.mulf %max3A_51, %mul3A : vector<4096x32xf32>
    %reduce_sum3A = arith.constant dense<0.000000e+00> : vector<4096xf32>
    %reduce_sum3A_56 = vector.multi_reduction <add>, %mul3A_55, %reduce_sum3A [1] : vector<4096x32xf32> to vector<4096xf32>
    %get3A_57 = arith.constant 0 : index
    %get3A_58 = arith.constant 0 : index
    %get3A_59 = vector.load %arg10[%get3A_57, %get3A_58] : memref<1x1xf32, #tpu.memory_space<vmem>>, vector<1x1xf32>
    %get3A_60 = vector.extract %get3A_59[0, 0] : f32 from vector<1x1xf32>
    %add3A_61 = vector.broadcast %get3A_60 : f32 to vector<4096xf32>
    %add3A_62 = arith.addf %reduce_sum3A_56, %add3A_61 : vector<4096xf32>
    %swap3A = arith.constant 0 : index
    %swap3A_63 = arith.constant 0 : index
    %swap3A_64 = vector.load %arg11[%swap3A, %swap3A_63] : memref<1x4096xf32, #tpu.memory_space<vmem>>, vector<1x4096xf32>
    %swap3A_65 = vector.shape_cast %swap3A_64 : vector<1x4096xf32> to vector<4096xf32>
    %swap3A_66 = vector.shape_cast %add3A_62 : vector<4096xf32> to vector<1x4096xf32>
    tpu.vector_store %arg11[%swap3A, %swap3A_63], %swap3A_66 {strides = array<i32>} : memref<1x4096xf32, #tpu.memory_space<vmem>>, vector<1x4096xf32>,
    return
  }
  func.func @transform_0(%arg0: i32) -> (i32, i32) {
    %c0_i32 = arith.constant 0 : i32
    %c0_i32_0 = arith.constant 0 : i32
    return %arg0, %c0_i32 : i32, i32
  }
  func.func @transform_1(%arg0: i32) -> (i32, i32) {
    %c0_i32 = arith.constant 0 : i32
    %c0_i32_0 = arith.constant 0 : i32
    return %c0_i32, %arg0 : i32, i32
  }
  func.func @transform_2(%arg0: i32) -> (i32, i32) {
    %c0_i32 = arith.constant 0 : i32
    %c0_i32_0 = arith.constant 0 : i32
    return %c0_i32, %arg0 : i32, i32
  }
  func.func @transform_3(%arg0: i32) -> (i32, i32) {
    %c0_i32 = arith.constant 0 : i32
    %c0_i32_0 = arith.constant 0 : i32
    return %c0_i32, %arg0 : i32, i32
  }
  func.func @transform_4(%arg0: i32) -> (i32, i32) {
    %c0_i32 = arith.constant 0 : i32
    %c0_i32_0 = arith.constant 0 : i32
    %c0_i32_1 = arith.constant 0 : i32
    return %c0_i32, %c0_i32_0 : i32, i32
  }
  func.func @transform_5(%arg0: i32) -> (i32, i32) {
    %c0_i32 = arith.constant 0 : i32
    %c0_i32_0 = arith.constant 0 : i32
    %c0_i32_1 = arith.constant 0 : i32
    return %c0_i32, %c0_i32_0 : i32, i32
  }
  func.func @transform_6(%arg0: i32) -> (i32, i32) {
    %c0_i32 = arith.constant 0 : i32
    %c0_i32_0 = arith.constant 0 : i32
    %c0_i32_1 = arith.constant 0 : i32
    return %c0_i32, %c0_i32_0 : i32, i32
  }
  func.func @transform_7(%arg0: i32) -> (i32, i32) {
    %c0_i32 = arith.constant 0 : i32
    %c0_i32_0 = arith.constant 0 : i32
    %c0_i32_1 = arith.constant 0 : i32
    return %c0_i32, %c0_i32_0 : i32, i32
  }
  func.func @transform_8(%arg0: i32) -> (i32, i32) {
    %c0_i32 = arith.constant 0 : i32
    %c0_i32_0 = arith.constant 0 : i32
    %c0_i32_1 = arith.constant 0 : i32
    return %c0_i32, %c0_i32_0 : i32, i32
  }
  func.func @transform_9(%arg0: i32) -> (i32, i32) {
    %c0_i32 = arith.constant 0 : i32
    %c0_i32_0 = arith.constant 0 : i32
    %c0_i32_1 = arith.constant 0 : i32
    return %c0_i32, %c0_i32_0 : i32, i32
  }
  func.func @transform_10(%arg0: i32) -> (i32, i32) {
    %c0_i32 = arith.constant 0 : i32
    %c0_i32_0 = arith.constant 0 : i32
    return %c0_i32, %arg0 : i32, i32
  }
}

</mosaic_0001>

<sc_bundles>
// kernel: kernel.4.cloned.1.call-start
scs
__scs_entry_jumppad:
0x0: {  	(pc) =	sbr.rel $0x88, $3  }
0x1: {  	(tag) =	ssettag $0x0;
	lr =	simm.s32 $0x1  }
0x2: {  	[smem:$0x3F90] =	sst lr;
	_ =	strace $0xD0000000  }
0x3: {  	_ = 	snop  }
0x4: {  	_ = 	snop  }
0x5: {  	_ = 	snop  }
0x6: {  	_ = 	snop  }
0x7: {  	_ = 	snop  }
__scs_overlays_trampoline_lowered:
0x8: {  	[smem:$0x3F9F] =	sst s0  }
0x9: {  	[smem:$0x3FA0] =	sst s1  }
0xa: {  	[smem:$0x3FA1] =	sst s2  }
0xb: {  	[smem:$0x3FA2] =	sst s3  }
0xc: {  	[smem:$0x3FA3] =	sst s4  }
0xd: {  	[smem:$0x3FA4] =	sst s5  }
0xe: {  	[smem:$0x3FA5] =	sst s6  }
0xf: {  	[smem:$0x3FA6] =	sst s7  }
0x10: {  	[smem:$0x3FA7] =	sst s8  }
0x11: {  	[smem:$0x3FA8] =	sst s9;
	s0 =	simm.s32 @!p0 $0x0  }
0x12: {  	s1 =	sld [smem:$0x3F8E];
	s0 =	simm.s32 @p0 $0x1  }
0x13: {  	[smem:$0x3FA9] =	sst s0;
	s0 =	simm.s32 @!p1 $0x0  }
0x14: {  	s2 =	sld [smem:$0x3F8D];
	s0 =	simm.s32 @p1 $0x1  }
0x15: {  	[smem:$0x3FAA] =	sst s0;
	s0 =	simm.s32 @!p2 $0x0  }
0x16: {  	s3 =	sld [smem:$0x3FDB];
	s0 =	simm.s32 @p2 $0x1  }
0x17: {  	s4 =	simm.s32 $0x1BF5;
	[smem:$0x3FAC] =	sst s0  }
0x18: {  	s0 =	sld [smem:$0x3F8F];
	_ =	swait.ge [sflag:s4], $0x0  }
0x19: {  	s7 =	sld [smem:$0x3F90]  }
0x1a: {  	s8 =	sadd.s32 $0xFFFFE003, lr  }
0x1b: {  	s9 =	sadd.s32 $0xFFFFFEF7, lr;
	s5 =	simm.s32 $0xFFFFFFFF;
	p2 =	slt.u32 s8, $0xFFFFF086  }
0x1c: {  	p1 =	slt.u32 s9, $0xF7A;
	s5 =	simm.s32 @!p2 $0x0  }
0x1d: {  	s5 =	simm.s32 @p1 $0x1;
	p0 =	seq.s32 s7, s2  }
0x1e: {  	s7 =	smul.u32 @!p0 $0xF7A, s2;
	p2 =	seq.s32 @!p0 s5, $0x0  }
0x1f: {  	s9 =	smul.u32 $0xF7A, s1;
	s8 =	simm.s32 @!p0 $0x1BF5;
	p2 =	por !p2, p0  }
0x20: {  	[sflag:s8] =	ssyncset.s32 @!p0 $0xFFFFF086;
	s6 =	sadd.s32 @!p0 s3, s7;
	s7 =	simm.s32 @!p0 $0x108  }
0x21: {  	s3 =	sadd.s32 s3, s9;
	s6 =	sadd.s32 @!p0 $0x88, s6;
	s7 =	simm.s32 @p2 $0x1082  }
0x22: {  	[simem:s7], [sflag:s8] =	dma.local @!p0 [hbm:s6], $0xF7A  }
0x23: {  	s9 =	sor.u32 $0xD0000000, s2;
	s6 =	simm.s32 $0x108;
	_ =	swait.ge @!p0 [sflag:s8], $0x0  }
0x24: {  	s3 =	sadd.s32 $0x88, s3;
	s6 =	simm.s32 @!p1 $0x1082;
	[sflag:s4] =	ssyncset.s32 $0xFFFFF086  }
0x25: {  	[simem:s6], [sflag:s4] =	dma.local [hbm:s3], $0xF7A  }
0x26: {  	[smem:$0x3F90] =	sst s1;
	(tag) =	ssettag s2;
	_ =	strace s9  }
0x27: {  	s1 =	sld [smem:$0x3FA0]  }
0x28: {  	s2 =	sld [smem:$0x3FA1]  }
0x29: {  	s4 =	sld [smem:$0x3FA3]  }
0x2a: {  	p0 =	seq.s32 s5, $0x0;
	s5 =	sld [smem:$0x3FA4]  }
0x2b: {  	s6 =	sld [smem:$0x3FA5]  }
0x2c: {  	s7 =	sld [smem:$0x3FA6]  }
0x2d: {  	s3 =	simm.s32 $0x108;
	s8 =	sld [smem:$0x3FA7]  }
0x2e: {  	s3 =	simm.s32 @!p0 $0x1082;
	s9 =	sld [smem:$0x3FA8]  }
0x2f: {  	lr =	sadd.s32 s0, s3;
	s0 =	sld [smem:$0x3F9F]  }
0x30: {  	s3 =	sld [smem:$0x3FA2]  }
0x31: {  	[smem:$0x3FAB] =	sst s10  }
0x32: {  	s10 =	sld [smem:$0x3FA9];
	_ =	sdelay $0x3  }
0x33: {  	p0 =	seq.s32 s10, $0x1;
	s10 =	sld [smem:$0x3FAB];
	_ =	sdelay $0x3  }
0x34: {  	[smem:$0x3FAB] =	sst s10  }
0x35: {  	s10 =	sld [smem:$0x3FAA];
	_ =	sdelay $0x3  }
0x36: {  	p1 =	seq.s32 s10, $0x1;
	s10 =	sld [smem:$0x3FAB];
	_ =	sdelay $0x3  }
0x37: {  	[smem:$0x3FAB] =	sst s10  }
0x38: {  	s10 =	sld [smem:$0x3FAC]  }
0x39: {  	_ = 	snop;
	(pc) =	sbr.ind lr, $3  }
0x3a: {  	_ = 	snop  }
0x3b: {  	_ = 	snop  }
0x3c: {  	p2 =	seq.s32 s10, $0x1;
	s10 =	sld [smem:$0x3FAB]  }
0x3d: {  	_ =	shalt  }
0x3e: {  	_ =	shalt  }
0x3f: {  	_ =	shalt  }
0x40: {  	_ =	shalt  }
0x41: {  	_ =	shalt  }
0x42: {  	_ =	shalt  }
0x43: {  	_ =	shalt  }
0x44: {  	_ =	shalt  }
0x45: {  	_ =	shalt  }
0x46: {  	_ =	shalt  }
0x47: {  	_ =	shalt  }
0x48: {  	_ =	shalt  }
0x49: {  	_ =	shalt  }
0x4a: {  	_ =	shalt  }
0x4b: {  	_ =	shalt  }
0x4c: {  	_ =	shalt  }
0x4d: {  	_ =	shalt  }
0x4e: {  	_ =	shalt  }
0x4f: {  	_ =	shalt  }
0x50: {  	_ =	shalt  }
0x51: {  	_ =	shalt  }
0x52: {  	_ =	shalt  }
0x53: {  	_ =	shalt  }
0x54: {  	_ =	shalt  }
0x55: {  	_ =	shalt  }
0x56: {  	_ =	shalt  }
0x57: {  	_ =	shalt  }
0x58: {  	_ =	shalt  }
0x59: {  	_ =	shalt  }
0x5a: {  	_ =	shalt  }
0x5b: {  	_ =	shalt  }
0x5c: {  	_ =	shalt  }
0x5d: {  	_ =	shalt  }
0x5e: {  	_ =	shalt  }
0x5f: {  	_ =	shalt  }
0x60: {  	_ =	shalt  }
0x61: {  	_ =	shalt  }
0x62: {  	_ =	shalt  }
0x63: {  	_ =	shalt  }
0x64: {  	_ =	shalt  }
0x65: {  	_ =	shalt  }
0x66: {  	_ =	shalt  }
0x67: {  	_ =	shalt  }
0x68: {  	_ =	shalt  }
0x69: {  	_ =	shalt  }
0x6a: {  	_ =	shalt  }
0x6b: {  	_ =	shalt  }
0x6c: {  	_ =	shalt  }
0x6d: {  	_ =	shalt  }
0x6e: {  	_ =	shalt  }
0x6f: {  	_ =	shalt  }
0x70: {  	_ =	shalt  }
0x71: {  	_ =	shalt  }
0x72: {  	_ =	shalt  }
0x73: {  	_ =	shalt  }
0x74: {  	_ =	shalt  }
0x75: {  	_ =	shalt  }
0x76: {  	_ =	shalt  }
0x77: {  	_ =	shalt  }
0x78: {  	_ =	shalt  }
0x79: {  	_ =	shalt  }
0x7a: {  	_ =	shalt  }
0x7b: {  	_ =	shalt  }
0x7c: {  	_ =	shalt  }
0x7d: {  	_ =	shalt  }
0x7e: {  	_ =	shalt  }
0x7f: {  	_ =	shalt  }
0x80: {  	_ =	shalt  }
0x81: {  	_ =	shalt  }
0x82: {  	_ =	shalt  }
0x83: {  	_ =	shalt  }
0x84: {  	_ =	shalt  }
0x85: {  	_ =	shalt  }
0x86: {  	_ =	shalt  }
0x87: {  	_ =	shalt  }
.Lfunc_end0:
.L_simem_size_0:
called_computation_lowered:
.L_overlay_start_0:
0x88: {  	s2 =	sld [smem:$0x3FD9]  }
0x89: {  	s3 =	sld [smem:$0x3FFE];
	_ =	sdelay $0x1  }
0x8a: {  	s1 =	srdreg.scid  }
0x8b: {  	s0 =	sand.u32 $0x1, s1  }
0x8c: {  	s17 =	sshll.u32 s0, $0xA;
	s2 =	sadd.s32 s3, s2  }
0x8d: {  	s2 =	sadd.s32 s2, s17  }
0x8e: {  	[smem:$0x3FB7] =	sst s2  }
0x8f: {  	_ = 	snop  }
0x90: {  	s2 =	sld [smem:$0x3FC9]  }
0x91: {  	s18 =	sld [smem:$0x3FC8]  }
0x92: {  	s4 =	sld [smem:$0x3FC7]  }
0x93: {  	s5 =	sld [smem:$0x3FC6];
	(tm) =	ssettm $0x1  }
0x94: {  	s6 =	sld [smem:$0x3FFB];
	_ =	sdelay $0x3  }
0x95: {  	_ =	strace s6  }
0x96: {  	s6 =	sld [smem:$0x3FFC];
	_ =	sdelay $0x3  }
0x97: {  	_ =	strace s6  }
0x98: {  	s6 =	sld [smem:$0x3FFD];
	_ =	sdelay $0x3  }
0x99: {  	_ =	strace s6  }
0x9a: {  	_ =	strace $0x8FFFFFFF  }
0x9b: {  	s19 =	sld [smem:$0x3FDB];
	_ =	sdelay $0x1  }
0x9c: {  	s7 =	simm.s32 $_scs_section_size  }
0x9d: {  	s8 =	simm.s32 $_size__tile_overlayer_lowered;
	s9 =	simm.s32 $_tile_overlayer_lowered  }
0x9e: {  	s22 =	simm.s32 $0x1BFF;
	s21 =	sshll.u32 s9, $0x1;
	s6 =	sadd.s32 s7, s19  }
0x9f: {  	s10 =	simm.s32 $0x0;
	s20 =	sshll.u32 s8, $0x1;
	s8 =	sadd.s32 s21, s6  }
0xa0: {  	[timem:s10], [sflag:s22] =	dma.local [hbm:s8], s20  }
0xa1: {  	_ =	swait.ge [sflag:s22], s20  }
0xa2: {  	s7 =	ssub.s32 $0x0, s20;
	[sflag:s22] =	ssyncset.done $0x0  }
0xa3: {  	[sflag:s22] =	ssyncadd.s32 s7;
	_ =	sdelay $0x1  }
0xa4: {  	s23 =	simm.s32 $0x1B8B  }
0xa5: {  	_ =	swait.ge [sflag:s23], $0x1  }
0xa6: {  	[sflag:s23] =	ssyncset.done $0x0  }
0xa7: {  	s25 =	simm.s32 $0x1B8E;
	s24 =	sld [smem:$0x3FFE];
	[sflag:s23] =	ssyncadd.s32 $0xFFFFFFFF  }
0xa8: {  	s26 =	simm.s32 $execute0_lowered;
	[smem:$0x3FD2] =	sst s25  }
0xa9: {  	s8 =	sshll.u32 s26, $0x1;
	_ =	strace $0x80000046;
	[dreg:$0x1] =	wrdreg $0xFFFFFFFF  }
0xaa: {  	s28 =	simm.s32 $_size_execute0_lowered;
	s6 =	sadd.s32 s6, s8;
	[dreg:$0x0] =	wrdreg $0x0  }
0xab: {  	s8 =	sshll.u32 s28, $0x1;
	[dreg:$0x2] =	wrdreg s6  }
0xac: {  	[dreg:$0x3] =	wrdreg s8  }
0xad: {  	[dreg:$0x4] =	wrdreg $0xC0  }
0xae: {  	_ =	task [dreg:s10], $0x5FFFF  }
0xaf: {  	[dreg:$0x1] =	wrdreg $0xFFFFFFFF  }
0xb0: {  	[dreg:$0x0] =	wrdreg $0x60  }
0xb1: {  	[dreg:$0x2] =	wrdreg s2  }
0xb2: {  	[dreg:$0x3] =	wrdreg s18  }
0xb3: {  	[dreg:$0x4] =	wrdreg s4  }
0xb4: {  	[dreg:$0x5] =	wrdreg s5  }
0xb5: {  	[dreg:$0x6] =	wrdreg s24  }
0xb6: {  	[dreg:$0x7] =	wrdreg $0x9  }
0xb7: {  	_ =	task.clear_ibuf [dreg:s10], $0x8FFFF;
	_ =	strace $0x90000046  }
0xb8: {  	s29 =	simm.s32 $0x9;
	_ =	strace $0x80000048  }
0xb9: {  	_ =	swait.ge [sflag:s29], $0x1  }
0xba: {  	[sflag:s29] =	ssyncadd.s32 $0xFFFFFFFF  }
0xbb: {  	_ =	strace $0x90000048  }
0xbc: {  	_ =	sfence  }
0xbd: {  	s30 =	sld [smem:$0x0];
	_ =	sdelay $0x2  }
0xbe: {  	s31 =	sshll.u32 s1, $0xD;
	s1 =	sshrl.u32 s1, $0x2  }
0xbf: {  	s3 =	sand.u32 $0x4000, s31;
	s1 =	sadd.s32 s1, s30  }
0xc0: {  	s0 =	sor.u32 s3, s0;
	s1 =	sshll.u32 s1, $0x11  }
0xc1: {  	s0 =	sor.u32 s1, s0  }
0xc2: {  	s0 =	sadd.s32 $0x8F2B, s0  }
0xc3: {  	[sflag:s0] =	ssyncadd.remote.s32 $0x1  }
0xc4: {  	_ =	sfence.sel $0xFFFF  }
0xc5: {  	[dreg:$0x0] =	wrdreg $0xFFFFFFFF;
	(pc) =	sbr.abs _section_cstart, $3  }
0xc6: {  	[dreg:$0x1] =	wrdreg $0xFFFFFFFF  }
0xc7: {  	_ =	task.clear_ibuf [dreg:s10], $0x2FFFF;
	_ =	strace $0x9FFFFFFF  }
0xc8: {  	(tm) =	ssettm $0x7FFFFFFF  }
0xc9: {  	_ =	shalt  }
tec
execute0_lowered:
.L_overlay_start_1:
0x0: {  	(tag) =	ssettag $0x1  }
0x1: {  	s0 =	rddreg [dreg:$0x0]  }
0x2: {  	s2 =	rddreg [dreg:$0x1]  }
0x3: {  	s7 =	rddreg [dreg:$0x2]  }
0x4: {  	s8 =	rddreg [dreg:$0x3]  }
0x5: {  	s9 =	rddreg [dreg:$0x4];
	s1 =	simm.s32 $0x0;
	s4 =	srdreg.scid  }
0x6: {  	s5 =	stileid.u32;
	s14 =	simm.s32 $0x80;
	s6 =	sand.u32 $0x1, s4  }
0x7: {  	[smem:$0x7FF] =	sst s1;
	s10 =	sshll.u32 s5, $0xA;
	s11 =	sshll.u32 s6, $0x9  }
0x8: {  	s3 =	sadd.s32 $0x1C00, s9;
	s4 =	sadd.s32 $0x10CAA00, s9;
	s10 =	sor.u32 s11, s10  }
0x9: {  	s5 =	sadd.s32 $0xF44000, s9;
	s12 =	sshll.u32 s10, $0x4;
	s10 =	sshrl.u32 s10, $0x3  }
0xa: {  	_ =	strace $0x80000047;
	s25 =	ssub.s32 $0x2, s6;
	s0 =	sadd.s32 s0, s10  }
0xb: {  	s6 =	sadd.s32 $0x10CEA00, s9;
	s26 =	sadd.s32 s2, s10;
	[dreg:$0x8] =	wrdreg s0  }
0xc: {  	s13 =	sshrl.u32 s25, $0x1;
	s28 =	sadd.s32 s7, s10;
	[dreg:$0x9] =	wrdreg s26  }
0xd: {  	s11 =	ssub.s32 s25, s13;
	s29 =	sadd.s32 s8, s10;
	[dreg:$0xa] =	wrdreg s28  }
0xe: {  	s9 =	sadd.s32 s12, s9;
	s31 =	smax.u32 s11, $0x1;
	[dreg:$0xb] =	wrdreg s29  }
0xf: {  	s15 =	simm.s32 $0x400;
	s30 =	sadd.s32 $0x10D2A00, s9;
	[dreg:$0xd] =	wrdreg s31  }
0x10: {  	s7 =	simm.s32 $0x2;
	s2 =	simm.s32 $0x0;
	[dreg:$0xc] =	wrdreg s30  }
.LBB2_1:
0x11: {  	[dreg:$0xe] =	wrdreg s2  }
0x12: {  	s0 =	rddreg [dreg:$0x8]  }
0x13: {  	[tilespmem:s1], [sflag:$0x2] =	stream.linear.gather [hbm4b:s0+s1], $0x200, $0x38;
	[tilespmem:$0x10800] =	vst v63  }
0x14: {  	_ =	swait.ge [sflag:s7], $0x200  }
0x15: {  	[sflag:s7] =	ssyncset.done $0x0  }
0x16: {  	s10 =	simm.s32 $0x200;
	s19 =	rddreg [dreg:$0x9];
	[sflag:s7] =	ssyncadd.s32 $0xFFFFFE00  }
0x17: {  	[tilespmem:s10], [sflag:$0x2] =	stream.linear.gather [hbm4b:s19+s1], $0x200, $0x38;
	[tilespmem:$0x10800] =	vst v63  }
0x18: {  	_ =	swait.ge [sflag:s7], $0x200  }
0x19: {  	[sflag:s7] =	ssyncset.done $0x0  }
0x1a: {  	s20 =	rddreg [dreg:$0xa];
	[sflag:s7] =	ssyncadd.s32 $0xFFFFFE00  }
0x1b: {  	[tilespmem:s15], [sflag:$0x2] =	stream.linear.gather [hbm4b:s20+s1], $0x200, $0x38;
	[tilespmem:$0x10800] =	vst v63  }
0x1c: {  	_ =	swait.ge [sflag:s7], $0x200  }
0x1d: {  	[sflag:s7] =	ssyncset.done $0x0  }
0x1e: {  	s21 =	simm.s32 $0x600;
	s22 =	rddreg [dreg:$0xb];
	[sflag:s7] =	ssyncadd.s32 $0xFFFFFE00  }
0x1f: {  	[tilespmem:s21], [sflag:$0x2] =	stream.linear.gather [hbm4b:s22+s1], $0x200, $0x38;
	[tilespmem:$0x10800] =	vst v63  }
0x20: {  	_ =	swait.ge [sflag:s7], $0x200  }
0x21: {  	[sflag:s7] =	ssyncset.done $0x0  }
0x22: {  	[sflag:s7] =	ssyncadd.s32 $0xFFFFFE00  }
0x23: {  	v0 =	vld [tilespmem:s1+$0x0]  }
0x24: {  	v1 =	vld [tilespmem:s21+$0x0]  }
0x25: {  	v2 =	vld [tilespmem:s10+$0x0];
	_ =	sdelay $0x2  }
0x26: {  	v3 =	vshll.u32 v0, $0x4  }
0x27: {  	v4 =	vld [tilespmem:s15+$0x0];
	v62 =	vshll.u32 v1, $0x4;
	(v2sf) =	vpush v3, $0x0  }
0x28: {  	v2 =	vshll.u32 v2, $0x4;
	(v2sf) =	vpush v62, $0x0  }
0x29: {  	(v2sf) =	vpush v2, $0x0;
	_ =	sdelay $0x1  }
0x2a: {  	(v2sf) =	vpush v3, $0x1  }
0x2b: {  	v63 =	vshll.u32 v4, $0x4  }
0x2c: {  	(v2sf) =	vpush v63, $0x0;
	_ =	sdelay $0x8  }
0x2d: {  	s23 =	spop (v2sf)  }
0x2e: {  	s0 =	sand.u32 $0x1FFFFFF0, s23;
	s24 =	spop (v2sf)  }
0x2f: {  	s25 =	simm.s32 $0x800;
	s0 =	sadd.s32 s3, s0;
	s8 =	spop (v2sf)  }
0x30: {  	(v2sf) =	vpush v2, $0x1;
	[tilespmem:s25], [sflag:$0x1] =	stream.strided.gather [hbm4b:s0+s14], $0x0, s15, s14, $0x38;
	[tilespmem:$0x10800] =	vst v63  }
0x31: {  	s8 =	sand.u32 $0x1FFFFFF0, s8;
	s9 =	spop (v2sf)  }
0x32: {  	[tilespmem:s25], [sflag:$0x1] =	stream.linear.gather [hbm4b:s0+s1], $0x40, $0x38;
	[tilespmem:$0x10800] =	vst v63  }
0x33: {  	s26 =	simm.s32 $0x840;
	s28 =	sadd.s32 s4, s8;
	s29 =	spop (v2sf)  }
0x34: {  	(v2sf) =	vpush v63, $0x1;
	[tilespmem:s26], [sflag:$0x1] =	stream.strided.gather [hbm4b:s28+s14], $0x0, s15, s14, $0x38;
	[tilespmem:$0x10800] =	vst v63  }
0x35: {  	s8 =	sand.u32 $0x1FFFFFF0, s29  }
0x36: {  	(v2sf) =	vpush v62, $0x1;
	[tilespmem:s26], [sflag:$0x1] =	stream.linear.gather [hbm4b:s28+s1], $0x10, $0x38;
	[tilespmem:$0x10800] =	vst v63  }
0x37: {  	s30 =	simm.s32 $0x850;
	s31 =	sadd.s32 s5, s8  }
0x38: {  	[tilespmem:s30], [sflag:$0x1] =	stream.strided.gather [hbm4b:s31+s14], $0x0, s15, s14, $0x38;
	[tilespmem:$0x10800] =	vst v63  }
0x39: {  	s2 =	sand.u32 $0x1FFFFFF0, s24  }
0x3a: {  	[tilespmem:s30], [sflag:$0x1] =	stream.linear.gather [hbm4b:s31+s1], $0x20, $0x38;
	[tilespmem:$0x10800] =	vst v63  }
0x3b: {  	s2 =	sadd.s32 s6, s2;
	s8 =	simm.s32 $0x870  }
0x3c: {  	(v2sf) =	vpush v3, $0x2;
	[tilespmem:s8], [sflag:$0x1] =	stream.strided.gather [hbm4b:s2+s14], $0x0, s15, s14, $0x38;
	[tilespmem:$0x10800] =	vst v63  }
0x3d: {  	s9 =	sand.u32 $0x1FFFFFF0, s9  }
0x3e: {  	[tilespmem:s8], [sflag:$0x1] =	stream.linear.gather [hbm4b:s2+s1], $0x10, $0x38;
	[tilespmem:$0x10800] =	vst v63  }
0x3f: {  	s12 =	simm.s32 $0x880;
	s7 =	sadd.s32 s3, s9;
	s11 =	spop (v2sf)  }
0x40: {  	(v2sf) =	vpush v2, $0x2;
	[tilespmem:s12], [sflag:$0x1] =	stream.strided.gather [hbm4b:s7+s14], $0x0, s15, s14, $0x38;
	[tilespmem:$0x10800] =	vst v63  }
0x41: {  	s0 =	sand.u32 $0x1FFFFFF0, s11  }
0x42: {  	[tilespmem:s12], [sflag:$0x1] =	stream.linear.gather [hbm4b:s7+s1], $0x40, $0x38;
	[tilespmem:$0x10800] =	vst v63  }
0x43: {  	s16 =	simm.s32 $0x8C0;
	s13 =	spop (v2sf);
	s0 =	sadd.s32 s4, s0  }
0x44: {  	(v2sf) =	vpush v63, $0x2;
	[tilespmem:s16], [sflag:$0x1] =	stream.strided.gather [hbm4b:s0+s14], $0x0, s15, s14, $0x38;
	[tilespmem:$0x10800] =	vst v63  }
0x45: {  	s2 =	sand.u32 $0x1FFFFFF0, s13;
	s17 =	spop (v2sf)  }
0x46: {  	(v2sf) =	vpush v62, $0x2;
	[tilespmem:s16], [sflag:$0x1] =	stream.linear.gather [hbm4b:s0+s1], $0x10, $0x38;
	[tilespmem:$0x10800] =	vst v63  }
0x47: {  	s18 =	simm.s32 $0x8D0;
	s2 =	sadd.s32 s5, s2  }
0x48: {  	[tilespmem:s18], [sflag:$0x1] =	stream.strided.gather [hbm4b:s2+s14], $0x0, s15, s14, $0x38;
	[tilespmem:$0x10800] =	vst v63  }
0x49: {  	s0 =	sand.u32 $0x1FFFFFF0, s17  }
0x4a: {  	[tilespmem:s18], [sflag:$0x1] =	stream.linear.gather [hbm4b:s2+s1], $0x20, $0x38;
	[tilespmem:$0x10800] =	vst v63  }
0x4b: {  	s20 =	simm.s32 $0x8F0;
	s19 =	spop (v2sf);
	s0 =	sadd.s32 s6, s0  }
0x4c: {  	(v2sf) =	vpush v3, $0x3;
	[tilespmem:s20], [sflag:$0x1] =	stream.strided.gather [hbm4b:s0+s14], $0x0, s15, s14, $0x38;
	[tilespmem:$0x10800] =	vst v63  }
0x4d: {  	s2 =	sand.u32 $0x1FFFFFF0, s19  }
0x4e: {  	[tilespmem:s20], [sflag:$0x1] =	stream.linear.gather [hbm4b:s0+s1], $0x10, $0x38;
	[tilespmem:$0x10800] =	vst v63  }
0x4f: {  	s22 =	simm.s32 $0x900;
	s21 =	spop (v2sf);
	s2 =	sadd.s32 s3, s2  }
0x50: {  	(v2sf) =	vpush v2, $0x3;
	[tilespmem:s22], [sflag:$0x1] =	stream.strided.gather [hbm4b:s2+s14], $0x0, s15, s14, $0x38;
	[tilespmem:$0x10800] =	vst v63  }
0x51: {  	s0 =	sand.u32 $0x1FFFFFF0, s21  }
0x52: {  	[tilespmem:s22], [sflag:$0x1] =	stream.linear.gather [hbm4b:s2+s1], $0x40, $0x38;
	[tilespmem:$0x10800] =	vst v63  }
0x53: {  	s24 =	simm.s32 $0x940;
	s23 =	spop (v2sf);
	s0 =	sadd.s32 s4, s0  }
0x54: {  	(v2sf) =	vpush v63, $0x3;
	[tilespmem:s24], [sflag:$0x1] =	stream.strided.gather [hbm4b:s0+s14], $0x0, s15, s14, $0x38;
	[tilespmem:$0x10800] =	vst v63  }
0x55: {  	s25 =	spop (v2sf);
	s2 =	sand.u32 $0x1FFFFFF0, s23  }
0x56: {  	(v2sf) =	vpush v62, $0x3;
	[tilespmem:s24], [sflag:$0x1] =	stream.linear.gather [hbm4b:s0+s1], $0x10, $0x38;
	[tilespmem:$0x10800] =	vst v63  }
0x57: {  	s26 =	simm.s32 $0x950;
	s2 =	sadd.s32 s5, s2  }
0x58: {  	[tilespmem:s26], [sflag:$0x1] =	stream.strided.gather [hbm4b:s2+s14], $0x0, s15, s14, $0x38;
	[tilespmem:$0x10800] =	vst v63  }
0x59: {  	s0 =	sand.u32 $0x1FFFFFF0, s25  }
0x5a: {  	[tilespmem:s26], [sflag:$0x1] =	stream.linear.gather [hbm4b:s2+s1], $0x20, $0x38;
	[tilespmem:$0x10800] =	vst v63  }
0x5b: {  	s29 =	simm.s32 $0x970;
	s28 =	spop (v2sf);
	s0 =	sadd.s32 s6, s0  }
0x5c: {  	(v2sf) =	vpush v3, $0x4;
	[tilespmem:s29], [sflag:$0x1] =	stream.strided.gather [hbm4b:s0+s14], $0x0, s15, s14, $0x38;
	[tilespmem:$0x10800] =	vst v63  }
0x5d: {  	s2 =	sand.u32 $0x1FFFFFF0, s28  }
0x5e: {  	[tilespmem:s29], [sflag:$0x1] =	stream.linear.gather [hbm4b:s0+s1], $0x10, $0x38;
	[tilespmem:$0x10800] =	vst v63  }
0x5f: {  	s31 =	simm.s32 $0x980;
	s30 =	spop (v2sf);
	s2 =	sadd.s32 s3, s2  }
0x60: {  	(v2sf) =	vpush v2, $0x4;
	[tilespmem:s31], [sflag:$0x1] =	stream.strided.gather [hbm4b:s2+s14], $0x0, s15, s14, $0x38;
	[tilespmem:$0x10800] =	vst v63  }
0x61: {  	s0 =	sand.u32 $0x1FFFFFF0, s30  }
0x62: {  	[tilespmem:s31], [sflag:$0x1] =	stream.linear.gather [hbm4b:s2+s1], $0x40, $0x38;
	[tilespmem:$0x10800] =	vst v63  }
0x63: {  	s9 =	simm.s32 $0x9C0;
	s8 =	spop (v2sf);
	s0 =	sadd.s32 s4, s0  }
0x64: {  	(v2sf) =	vpush v63, $0x4;
	[tilespmem:s9], [sflag:$0x1] =	stream.strided.gather [hbm4b:s0+s14], $0x0, s15, s14, $0x38;
	[tilespmem:$0x10800] =	vst v63  }
0x65: {  	s11 =	spop (v2sf);
	s2 =	sand.u32 $0x1FFFFFF0, s8  }
0x66: {  	(v2sf) =	vpush v62, $0x4;
	[tilespmem:s9], [sflag:$0x1] =	stream.linear.gather [hbm4b:s0+s1], $0x10, $0x38;
	[tilespmem:$0x10800] =	vst v63  }
0x67: {  	s12 =	simm.s32 $0x9D0;
	s2 =	sadd.s32 s5, s2  }
0x68: {  	[tilespmem:s12], [sflag:$0x1] =	stream.strided.gather [hbm4b:s2+s14], $0x0, s15, s14, $0x38;
	[tilespmem:$0x10800] =	vst v63  }
0x69: {  	s0 =	sand.u32 $0x1FFFFFF0, s11  }
0x6a: {  	[tilespmem:s12], [sflag:$0x1] =	stream.linear.gather [hbm4b:s2+s1], $0x20, $0x38;
	[tilespmem:$0x10800] =	vst v63  }
0x6b: {  	s16 =	simm.s32 $0x9F0;
	s13 =	spop (v2sf);
	s0 =	sadd.s32 s6, s0  }
0x6c: {  	(v2sf) =	vpush v3, $0x5;
	[tilespmem:s16], [sflag:$0x1] =	stream.strided.gather [hbm4b:s0+s14], $0x0, s15, s14, $0x38;
	[tilespmem:$0x10800] =	vst v63  }
0x6d: {  	s2 =	sand.u32 $0x1FFFFFF0, s13  }
0x6e: {  	[tilespmem:s16], [sflag:$0x1] =	stream.linear.gather [hbm4b:s0+s1], $0x10, $0x38;
	[tilespmem:$0x10800] =	vst v63  }
0x6f: {  	s18 =	simm.s32 $0xA00;
	s17 =	spop (v2sf);
	s2 =	sadd.s32 s3, s2  }
0x70: {  	(v2sf) =	vpush v2, $0x5;
	[tilespmem:s18], [sflag:$0x1] =	stream.strided.gather [hbm4b:s2+s14], $0x0, s15, s14, $0x38;
	[tilespmem:$0x10800] =	vst v63  }
0x71: {  	s0 =	sand.u32 $0x1FFFFFF0, s17  }
0x72: {  	[tilespmem:s18], [sflag:$0x1] =	stream.linear.gather [hbm4b:s2+s1], $0x40, $0x38;
	[tilespmem:$0x10800] =	vst v63  }
0x73: {  	s20 =	simm.s32 $0xA40;
	s19 =	spop (v2sf);
	s0 =	sadd.s32 s4, s0  }
0x74: {  	(v2sf) =	vpush v63, $0x5;
	[tilespmem:s20], [sflag:$0x1] =	stream.strided.gather [hbm4b:s0+s14], $0x0, s15, s14, $0x38;
	[tilespmem:$0x10800] =	vst v63  }
0x75: {  	s21 =	spop (v2sf);
	s2 =	sand.u32 $0x1FFFFFF0, s19  }
0x76: {  	(v2sf) =	vpush v62, $0x5;
	[tilespmem:s20], [sflag:$0x1] =	stream.linear.gather [hbm4b:s0+s1], $0x10, $0x38;
	[tilespmem:$0x10800] =	vst v63  }
0x77: {  	s22 =	simm.s32 $0xA50;
	s2 =	sadd.s32 s5, s2  }
0x78: {  	[tilespmem:s22], [sflag:$0x1] =	stream.strided.gather [hbm4b:s2+s14], $0x0, s15, s14, $0x38;
	[tilespmem:$0x10800] =	vst v63  }
0x79: {  	s0 =	sand.u32 $0x1FFFFFF0, s21  }
0x7a: {  	[tilespmem:s22], [sflag:$0x1] =	stream.linear.gather [hbm4b:s2+s1], $0x20, $0x38;
	[tilespmem:$0x10800] =	vst v63  }
0x7b: {  	s24 =	simm.s32 $0xA70;
	s23 =	spop (v2sf);
	s0 =	sadd.s32 s6, s0  }
0x7c: {  	(v2sf) =	vpush v3, $0x6;
	[tilespmem:s24], [sflag:$0x1] =	stream.strided.gather [hbm4b:s0+s14], $0x0, s15, s14, $0x38;
	[tilespmem:$0x10800] =	vst v63  }
0x7d: {  	s2 =	sand.u32 $0x1FFFFFF0, s23  }
0x7e: {  	[tilespmem:s24], [sflag:$0x1] =	stream.linear.gather [hbm4b:s0+s1], $0x10, $0x38;
	[tilespmem:$0x10800] =	vst v63  }
0x7f: {  	s26 =	simm.s32 $0xA80;
	s25 =	spop (v2sf);
	s2 =	sadd.s32 s3, s2  }
0x80: {  	(v2sf) =	vpush v2, $0x6;
	[tilespmem:s26], [sflag:$0x1] =	stream.strided.gather [hbm4b:s2+s14], $0x0, s15, s14, $0x38;
	[tilespmem:$0x10800] =	vst v63  }
0x81: {  	s0 =	sand.u32 $0x1FFFFFF0, s25  }
0x82: {  	[tilespmem:s26], [sflag:$0x1] =	stream.linear.gather [hbm4b:s2+s1], $0x40, $0x38;
	[tilespmem:$0x10800] =	vst v63  }
0x83: {  	s29 =	simm.s32 $0xAC0;
	s28 =	spop (v2sf);
	s0 =	sadd.s32 s4, s0  }
0x84: {  	(v2sf) =	vpush v63, $0x6;
	[tilespmem:s29], [sflag:$0x1] =	stream.strided.gather [hbm4b:s0+s14], $0x0, s15, s14, $0x38;
	[tilespmem:$0x10800] =	vst v63  }
0x85: {  	s30 =	spop (v2sf);
	s2 =	sand.u32 $0x1FFFFFF0, s28  }
0x86: {  	(v2sf) =	vpush v62, $0x6;
	[tilespmem:s29], [sflag:$0x1] =	stream.linear.gather [hbm4b:s0+s1], $0x10, $0x38;
	[tilespmem:$0x10800] =	vst v63  }
0x87: {  	s31 =	simm.s32 $0xAD0;
	s2 =	sadd.s32 s5, s2  }
0x88: {  	[tilespmem:s31], [sflag:$0x1] =	stream.strided.gather [hbm4b:s2+s14], $0x0, s15, s14, $0x38;
	[tilespmem:$0x10800] =	vst v63  }
0x89: {  	s0 =	sand.u32 $0x1FFFFFF0, s30  }
0x8a: {  	[tilespmem:s31], [sflag:$0x1] =	stream.linear.gather [hbm4b:s2+s1], $0x20, $0x38;
	[tilespmem:$0x10800] =	vst v63  }
0x8b: {  	s9 =	simm.s32 $0xAF0;
	s8 =	spop (v2sf);
	s0 =	sadd.s32 s6, s0  }
0x8c: {  	(v2sf) =	vpush v3, $0x7;
	[tilespmem:s9], [sflag:$0x1] =	stream.strided.gather [hbm4b:s0+s14], $0x0, s15, s14, $0x38;
	[tilespmem:$0x10800] =	vst v63  }
0x8d: {  	s2 =	sand.u32 $0x1FFFFFF0, s8  }
0x8e: {  	[tilespmem:s9], [sflag:$0x1] =	stream.linear.gather [hbm4b:s0+s1], $0x10, $0x38;
	[tilespmem:$0x10800] =	vst v63  }
0x8f: {  	s12 =	simm.s32 $0xB00;
	s11 =	spop (v2sf);
	s2 =	sadd.s32 s3, s2  }
0x90: {  	(v2sf) =	vpush v2, $0x7;
	[tilespmem:s12], [sflag:$0x1] =	stream.strided.gather [hbm4b:s2+s14], $0x0, s15, s14, $0x38;
	[tilespmem:$0x10800] =	vst v63  }
0x91: {  	s0 =	sand.u32 $0x1FFFFFF0, s11  }
0x92: {  	[tilespmem:s12], [sflag:$0x1] =	stream.linear.gather [hbm4b:s2+s1], $0x40, $0x38;
	[tilespmem:$0x10800] =	vst v63  }
0x93: {  	s16 =	simm.s32 $0xB40;
	s13 =	spop (v2sf);
	s0 =	sadd.s32 s4, s0  }
0x94: {  	(v2sf) =	vpush v63, $0x7;
	[tilespmem:s16], [sflag:$0x1] =	stream.strided.gather [hbm4b:s0+s14], $0x0, s15, s14, $0x38;
	[tilespmem:$0x10800] =	vst v63  }
0x95: {  	s17 =	spop (v2sf);
	s2 =	sand.u32 $0x1FFFFFF0, s13  }
0x96: {  	(v2sf) =	vpush v62, $0x7;
	[tilespmem:s16], [sflag:$0x1] =	stream.linear.gather [hbm4b:s0+s1], $0x10, $0x38;
	[tilespmem:$0x10800] =	vst v63  }
0x97: {  	s18 =	simm.s32 $0xB50;
	s2 =	sadd.s32 s5, s2  }
0x98: {  	[tilespmem:s18], [sflag:$0x1] =	stream.strided.gather [hbm4b:s2+s14], $0x0, s15, s14, $0x38;
	[tilespmem:$0x10800] =	vst v63  }
0x99: {  	s0 =	sand.u32 $0x1FFFFFF0, s17  }
0x9a: {  	[tilespmem:s18], [sflag:$0x1] =	stream.linear.gather [hbm4b:s2+s1], $0x20, $0x38;
	[tilespmem:$0x10800] =	vst v63  }
0x9b: {  	s20 =	simm.s32 $0xB70;
	s19 =	spop (v2sf);
	s0 =	sadd.s32 s6, s0  }
0x9c: {  	(v2sf) =	vpush v3, $0x8;
	[tilespmem:s20], [sflag:$0x1] =	stream.strided.gather [hbm4b:s0+s14], $0x0, s15, s14, $0x38;
	[tilespmem:$0x10800] =	vst v63  }
0x9d: {  	s2 =	sand.u32 $0x1FFFFFF0, s19  }
0x9e: {  	[tilespmem:s20], [sflag:$0x1] =	stream.linear.gather [hbm4b:s0+s1], $0x10, $0x38;
	[tilespmem:$0x10800] =	vst v63  }
0x9f: {  	s22 =	simm.s32 $0xB80;
	s21 =	spop (v2sf);
	s2 =	sadd.s32 s3, s2  }
0xa0: {  	(v2sf) =	vpush v2, $0x8;
	[tilespmem:s22], [sflag:$0x1] =	stream.strided.gather [hbm4b:s2+s14], $0x0, s15, s14, $0x38;
	[tilespmem:$0x10800] =	vst v63  }
0xa1: {  	s0 =	sand.u32 $0x1FFFFFF0, s21  }
0xa2: {  	[tilespmem:s22], [sflag:$0x1] =	stream.linear.gather [hbm4b:s2+s1], $0x40, $0x38;
	[tilespmem:$0x10800] =	vst v63  }
0xa3: {  	s24 =	simm.s32 $0xBC0;
	s23 =	spop (v2sf);
	s0 =	sadd.s32 s4, s0  }
0xa4: {  	(v2sf) =	vpush v63, $0x8;
	[tilespmem:s24], [sflag:$0x1] =	stream.strided.gather [hbm4b:s0+s14], $0x0, s15, s14, $0x38;
	[tilespmem:$0x10800] =	vst v63  }
0xa5: {  	s25 =	spop (v2sf);
	s2 =	sand.u32 $0x1FFFFFF0, s23  }
0xa6: {  	(v2sf) =	vpush v62, $0x8;
	[tilespmem:s24], [sflag:$0x1] =	stream.linear.gather [hbm4b:s0+s1], $0x10, $0x38;
	[tilespmem:$0x10800] =	vst v63  }
0xa7: {  	s26 =	simm.s32 $0xBD0;
	s2 =	sadd.s32 s5, s2  }
0xa8: {  	[tilespmem:s26], [sflag:$0x1] =	stream.strided.gather [hbm4b:s2+s14], $0x0, s15, s14, $0x38;
	[tilespmem:$0x10800] =	vst v63  }
0xa9: {  	s0 =	sand.u32 $0x1FFFFFF0, s25  }
0xaa: {  	[tilespmem:s26], [sflag:$0x1] =	stream.linear.gather [hbm4b:s2+s1], $0x20, $0x38;
	[tilespmem:$0x10800] =	vst v63  }
0xab: {  	s29 =	simm.s32 $0xBF0;
	s28 =	spop (v2sf);
	s0 =	sadd.s32 s6, s0  }
0xac: {  	(v2sf) =	vpush v3, $0x9;
	[tilespmem:s29], [sflag:$0x1] =	stream.strided.gather [hbm4b:s0+s14], $0x0, s15, s14, $0x38;
	[tilespmem:$0x10800] =	vst v63  }
0xad: {  	s2 =	sand.u32 $0x1FFFFFF0, s28  }
0xae: {  	[tilespmem:s29], [sflag:$0x1] =	stream.linear.gather [hbm4b:s0+s1], $0x10, $0x38;
	[tilespmem:$0x10800] =	vst v63  }
0xaf: {  	s31 =	simm.s32 $0xC00;
	s30 =	spop (v2sf);
	s2 =	sadd.s32 s3, s2  }
0xb0: {  	(v2sf) =	vpush v2, $0x9;
	[tilespmem:s31], [sflag:$0x1] =	stream.strided.gather [hbm4b:s2+s14], $0x0, s15, s14, $0x38;
	[tilespmem:$0x10800] =	vst v63  }
0xb1: {  	s0 =	sand.u32 $0x1FFFFFF0, s30  }
0xb2: {  	[tilespmem:s31], [sflag:$0x1] =	stream.linear.gather [hbm4b:s2+s1], $0x40, $0x38;
	[tilespmem:$0x10800] =	vst v63  }
0xb3: {  	s9 =	simm.s32 $0xC40;
	s8 =	spop (v2sf);
	s0 =	sadd.s32 s4, s0  }
0xb4: {  	(v2sf) =	vpush v63, $0x9;
	[tilespmem:s9], [sflag:$0x1] =	stream.strided.gather [hbm4b:s0+s14], $0x0, s15, s14, $0x38;
	[tilespmem:$0x10800] =	vst v63  }
0xb5: {  	s11 =	spop (v2sf);
	s2 =	sand.u32 $0x1FFFFFF0, s8  }
0xb6: {  	(v2sf) =	vpush v62, $0x9;
	[tilespmem:s9], [sflag:$0x1] =	stream.linear.gather [hbm4b:s0+s1], $0x10, $0x38;
	[tilespmem:$0x10800] =	vst v63  }
0xb7: {  	s12 =	simm.s32 $0xC50;
	s2 =	sadd.s32 s5, s2  }
0xb8: {  	[tilespmem:s12], [sflag:$0x1] =	stream.strided.gather [hbm4b:s2+s14], $0x0, s15, s14, $0x38;
	[tilespmem:$0x10800] =	vst v63  }
0xb9: {  	s0 =	sand.u32 $0x1FFFFFF0, s11  }
0xba: {  	[tilespmem:s12], [sflag:$0x1] =	stream.linear.gather [hbm4b:s2+s1], $0x20, $0x38;
	[tilespmem:$0x10800] =	vst v63  }
0xbb: {  	s16 =	simm.s32 $0xC70;
	s13 =	spop (v2sf);
	s0 =	sadd.s32 s6, s0  }
0xbc: {  	(v2sf) =	vpush v3, $0xA;
	[tilespmem:s16], [sflag:$0x1] =	stream.strided.gather [hbm4b:s0+s14], $0x0, s15, s14, $0x38;
	[tilespmem:$0x10800] =	vst v63  }
0xbd: {  	s2 =	sand.u32 $0x1FFFFFF0, s13  }
0xbe: {  	[tilespmem:s16], [sflag:$0x1] =	stream.linear.gather [hbm4b:s0+s1], $0x10, $0x38;
	[tilespmem:$0x10800] =	vst v63  }
0xbf: {  	s18 =	simm.s32 $0xC80;
	s17 =	spop (v2sf);
	s2 =	sadd.s32 s3, s2  }
0xc0: {  	(v2sf) =	vpush v2, $0xA;
	[tilespmem:s18], [sflag:$0x1] =	stream.strided.gather [hbm4b:s2+s14], $0x0, s15, s14, $0x38;
	[tilespmem:$0x10800] =	vst v63  }
0xc1: {  	s0 =	sand.u32 $0x1FFFFFF0, s17  }
0xc2: {  	[tilespmem:s18], [sflag:$0x1] =	stream.linear.gather [hbm4b:s2+s1], $0x40, $0x38;
	[tilespmem:$0x10800] =	vst v63  }
0xc3: {  	s20 =	simm.s32 $0xCC0;
	s19 =	spop (v2sf);
	s0 =	sadd.s32 s4, s0  }
0xc4: {  	(v2sf) =	vpush v63, $0xA;
	[tilespmem:s20], [sflag:$0x1] =	stream.strided.gather [hbm4b:s0+s14], $0x0, s15, s14, $0x38;
	[tilespmem:$0x10800] =	vst v63  }
0xc5: {  	s21 =	spop (v2sf);
	s2 =	sand.u32 $0x1FFFFFF0, s19  }
0xc6: {  	(v2sf) =	vpush v62, $0xA;
	[tilespmem:s20], [sflag:$0x1] =	stream.linear.gather [hbm4b:s0+s1], $0x10, $0x38;
	[tilespmem:$0x10800] =	vst v63  }
0xc7: {  	s22 =	simm.s32 $0xCD0;
	s2 =	sadd.s32 s5, s2  }
0xc8: {  	[tilespmem:s22], [sflag:$0x1] =	stream.strided.gather [hbm4b:s2+s14], $0x0, s15, s14, $0x38;
	[tilespmem:$0x10800] =	vst v63  }
0xc9: {  	s0 =	sand.u32 $0x1FFFFFF0, s21  }
0xca: {  	[tilespmem:s22], [sflag:$0x1] =	stream.linear.gather [hbm4b:s2+s1], $0x20, $0x38;
	[tilespmem:$0x10800] =	vst v63  }
0xcb: {  	s24 =	simm.s32 $0xCF0;
	s23 =	spop (v2sf);
	s0 =	sadd.s32 s6, s0  }
0xcc: {  	(v2sf) =	vpush v3, $0xB;
	[tilespmem:s24], [sflag:$0x1] =	stream.strided.gather [hbm4b:s0+s14], $0x0, s15, s14, $0x38;
	[tilespmem:$0x10800] =	vst v63  }
0xcd: {  	s2 =	sand.u32 $0x1FFFFFF0, s23  }
0xce: {  	[tilespmem:s24], [sflag:$0x1] =	stream.linear.gather [hbm4b:s0+s1], $0x10, $0x38;
	[tilespmem:$0x10800] =	vst v63  }
0xcf: {  	s26 =	simm.s32 $0xD00;
	s25 =	spop (v2sf);
	s2 =	sadd.s32 s3, s2  }
0xd0: {  	(v2sf) =	vpush v2, $0xB;
	[tilespmem:s26], [sflag:$0x1] =	stream.strided.gather [hbm4b:s2+s14], $0x0, s15, s14, $0x38;
	[tilespmem:$0x10800] =	vst v63  }
0xd1: {  	s0 =	sand.u32 $0x1FFFFFF0, s25  }
0xd2: {  	[tilespmem:s26], [sflag:$0x1] =	stream.linear.gather [hbm4b:s2+s1], $0x40, $0x38;
	[tilespmem:$0x10800] =	vst v63  }
0xd3: {  	s29 =	simm.s32 $0xD40;
	s28 =	spop (v2sf);
	s0 =	sadd.s32 s4, s0  }
0xd4: {  	(v2sf) =	vpush v63, $0xB;
	[tilespmem:s29], [sflag:$0x1] =	stream.strided.gather [hbm4b:s0+s14], $0x0, s15, s14, $0x38;
	[tilespmem:$0x10800] =	vst v63  }
0xd5: {  	s30 =	spop (v2sf);
	s2 =	sand.u32 $0x1FFFFFF0, s28  }
0xd6: {  	(v2sf) =	vpush v62, $0xB;
	[tilespmem:s29], [sflag:$0x1] =	stream.linear.gather [hbm4b:s0+s1], $0x10, $0x38;
	[tilespmem:$0x10800] =	vst v63  }
0xd7: {  	s31 =	simm.s32 $0xD50;
	s2 =	sadd.s32 s5, s2  }
0xd8: {  	[tilespmem:s31], [sflag:$0x1] =	stream.strided.gather [hbm4b:s2+s14], $0x0, s15, s14, $0x38;
	[tilespmem:$0x10800] =	vst v63  }
0xd9: {  	s0 =	sand.u32 $0x1FFFFFF0, s30  }
0xda: {  	[tilespmem:s31], [sflag:$0x1] =	stream.linear.gather [hbm4b:s2+s1], $0x20, $0x38;
	[tilespmem:$0x10800] =	vst v63  }
0xdb: {  	s9 =	simm.s32 $0xD70;
	s8 =	spop (v2sf);
	s0 =	sadd.s32 s6, s0  }
0xdc: {  	(v2sf) =	vpush v3, $0xC;
	[tilespmem:s9], [sflag:$0x1] =	stream.strided.gather [hbm4b:s0+s14], $0x0, s15, s14, $0x38;
	[tilespmem:$0x10800] =	vst v63  }
0xdd: {  	s2 =	sand.u32 $0x1FFFFFF0, s8  }
0xde: {  	[tilespmem:s9], [sflag:$0x1] =	stream.linear.gather [hbm4b:s0+s1], $0x10, $0x38;
	[tilespmem:$0x10800] =	vst v63  }
0xdf: {  	s12 =	simm.s32 $0xD80;
	s11 =	spop (v2sf);
	s2 =	sadd.s32 s3, s2  }
0xe0: {  	(v2sf) =	vpush v2, $0xC;
	[tilespmem:s12], [sflag:$0x1] =	stream.strided.gather [hbm4b:s2+s14], $0x0, s15, s14, $0x38;
	[tilespmem:$0x10800] =	vst v63  }
0xe1: {  	s0 =	sand.u32 $0x1FFFFFF0, s11  }
0xe2: {  	[tilespmem:s12], [sflag:$0x1] =	stream.linear.gather [hbm4b:s2+s1], $0x40, $0x38;
	[tilespmem:$0x10800] =	vst v63  }
0xe3: {  	s16 =	simm.s32 $0xDC0;
	s13 =	spop (v2sf);
	s0 =	sadd.s32 s4, s0  }
0xe4: {  	(v2sf) =	vpush v63, $0xC;
	[tilespmem:s16], [sflag:$0x1] =	stream.strided.gather [hbm4b:s0+s14], $0x0, s15, s14, $0x38;
	[tilespmem:$0x10800] =	vst v63  }
0xe5: {  	s17 =	spop (v2sf);
	s2 =	sand.u32 $0x1FFFFFF0, s13  }
0xe6: {  	(v2sf) =	vpush v62, $0xC;
	[tilespmem:s16], [sflag:$0x1] =	stream.linear.gather [hbm4b:s0+s1], $0x10, $0x38;
	[tilespmem:$0x10800] =	vst v63  }
0xe7: {  	s18 =	simm.s32 $0xDD0;
	s2 =	sadd.s32 s5, s2  }
0xe8: {  	[tilespmem:s18], [sflag:$0x1] =	stream.strided.gather [hbm4b:s2+s14], $0x0, s15, s14, $0x38;
	[tilespmem:$0x10800] =	vst v63  }
0xe9: {  	s0 =	sand.u32 $0x1FFFFFF0, s17  }
0xea: {  	[tilespmem:s18], [sflag:$0x1] =	stream.linear.gather [hbm4b:s2+s1], $0x20, $0x38;
	[tilespmem:$0x10800] =	vst v63  }
0xeb: {  	s20 =	simm.s32 $0xDF0;
	s19 =	spop (v2sf);
	s0 =	sadd.s32 s6, s0  }
0xec: {  	(v2sf) =	vpush v3, $0xD;
	[tilespmem:s20], [sflag:$0x1] =	stream.strided.gather [hbm4b:s0+s14], $0x0, s15, s14, $0x38;
	[tilespmem:$0x10800] =	vst v63  }
0xed: {  	s2 =	sand.u32 $0x1FFFFFF0, s19  }
0xee: {  	[tilespmem:s20], [sflag:$0x1] =	stream.linear.gather [hbm4b:s0+s1], $0x10, $0x38;
	[tilespmem:$0x10800] =	vst v63  }
0xef: {  	s22 =	simm.s32 $0xE00;
	s21 =	spop (v2sf);
	s2 =	sadd.s32 s3, s2  }
0xf0: {  	(v2sf) =	vpush v2, $0xD;
	[tilespmem:s22], [sflag:$0x1] =	stream.strided.gather [hbm4b:s2+s14], $0x0, s15, s14, $0x38;
	[tilespmem:$0x10800] =	vst v63  }
0xf1: {  	s0 =	sand.u32 $0x1FFFFFF0, s21  }
0xf2: {  	[tilespmem:s22], [sflag:$0x1] =	stream.linear.gather [hbm4b:s2+s1], $0x40, $0x38;
	[tilespmem:$0x10800] =	vst v63  }
0xf3: {  	s24 =	simm.s32 $0xE40;
	s23 =	spop (v2sf);
	s0 =	sadd.s32 s4, s0  }
0xf4: {  	(v2sf) =	vpush v63, $0xD;
	[tilespmem:s24], [sflag:$0x1] =	stream.strided.gather [hbm4b:s0+s14], $0x0, s15, s14, $0x38;
	[tilespmem:$0x10800] =	vst v63  }
0xf5: {  	s25 =	spop (v2sf);
	s2 =	sand.u32 $0x1FFFFFF0, s23  }
0xf6: {  	(v2sf) =	vpush v62, $0xD;
	[tilespmem:s24], [sflag:$0x1] =	stream.linear.gather [hbm4b:s0+s1], $0x10, $0x38;
	[tilespmem:$0x10800] =	vst v63  }
0xf7: {  	s26 =	simm.s32 $0xE50;
	s2 =	sadd.s32 s5, s2  }
0xf8: {  	[tilespmem:s26], [sflag:$0x1] =	stream.strided.gather [hbm4b:s2+s14], $0x0, s15, s14, $0x38;
	[tilespmem:$0x10800] =	vst v63  }
0xf9: {  	s0 =	sand.u32 $0x1FFFFFF0, s25  }
0xfa: {  	[tilespmem:s26], [sflag:$0x1] =	stream.linear.gather [hbm4b:s2+s1], $0x20, $0x38;
	[tilespmem:$0x10800] =	vst v63  }
0xfb: {  	s29 =	simm.s32 $0xE70;
	s28 =	spop (v2sf);
	s0 =	sadd.s32 s6, s0  }
0xfc: {  	(v2sf) =	vpush v3, $0xE;
	[tilespmem:s29], [sflag:$0x1] =	stream.strided.gather [hbm4b:s0+s14], $0x0, s15, s14, $0x38;
	[tilespmem:$0x10800] =	vst v63  }
0xfd: {  	s2 =	sand.u32 $0x1FFFFFF0, s28  }
0xfe: {  	[tilespmem:s29], [sflag:$0x1] =	stream.linear.gather [hbm4b:s0+s1], $0x10, $0x38;
	[tilespmem:$0x10800] =	vst v63  }
0xff: {  	s31 =	simm.s32 $0xE80;
	s30 =	spop (v2sf);
	s2 =	sadd.s32 s3, s2  }
0x100: {  	(v2sf) =	vpush v2, $0xE;
	[tilespmem:s31], [sflag:$0x1] =	stream.strided.gather [hbm4b:s2+s14], $0x0, s15, s14, $0x38;
	[tilespmem:$0x10800] =	vst v63  }
0x101: {  	s0 =	sand.u32 $0x1FFFFFF0, s30  }
0x102: {  	[tilespmem:s31], [sflag:$0x1] =	stream.linear.gather [hbm4b:s2+s1], $0x40, $0x38;
	[tilespmem:$0x10800] =	vst v63  }
0x103: {  	s9 =	simm.s32 $0xEC0;
	s8 =	spop (v2sf);
	s0 =	sadd.s32 s4, s0  }
0x104: {  	(v2sf) =	vpush v63, $0xE;
	[tilespmem:s9], [sflag:$0x1] =	stream.strided.gather [hbm4b:s0+s14], $0x0, s15, s14, $0x38;
	[tilespmem:$0x10800] =	vst v63  }
0x105: {  	s11 =	spop (v2sf);
	s2 =	sand.u32 $0x1FFFFFF0, s8  }
0x106: {  	(v2sf) =	vpush v62, $0xE;
	[tilespmem:s9], [sflag:$0x1] =	stream.linear.gather [hbm4b:s0+s1], $0x10, $0x38;
	[tilespmem:$0x10800] =	vst v63  }
0x107: {  	s12 =	simm.s32 $0xED0;
	s2 =	sadd.s32 s5, s2  }
0x108: {  	[tilespmem:s12], [sflag:$0x1] =	stream.strided.gather [hbm4b:s2+s14], $0x0, s15, s14, $0x38;
	[tilespmem:$0x10800] =	vst v63  }
0x109: {  	s0 =	sand.u32 $0x1FFFFFF0, s11  }
0x10a: {  	[tilespmem:s12], [sflag:$0x1] =	stream.linear.gather [hbm4b:s2+s1], $0x20, $0x38;
	[tilespmem:$0x10800] =	vst v63  }
0x10b: {  	s16 =	simm.s32 $0xEF0;
	s13 =	spop (v2sf);
	s0 =	sadd.s32 s6, s0  }
0x10c: {  	(v2sf) =	vpush v3, $0xF;
	[tilespmem:s16], [sflag:$0x1] =	stream.strided.gather [hbm4b:s0+s14], $0x0, s15, s14, $0x38;
	[tilespmem:$0x10800] =	vst v63  }
0x10d: {  	s2 =	sand.u32 $0x1FFFFFF0, s13  }
0x10e: {  	[tilespmem:s16], [sflag:$0x1] =	stream.linear.gather [hbm4b:s0+s1], $0x10, $0x38;
	[tilespmem:$0x10800] =	vst v63  }
0x10f: {  	s18 =	simm.s32 $0xF00;
	s17 =	spop (v2sf);
	s2 =	sadd.s32 s3, s2  }
0x110: {  	(v2sf) =	vpush v2, $0xF;
	[tilespmem:s18], [sflag:$0x1] =	stream.strided.gather [hbm4b:s2+s14], $0x0, s15, s14, $0x38;
	[tilespmem:$0x10800] =	vst v63  }
0x111: {  	s0 =	sand.u32 $0x1FFFFFF0, s17  }
0x112: {  	[tilespmem:s18], [sflag:$0x1] =	stream.linear.gather [hbm4b:s2+s1], $0x40, $0x38;
	[tilespmem:$0x10800] =	vst v63  }
0x113: {  	s20 =	simm.s32 $0xF40;
	s19 =	spop (v2sf);
	s0 =	sadd.s32 s4, s0  }
0x114: {  	(v2sf) =	vpush v63, $0xF;
	[tilespmem:s20], [sflag:$0x1] =	stream.strided.gather [hbm4b:s0+s14], $0x0, s15, s14, $0x38;
	[tilespmem:$0x10800] =	vst v63  }
0x115: {  	s21 =	spop (v2sf);
	s2 =	sand.u32 $0x1FFFFFF0, s19  }
0x116: {  	(v2sf) =	vpush v62, $0xF;
	[tilespmem:s20], [sflag:$0x1] =	stream.linear.gather [hbm4b:s0+s1], $0x10, $0x38;
	[tilespmem:$0x10800] =	vst v63  }
0x117: {  	s22 =	simm.s32 $0xF50;
	s2 =	sadd.s32 s5, s2  }
0x118: {  	[tilespmem:s22], [sflag:$0x1] =	stream.strided.gather [hbm4b:s2+s14], $0x0, s15, s14, $0x38;
	[tilespmem:$0x10800] =	vst v63  }
0x119: {  	s0 =	sand.u32 $0x1FFFFFF0, s21  }
0x11a: {  	[tilespmem:s22], [sflag:$0x1] =	stream.linear.gather [hbm4b:s2+s1], $0x20, $0x38;
	[tilespmem:$0x10800] =	vst v63  }
0x11b: {  	s24 =	simm.s32 $0xF70;
	s23 =	spop (v2sf);
	s0 =	sadd.s32 s6, s0  }
0x11c: {  	[tilespmem:s24], [sflag:$0x1] =	stream.strided.gather [hbm4b:s0+s14], $0x0, s15, s14, $0x38;
	[tilespmem:$0x10800] =	vst v63  }
0x11d: {  	s2 =	sand.u32 $0x1FFFFFF0, s23  }
0x11e: {  	[tilespmem:s24], [sflag:$0x1] =	stream.linear.gather [hbm4b:s0+s1], $0x10, $0x38;
	[tilespmem:$0x10800] =	vst v63  }
0x11f: {  	s26 =	simm.s32 $0xF80;
	s25 =	spop (v2sf);
	s2 =	sadd.s32 s3, s2  }
0x120: {  	[tilespmem:s26], [sflag:$0x1] =	stream.strided.gather [hbm4b:s2+s14], $0x0, s15, s14, $0x38;
	[tilespmem:$0x10800] =	vst v63  }
0x121: {  	s7 =	simm.s32 $0xFF0;
	s29 =	simm.s32 $0xFC0;
	s0 =	sand.u32 $0x1FFFFFF0, s25  }
0x122: {  	[tilespmem:s26], [sflag:$0x1] =	stream.linear.gather [hbm4b:s2+s1], $0x40, $0x38;
	[tilespmem:$0x10800] =	vst v63  }
0x123: {  	s31 =	simm.s32 $0xFD0;
	s28 =	spop (v2sf);
	s0 =	sadd.s32 s4, s0  }
0x124: {  	[tilespmem:s29], [sflag:$0x1] =	stream.strided.gather [hbm4b:s0+s14], $0x0, s15, s14, $0x38;
	[tilespmem:$0x10800] =	vst v63  }
0x125: {  	s30 =	spop (v2sf);
	s20 =	simm.s32 $0x2000;
	s2 =	sand.u32 $0x1FFFFFF0, s28  }
0x126: {  	[tilespmem:s29], [sflag:$0x1] =	stream.linear.gather [hbm4b:s0+s1], $0x10, $0x38;
	[tilespmem:$0x10800] =	vst v63  }
0x127: {  	s21 =	simm.s32 $0x610;
	s2 =	sadd.s32 s5, s2;
	s0 =	sand.u32 $0x1FFFFFF0, s30  }
0x128: {  	[tilespmem:s31], [sflag:$0x1] =	stream.strided.gather [hbm4b:s2+s14], $0x0, s15, s14, $0x38;
	[tilespmem:$0x10800] =	vst v63  }
0x129: {  	s22 =	simm.s32 $0x0;
	s23 =	simm.s32 $0x400;
	s0 =	sadd.s32 s6, s0  }
0x12a: {  	[tilespmem:s31], [sflag:$0x1] =	stream.linear.gather [hbm4b:s2+s1], $0x20, $0x38;
	[tilespmem:$0x10800] =	vst v63  }
.LBB2_2:
0x12b: {  	[tilespmem:s7], [sflag:$0x1] =	stream.strided.gather [hbm4b:s0+s14], $0x0, s15, s14, $0x38;
	[tilespmem:$0x10800] =	vst v63  }
0x12c: {  	s22 =	sadd.s32 $0x10, s22  }
0x12d: {  	[tilespmem:s7], [sflag:$0x1] =	stream.linear.gather [hbm4b:s0+s1], $0x10, $0x38;
	[tilespmem:$0x10800] =	vst v63  }
0x12e: {  	v0 =	vld [tilespmem:s22+$0x0]  }
0x12f: {  	s10 =	sadd.s32 $0x10, s10;
	v1 =	vld [tilespmem:s21+$0x0]  }
0x130: {  	v2 =	vld [tilespmem:s10+$0x0];
	_ =	sdelay $0x2  }
0x131: {  	s23 =	sadd.s32 $0x10, s23;
	v3 =	vshll.u32 v0, $0x4  }
0x132: {  	v4 =	vld [tilespmem:s23+$0x0];
	v62 =	vshll.u32 v1, $0x4;
	(v2sf) =	vpush v3, $0x0  }
0x133: {  	v2 =	vshll.u32 v2, $0x4;
	(v2sf) =	vpush v62, $0x0  }
0x134: {  	(v2sf) =	vpush v2, $0x0;
	_ =	sdelay $0x1  }
0x135: {  	(v2sf) =	vpush v3, $0x1  }
0x136: {  	v63 =	vshll.u32 v4, $0x4  }
0x137: {  	(v2sf) =	vpush v63, $0x0;
	_ =	sdelay $0x1  }
0x138: {  	(v2sf) =	vpush v2, $0x1;
	_ =	sdelay $0x1  }
0x139: {  	(v2sf) =	vpush v63, $0x1;
	_ =	sdelay $0x1  }
0x13a: {  	(v2sf) =	vpush v62, $0x1;
	_ =	sdelay $0x2  }
0x13b: {  	s2 =	smov.u32 s20;
	s18 =	spop (v2sf)  }
0x13c: {  	s24 =	sshra.s32 s2, $0x2;
	s0 =	sand.u32 $0x1FFFFFF0, s18;
	s19 =	spop (v2sf);
	(v2sf) =	vpush v3, $0x2  }
0x13d: {  	s25 =	sadd.s32 $0x800, s24;
	s0 =	sadd.s32 s3, s0;
	s8 =	spop (v2sf)  }
0x13e: {  	[tilespmem:s25], [sflag:$0x1] =	stream.strided.gather [hbm4b:s0+s14], $0x0, s15, s14, $0x38;
	[tilespmem:$0x10800] =	vst v63  }
0x13f: {  	s8 =	sand.u32 $0x1FFFFFF0, s8;
	s26 =	spop (v2sf)  }
0x140: {  	(v2sf) =	vpush v2, $0x2;
	[tilespmem:s25], [sflag:$0x1] =	stream.linear.gather [hbm4b:s0+s1], $0x40, $0x38;
	[tilespmem:$0x10800] =	vst v63  }
0x141: {  	s9 =	sadd.s32 $0x840, s24;
	s28 =	sadd.s32 s4, s8;
	s30 =	spop (v2sf)  }
0x142: {  	[tilespmem:s9], [sflag:$0x1] =	stream.strided.gather [hbm4b:s28+s14], $0x0, s15, s14, $0x38;
	[tilespmem:$0x10800] =	vst v63  }
0x143: {  	s8 =	sand.u32 $0x1FFFFFF0, s30;
	s11 =	spop (v2sf)  }
0x144: {  	(v2sf) =	vpush v63, $0x2;
	[tilespmem:s9], [sflag:$0x1] =	stream.linear.gather [hbm4b:s28+s1], $0x10, $0x38;
	[tilespmem:$0x10800] =	vst v63  }
0x145: {  	s31 =	sadd.s32 $0x850, s24;
	s8 =	sadd.s32 s5, s8;
	s13 =	spop (v2sf)  }
0x146: {  	(v2sf) =	vpush v62, $0x2;
	[tilespmem:s31], [sflag:$0x1] =	stream.strided.gather [hbm4b:s8+s14], $0x0, s15, s14, $0x38;
	[tilespmem:$0x10800] =	vst v63  }
0x147: {  	s2 =	sand.u32 $0x1FFFFFF0, s19;
	s16 =	spop (v2sf)  }
0x148: {  	(v2sf) =	vpush v3, $0x3;
	[tilespmem:s31], [sflag:$0x1] =	stream.linear.gather [hbm4b:s8+s1], $0x20, $0x38;
	[tilespmem:$0x10800] =	vst v63  }
0x149: {  	s17 =	sadd.s32 $0x870, s24;
	s2 =	sadd.s32 s6, s2  }
0x14a: {  	[tilespmem:s17], [sflag:$0x1] =	stream.strided.gather [hbm4b:s2+s14], $0x0, s15, s14, $0x38;
	[tilespmem:$0x10800] =	vst v63  }
0x14b: {  	s29 =	sand.u32 $0x1FFFFFF0, s26;
	s19 =	spop (v2sf)  }
0x14c: {  	(v2sf) =	vpush v2, $0x3;
	[tilespmem:s17], [sflag:$0x1] =	stream.linear.gather [hbm4b:s2+s1], $0x10, $0x38;
	[tilespmem:$0x10800] =	vst v63  }
0x14d: {  	[dreg:$0x6] =	wrdreg s10;
	s25 =	sadd.s32 $0x880, s24;
	s26 =	sadd.s32 s3, s29  }
0x14e: {  	(v2sf) =	vpush v63, $0x3;
	[tilespmem:s25], [sflag:$0x1] =	stream.strided.gather [hbm4b:s26+s14], $0x0, s15, s14, $0x38;
	[tilespmem:$0x10800] =	vst v63  }
0x14f: {  	s18 =	sadd.s32 $0xFF0, s24;
	s12 =	sand.u32 $0x1FFFFFF0, s11;
	s29 =	spop (v2sf)  }
0x150: {  	(v2sf) =	vpush v62, $0x3;
	[tilespmem:s25], [sflag:$0x1] =	stream.linear.gather [hbm4b:s26+s1], $0x40, $0x38;
	[tilespmem:$0x10800] =	vst v63  }
0x151: {  	s30 =	sadd.s32 $0x8C0, s24;
	s10 =	sand.u32 $0x1FFFFFF0, s16;
	s31 =	sadd.s32 s4, s12  }
0x152: {  	[tilespmem:s30], [sflag:$0x1] =	stream.strided.gather [hbm4b:s31+s14], $0x0, s15, s14, $0x38;
	[tilespmem:$0x10800] =	vst v63  }
0x153: {  	s9 =	sand.u32 $0x1FFFFFF0, s13;
	s13 =	sadd.s32 $0x8D0, s24;
	s12 =	spop (v2sf)  }
0x154: {  	[tilespmem:s30], [sflag:$0x1] =	stream.linear.gather [hbm4b:s31+s1], $0x10, $0x38;
	[tilespmem:$0x10800] =	vst v63  }
0x155: {  	s16 =	sadd.s32 s5, s9;
	s8 =	sand.u32 $0x1FFFFFF0, s12;
	s12 =	spop (v2sf)  }
0x156: {  	(v2sf) =	vpush v3, $0x4;
	[tilespmem:s13], [sflag:$0x1] =	stream.strided.gather [hbm4b:s16+s14], $0x0, s15, s14, $0x38;
	[tilespmem:$0x10800] =	vst v63  }
0x157: {  	[dreg:$0x7] =	wrdreg s18;
	s17 =	spop (v2sf)  }
0x158: {  	(v2sf) =	vpush v2, $0x4;
	[tilespmem:s13], [sflag:$0x1] =	stream.linear.gather [hbm4b:s16+s1], $0x20, $0x38;
	[tilespmem:$0x10800] =	vst v63  }
0x159: {  	s18 =	sadd.s32 $0x8F0, s24;
	s28 =	sand.u32 $0x1FFFFFF0, s19;
	s19 =	sadd.s32 s6, s10  }
0x15a: {  	(v2sf) =	vpush v63, $0x4;
	[tilespmem:s18], [sflag:$0x1] =	stream.strided.gather [hbm4b:s19+s14], $0x0, s15, s14, $0x38;
	[tilespmem:$0x10800] =	vst v63  }
0x15b: {  	s28 =	sadd.s32 s3, s28;
	s25 =	spop (v2sf)  }
0x15c: {  	(v2sf) =	vpush v62, $0x4;
	[tilespmem:s18], [sflag:$0x1] =	stream.linear.gather [hbm4b:s19+s1], $0x10, $0x38;
	[tilespmem:$0x10800] =	vst v63  }
0x15d: {  	s11 =	sand.u32 $0x1FFFFFF0, s29;
	s26 =	sadd.s32 $0x900, s24;
	s29 =	spop (v2sf)  }
0x15e: {  	[tilespmem:s26], [sflag:$0x1] =	stream.strided.gather [hbm4b:s28+s14], $0x0, s15, s14, $0x38;
	[tilespmem:$0x10800] =	vst v63  }
0x15f: {  	s30 =	spop (v2sf)  }
0x160: {  	(v2sf) =	vpush v3, $0x5;
	[tilespmem:s26], [sflag:$0x1] =	stream.linear.gather [hbm4b:s28+s1], $0x40, $0x38;
	[tilespmem:$0x10800] =	vst v63  }
0x161: {  	s11 =	sadd.s32 s4, s11;
	s31 =	sadd.s32 $0x940, s24  }
0x162: {  	[tilespmem:s31], [sflag:$0x1] =	stream.strided.gather [hbm4b:s11+s14], $0x0, s15, s14, $0x38;
	[tilespmem:$0x10800] =	vst v63  }
0x163: {  	s12 =	sand.u32 $0x1FFFFFF0, s12;
	s8 =	sadd.s32 s5, s8  }
0x164: {  	[tilespmem:s31], [sflag:$0x1] =	stream.linear.gather [hbm4b:s11+s1], $0x10, $0x38;
	[tilespmem:$0x10800] =	vst v63  }
0x165: {  	s10 =	sand.u32 $0x1FFFFFF0, s17;
	s17 =	sadd.s32 $0x950, s24;
	s16 =	spop (v2sf)  }
0x166: {  	(v2sf) =	vpush v2, $0x5;
	[tilespmem:s17], [sflag:$0x1] =	stream.strided.gather [hbm4b:s8+s14], $0x0, s15, s14, $0x38;
	[tilespmem:$0x10800] =	vst v63  }
0x167: {  	s12 =	sadd.s32 s6, s12;
	s18 =	spop (v2sf)  }
0x168: {  	(v2sf) =	vpush v63, $0x5;
	[tilespmem:s17], [sflag:$0x1] =	stream.linear.gather [hbm4b:s8+s1], $0x20, $0x38;
	[tilespmem:$0x10800] =	vst v63  }
0x169: {  	s13 =	sand.u32 $0x1FFFFFF0, s25;
	s19 =	sadd.s32 $0x970, s24;
	s25 =	spop (v2sf)  }
0x16a: {  	(v2sf) =	vpush v62, $0x5;
	[tilespmem:s19], [sflag:$0x1] =	stream.strided.gather [hbm4b:s12+s14], $0x0, s15, s14, $0x38;
	[tilespmem:$0x10800] =	vst v63  }
0x16b: {  	s7 =	sand.u32 $0x1FFFFFF0, s16;
	s16 =	spop (v2sf)  }
0x16c: {  	(v2sf) =	vpush v3, $0x6;
	[tilespmem:s19], [sflag:$0x1] =	stream.linear.gather [hbm4b:s12+s1], $0x10, $0x38;
	[tilespmem:$0x10800] =	vst v63  }
0x16d: {  	s10 =	sadd.s32 s3, s10;
	s26 =	sadd.s32 $0x980, s24  }
0x16e: {  	[tilespmem:s26], [sflag:$0x1] =	stream.strided.gather [hbm4b:s10+s14], $0x0, s15, s14, $0x38;
	[tilespmem:$0x10800] =	vst v63  }
0x16f: {  	s28 =	spop (v2sf)  }
0x170: {  	(v2sf) =	vpush v2, $0x6;
	[tilespmem:s26], [sflag:$0x1] =	stream.linear.gather [hbm4b:s10+s1], $0x40, $0x38;
	[tilespmem:$0x10800] =	vst v63  }
0x171: {  	s9 =	sand.u32 $0x1FFFFFF0, s29;
	s29 =	sadd.s32 $0x9C0, s24;
	s13 =	sadd.s32 s4, s13  }
0x172: {  	[tilespmem:s29], [sflag:$0x1] =	stream.strided.gather [hbm4b:s13+s14], $0x0, s15, s14, $0x38;
	[tilespmem:$0x10800] =	vst v63  }
0x173: {  	s2 =	sand.u32 $0x1FFFFFF0, s30  }
0x174: {  	(v2sf) =	vpush v63, $0x6;
	[tilespmem:s29], [sflag:$0x1] =	stream.linear.gather [hbm4b:s13+s1], $0x10, $0x38;
	[tilespmem:$0x10800] =	vst v63  }
0x175: {  	s9 =	sadd.s32 s5, s9;
	s31 =	sadd.s32 $0x9D0, s24;
	s30 =	spop (v2sf)  }
0x176: {  	(v2sf) =	vpush v62, $0x6;
	[tilespmem:s31], [sflag:$0x1] =	stream.strided.gather [hbm4b:s9+s14], $0x0, s15, s14, $0x38;
	[tilespmem:$0x10800] =	vst v63  }
0x177: {  	s11 =	sand.u32 $0x1FFFFFF0, s18;
	s18 =	spop (v2sf)  }
0x178: {  	[tilespmem:s31], [sflag:$0x1] =	stream.linear.gather [hbm4b:s9+s1], $0x20, $0x38;
	[tilespmem:$0x10800] =	vst v63  }
0x179: {  	s2 =	sadd.s32 s6, s2;
	s19 =	sadd.s32 $0x9F0, s24;
	s17 =	spop (v2sf)  }
0x17a: {  	(v2sf) =	vpush v3, $0x7;
	[tilespmem:s19], [sflag:$0x1] =	stream.strided.gather [hbm4b:s2+s14], $0x0, s15, s14, $0x38;
	[tilespmem:$0x10800] =	vst v63  }
0x17b: {  	s8 =	sand.u32 $0x1FFFFFF0, s25;
	s25 =	spop (v2sf)  }
0x17c: {  	(v2sf) =	vpush v2, $0x7;
	[tilespmem:s19], [sflag:$0x1] =	stream.linear.gather [hbm4b:s2+s1], $0x10, $0x38;
	[tilespmem:$0x10800] =	vst v63  }
0x17d: {  	s7 =	sadd.s32 s3, s7;
	s26 =	sadd.s32 $0xA00, s24  }
0x17e: {  	(v2sf) =	vpush v63, $0x7;
	[tilespmem:s26], [sflag:$0x1] =	stream.strided.gather [hbm4b:s7+s14], $0x0, s15, s14, $0x38;
	[tilespmem:$0x10800] =	vst v63  }
0x17f: {  	s12 =	sand.u32 $0x1FFFFFF0, s16;
	s0 =	sand.u32 $0x1FFFFFF0, s28;
	s28 =	spop (v2sf)  }
0x180: {  	(v2sf) =	vpush v62, $0x7;
	[tilespmem:s26], [sflag:$0x1] =	stream.linear.gather [hbm4b:s7+s1], $0x40, $0x38;
	[tilespmem:$0x10800] =	vst v63  }
0x181: {  	s10 =	sand.u32 $0x1FFFFFF0, s18;
	s18 =	sadd.s32 s4, s11;
	s29 =	sadd.s32 $0xA40, s24  }
0x182: {  	[tilespmem:s29], [sflag:$0x1] =	stream.strided.gather [hbm4b:s18+s14], $0x0, s15, s14, $0x38;
	[tilespmem:$0x10800] =	vst v63  }
0x183: {  	s16 =	sand.u32 $0x1FFFFFF0, s30;
	s30 =	spop (v2sf);
	s2 =	sand.u32 $0x1FFFFFF0, s25  }
0x184: {  	[tilespmem:s29], [sflag:$0x1] =	stream.linear.gather [hbm4b:s18+s1], $0x10, $0x38;
	[tilespmem:$0x10800] =	vst v63  }
0x185: {  	s31 =	spop (v2sf);
	s19 =	sadd.s32 $0xA50, s24;
	s25 =	sadd.s32 s5, s8  }
0x186: {  	(v2sf) =	vpush v3, $0x8;
	[tilespmem:s19], [sflag:$0x1] =	stream.strided.gather [hbm4b:s25+s14], $0x0, s15, s14, $0x38;
	[tilespmem:$0x10800] =	vst v63  }
0x187: {  	s11 =	sand.u32 $0x1FFFFFF0, s28;
	s28 =	sadd.s32 $0xA70, s24  }
0x188: {  	[tilespmem:s19], [sflag:$0x1] =	stream.linear.gather [hbm4b:s25+s1], $0x20, $0x38;
	[tilespmem:$0x10800] =	vst v63  }
0x189: {  	s8 =	sand.u32 $0x1FFFFFF0, s31;
	s26 =	spop (v2sf);
	s29 =	sadd.s32 s6, s12  }
0x18a: {  	(v2sf) =	vpush v2, $0x8;
	[tilespmem:s28], [sflag:$0x1] =	stream.strided.gather [hbm4b:s29+s14], $0x0, s15, s14, $0x38;
	[tilespmem:$0x10800] =	vst v63  }
0x18b: {  	s31 =	sadd.s32 $0xA80, s24;
	s7 =	sand.u32 $0x1FFFFFF0, s30;
	s30 =	spop (v2sf)  }
0x18c: {  	(v2sf) =	vpush v63, $0x8;
	[tilespmem:s28], [sflag:$0x1] =	stream.linear.gather [hbm4b:s29+s1], $0x10, $0x38;
	[tilespmem:$0x10800] =	vst v63  }
0x18d: {  	s12 =	sand.u32 $0x1FFFFFF0, s26;
	s26 =	sadd.s32 s3, s0;
	s19 =	spop (v2sf)  }
0x18e: {  	(v2sf) =	vpush v62, $0x8;
	[tilespmem:s31], [sflag:$0x1] =	stream.strided.gather [hbm4b:s26+s14], $0x0, s15, s14, $0x38;
	[tilespmem:$0x10800] =	vst v63  }
0x18f: {  	s25 =	spop (v2sf)  }
0x190: {  	(v2sf) =	vpush v3, $0x9;
	[tilespmem:s31], [sflag:$0x1] =	stream.linear.gather [hbm4b:s26+s1], $0x40, $0x38;
	[tilespmem:$0x10800] =	vst v63  }
0x191: {  	s16 =	sadd.s32 s4, s16;
	s28 =	sadd.s32 $0xAC0, s24  }
0x192: {  	[tilespmem:s28], [sflag:$0x1] =	stream.strided.gather [hbm4b:s16+s14], $0x0, s15, s14, $0x38;
	[tilespmem:$0x10800] =	vst v63  }
0x193: {  	s9 =	sand.u32 $0x1FFFFFF0, s17;
	s13 =	sand.u32 $0x1FFFFFF0, s30  }
0x194: {  	[tilespmem:s28], [sflag:$0x1] =	stream.linear.gather [hbm4b:s16+s1], $0x10, $0x38;
	[tilespmem:$0x10800] =	vst v63  }
0x195: {  	s30 =	sadd.s32 $0xAD0, s24;
	s29 =	spop (v2sf);
	s31 =	sadd.s32 s5, s10  }
0x196: {  	(v2sf) =	vpush v2, $0x9;
	[tilespmem:s30], [sflag:$0x1] =	stream.strided.gather [hbm4b:s31+s14], $0x0, s15, s14, $0x38;
	[tilespmem:$0x10800] =	vst v63  }
0x197: {  	s9 =	sadd.s32 s6, s9;
	s0 =	sand.u32 $0x1FFFFFF0, s19  }
0x198: {  	(v2sf) =	vpush v63, $0x9;
	[tilespmem:s30], [sflag:$0x1] =	stream.linear.gather [hbm4b:s31+s1], $0x20, $0x38;
	[tilespmem:$0x10800] =	vst v63  }
0x199: {  	s17 =	sand.u32 $0x1FFFFFF0, s25;
	s25 =	sadd.s32 $0xAF0, s24;
	s19 =	spop (v2sf)  }
0x19a: {  	(v2sf) =	vpush v62, $0x9;
	[tilespmem:s25], [sflag:$0x1] =	stream.strided.gather [hbm4b:s9+s14], $0x0, s15, s14, $0x38;
	[tilespmem:$0x10800] =	vst v63  }
0x19b: {  	s10 =	sand.u32 $0x1FFFFFF0, s29;
	s29 =	spop (v2sf)  }
0x19c: {  	[tilespmem:s25], [sflag:$0x1] =	stream.linear.gather [hbm4b:s9+s1], $0x10, $0x38;
	[tilespmem:$0x10800] =	vst v63  }
0x19d: {  	s2 =	sadd.s32 s3, s2;
	s28 =	spop (v2sf);
	s30 =	sadd.s32 $0xB00, s24  }
0x19e: {  	(v2sf) =	vpush v3, $0xA;
	[tilespmem:s30], [sflag:$0x1] =	stream.strided.gather [hbm4b:s2+s14], $0x0, s15, s14, $0x38;
	[tilespmem:$0x10800] =	vst v63  }
0x19f: {  	s31 =	spop (v2sf)  }
0x1a0: {  	(v2sf) =	vpush v2, $0xA;
	[tilespmem:s30], [sflag:$0x1] =	stream.linear.gather [hbm4b:s2+s1], $0x40, $0x38;
	[tilespmem:$0x10800] =	vst v63  }
0x1a1: {  	s11 =	sadd.s32 s4, s11;
	s26 =	sand.u32 $0x1FFFFFF0, s19;
	s19 =	sadd.s32 $0xB40, s24  }
0x1a2: {  	(v2sf) =	vpush v63, $0xA;
	[tilespmem:s19], [sflag:$0x1] =	stream.strided.gather [hbm4b:s11+s14], $0x0, s15, s14, $0x38;
	[tilespmem:$0x10800] =	vst v63  }
0x1a3: {  	s16 =	sand.u32 $0x1FFFFFF0, s29  }
0x1a4: {  	[tilespmem:s19], [sflag:$0x1] =	stream.linear.gather [hbm4b:s11+s1], $0x10, $0x38;
	[tilespmem:$0x10800] =	vst v63  }
0x1a5: {  	s29 =	sadd.s32 s5, s7;
	s25 =	spop (v2sf);
	s30 =	sadd.s32 $0xB50, s24  }
0x1a6: {  	(v2sf) =	vpush v62, $0xA;
	[tilespmem:s30], [sflag:$0x1] =	stream.strided.gather [hbm4b:s29+s14], $0x0, s15, s14, $0x38;
	[tilespmem:$0x10800] =	vst v63  }
0x1a7: {  	s8 =	sadd.s32 s6, s8;
	s2 =	sand.u32 $0x1FFFFFF0, s31;
	s31 =	spop (v2sf)  }
0x1a8: {  	[tilespmem:s30], [sflag:$0x1] =	stream.linear.gather [hbm4b:s29+s1], $0x20, $0x38;
	[tilespmem:$0x10800] =	vst v63  }
0x1a9: {  	s18 =	sand.u32 $0x1FFFFFF0, s25;
	s25 =	sadd.s32 $0xB70, s24;
	s19 =	spop (v2sf)  }
0x1aa: {  	(v2sf) =	vpush v3, $0xB;
	[tilespmem:s25], [sflag:$0x1] =	stream.strided.gather [hbm4b:s8+s14], $0x0, s15, s14, $0x38;
	[tilespmem:$0x10800] =	vst v63  }
0x1ab: {  	s7 =	sand.u32 $0x1FFFFFF0, s31;
	s31 =	sadd.s32 $0xB80, s24  }
0x1ac: {  	[tilespmem:s25], [sflag:$0x1] =	stream.linear.gather [hbm4b:s8+s1], $0x10, $0x38;
	[tilespmem:$0x10800] =	vst v63  }
0x1ad: {  	s11 =	sand.u32 $0x1FFFFFF0, s19;
	s19 =	sadd.s32 s3, s12;
	s30 =	spop (v2sf)  }
0x1ae: {  	(v2sf) =	vpush v2, $0xB;
	[tilespmem:s31], [sflag:$0x1] =	stream.strided.gather [hbm4b:s19+s14], $0x0, s15, s14, $0x38;
	[tilespmem:$0x10800] =	vst v63  }
0x1af: {  	s12 =	sand.u32 $0x1FFFFFF0, s30;
	s25 =	spop (v2sf)  }
0x1b0: {  	(v2sf) =	vpush v63, $0xB;
	[tilespmem:s31], [sflag:$0x1] =	stream.linear.gather [hbm4b:s19+s1], $0x40, $0x38;
	[tilespmem:$0x10800] =	vst v63  }
0x1b1: {  	s30 =	sadd.s32 s4, s13;
	s31 =	sadd.s32 $0xBC0, s24;
	s19 =	spop (v2sf)  }
0x1b2: {  	(v2sf) =	vpush v62, $0xB;
	[tilespmem:s31], [sflag:$0x1] =	stream.strided.gather [hbm4b:s30+s14], $0x0, s15, s14, $0x38;
	[tilespmem:$0x10800] =	vst v63  }
0x1b3: {  	s13 =	sand.u32 $0x1FFFFFF0, s25;
	s8 =	sand.u32 $0x1FFFFFF0, s19  }
0x1b4: {  	[tilespmem:s31], [sflag:$0x1] =	stream.linear.gather [hbm4b:s30+s1], $0x10, $0x38;
	[tilespmem:$0x10800] =	vst v63  }
0x1b5: {  	s25 =	spop (v2sf);
	s19 =	sadd.s32 s5, s0;
	s31 =	sadd.s32 $0xBD0, s24  }
0x1b6: {  	(v2sf) =	vpush v3, $0xC;
	[tilespmem:s31], [sflag:$0x1] =	stream.strided.gather [hbm4b:s19+s14], $0x0, s15, s14, $0x38;
	[tilespmem:$0x10800] =	vst v63  }
0x1b7: {  	s0 =	sand.u32 $0x1FFFFFF0, s25  }
0x1b8: {  	[tilespmem:s31], [sflag:$0x1] =	stream.linear.gather [hbm4b:s19+s1], $0x20, $0x38;
	[tilespmem:$0x10800] =	vst v63  }
0x1b9: {  	s25 =	spop (v2sf);
	s31 =	sadd.s32 $0xBF0, s24;
	s19 =	sadd.s32 s6, s17  }
0x1ba: {  	(v2sf) =	vpush v2, $0xC;
	[tilespmem:s31], [sflag:$0x1] =	stream.strided.gather [hbm4b:s19+s14], $0x0, s15, s14, $0x38;
	[tilespmem:$0x10800] =	vst v63  }
0x1bb: {  	s29 =	sadd.s32 $0xC00, s24  }
0x1bc: {  	(v2sf) =	vpush v63, $0xC;
	[tilespmem:s31], [sflag:$0x1] =	stream.linear.gather [hbm4b:s19+s1], $0x10, $0x38;
	[tilespmem:$0x10800] =	vst v63  }
0x1bd: {  	s17 =	sand.u32 $0x1FFFFFF0, s25;
	s25 =	spop (v2sf);
	s19 =	sadd.s32 s3, s10  }
0x1be: {  	[tilespmem:s29], [sflag:$0x1] =	stream.strided.gather [hbm4b:s19+s14], $0x0, s15, s14, $0x38;
	[tilespmem:$0x10800] =	vst v63  }
0x1bf: {  	s31 =	spop (v2sf);
	s10 =	sand.u32 $0x1FFFFFF0, s25  }
0x1c0: {  	(v2sf) =	vpush v62, $0xC;
	[tilespmem:s29], [sflag:$0x1] =	stream.linear.gather [hbm4b:s19+s1], $0x40, $0x38;
	[tilespmem:$0x10800] =	vst v63  }
0x1c1: {  	s25 =	spop (v2sf);
	s29 =	sadd.s32 $0xC40, s24;
	s19 =	sadd.s32 s4, s26  }
0x1c2: {  	(v2sf) =	vpush v3, $0xD;
	[tilespmem:s29], [sflag:$0x1] =	stream.strided.gather [hbm4b:s19+s14], $0x0, s15, s14, $0x38;
	[tilespmem:$0x10800] =	vst v63  }
0x1c3: {  	s16 =	sadd.s32 s5, s16  }
0x1c4: {  	[tilespmem:s29], [sflag:$0x1] =	stream.linear.gather [hbm4b:s19+s1], $0x10, $0x38;
	[tilespmem:$0x10800] =	vst v63  }
0x1c5: {  	s26 =	sand.u32 $0x1FFFFFF0, s25;
	s25 =	spop (v2sf);
	s19 =	sadd.s32 $0xC50, s24  }
0x1c6: {  	(v2sf) =	vpush v2, $0xD;
	[tilespmem:s19], [sflag:$0x1] =	stream.strided.gather [hbm4b:s16+s14], $0x0, s15, s14, $0x38;
	[tilespmem:$0x10800] =	vst v63  }
0x1c7: {  	s9 =	sand.u32 $0x1FFFFFF0, s28  }
0x1c8: {  	[tilespmem:s19], [sflag:$0x1] =	stream.linear.gather [hbm4b:s16+s1], $0x20, $0x38;
	[tilespmem:$0x10800] =	vst v63  }
0x1c9: {  	s30 =	spop (v2sf);
	s16 =	sadd.s32 $0xC70, s24;
	s19 =	sadd.s32 s6, s9  }
0x1ca: {  	(v2sf) =	vpush v63, $0xD;
	[tilespmem:s16], [sflag:$0x1] =	stream.strided.gather [hbm4b:s19+s14], $0x0, s15, s14, $0x38;
	[tilespmem:$0x10800] =	vst v63  }
0x1cb: {  	s28 =	sand.u32 $0x1FFFFFF0, s25;
	s25 =	spop (v2sf)  }
0x1cc: {  	[tilespmem:s16], [sflag:$0x1] =	stream.linear.gather [hbm4b:s19+s1], $0x10, $0x38;
	[tilespmem:$0x10800] =	vst v63  }
0x1cd: {  	s2 =	sadd.s32 s3, s2;
	s29 =	sand.u32 $0x1FFFFFF0, s25;
	s25 =	sadd.s32 $0xC80, s24  }
0x1ce: {  	[tilespmem:s25], [sflag:$0x1] =	stream.strided.gather [hbm4b:s2+s14], $0x0, s15, s14, $0x38;
	[tilespmem:$0x10800] =	vst v63  }
0x1cf: {  	s9 =	sand.u32 $0x1FFFFFF0, s30;
	s30 =	spop (v2sf)  }
0x1d0: {  	(v2sf) =	vpush v62, $0xD;
	[tilespmem:s25], [sflag:$0x1] =	stream.linear.gather [hbm4b:s2+s1], $0x40, $0x38;
	[tilespmem:$0x10800] =	vst v63  }
0x1d1: {  	s18 =	sadd.s32 s4, s18;
	s19 =	spop (v2sf);
	s25 =	sadd.s32 $0xCC0, s24  }
0x1d2: {  	(v2sf) =	vpush v3, $0xE;
	[tilespmem:s25], [sflag:$0x1] =	stream.strided.gather [hbm4b:s18+s14], $0x0, s15, s14, $0x38;
	[tilespmem:$0x10800] =	vst v63  }
0x1d3: {  	s2 =	sand.u32 $0x1FFFFFF0, s19  }
0x1d4: {  	[tilespmem:s25], [sflag:$0x1] =	stream.linear.gather [hbm4b:s18+s1], $0x10, $0x38;
	[tilespmem:$0x10800] =	vst v63  }
0x1d5: {  	s19 =	spop (v2sf);
	s18 =	sadd.s32 $0xCD0, s24;
	s25 =	sadd.s32 s5, s7  }
0x1d6: {  	(v2sf) =	vpush v2, $0xE;
	[tilespmem:s18], [sflag:$0x1] =	stream.strided.gather [hbm4b:s25+s14], $0x0, s15, s14, $0x38;
	[tilespmem:$0x10800] =	vst v63  }
0x1d7: {  	s7 =	sand.u32 $0x1FFFFFF0, s19  }
0x1d8: {  	(v2sf) =	vpush v63, $0xE;
	[tilespmem:s18], [sflag:$0x1] =	stream.linear.gather [hbm4b:s25+s1], $0x20, $0x38;
	[tilespmem:$0x10800] =	vst v63  }
0x1d9: {  	s19 =	spop (v2sf);
	s18 =	sadd.s32 $0xCF0, s24;
	s25 =	sadd.s32 s6, s11  }
0x1da: {  	(v2sf) =	vpush v62, $0xE;
	[tilespmem:s18], [sflag:$0x1] =	stream.strided.gather [hbm4b:s25+s14], $0x0, s15, s14, $0x38;
	[tilespmem:$0x10800] =	vst v63  }
0x1db: {  	_ = 	snop  }
0x1dc: {  	[tilespmem:s18], [sflag:$0x1] =	stream.linear.gather [hbm4b:s25+s1], $0x10, $0x38;
	[tilespmem:$0x10800] =	vst v63  }
0x1dd: {  	s18 =	sadd.s32 $0xD00, s24;
	s25 =	sadd.s32 s3, s12  }
0x1de: {  	[tilespmem:s18], [sflag:$0x1] =	stream.strided.gather [hbm4b:s25+s14], $0x0, s15, s14, $0x38;
	[tilespmem:$0x10800] =	vst v63  }
0x1df: {  	s16 =	sadd.s32 $0xD40, s24;
	s11 =	sand.u32 $0x1FFFFFF0, s19;
	s19 =	spop (v2sf)  }
0x1e0: {  	[tilespmem:s18], [sflag:$0x1] =	stream.linear.gather [hbm4b:s25+s1], $0x40, $0x38;
	[tilespmem:$0x10800] =	vst v63  }
0x1e1: {  	s12 =	sand.u32 $0x1FFFFFF0, s19;
	s19 =	spop (v2sf);
	s25 =	sadd.s32 s4, s13  }
0x1e2: {  	(v2sf) =	vpush v3, $0xF;
	[tilespmem:s16], [sflag:$0x1] =	stream.strided.gather [hbm4b:s25+s14], $0x0, s15, s14, $0x38;
	[tilespmem:$0x10800] =	vst v63  }
0x1e3: {  	s18 =	sand.u32 $0x1FFFFFF0, s19  }
0x1e4: {  	[tilespmem:s16], [sflag:$0x1] =	stream.linear.gather [hbm4b:s25+s1], $0x10, $0x38;
	[tilespmem:$0x10800] =	vst v63  }
0x1e5: {  	s13 =	spop (v2sf);
	s19 =	sadd.s32 s5, s8;
	s16 =	sadd.s32 $0xD50, s24  }
0x1e6: {  	(v2sf) =	vpush v2, $0xF;
	[tilespmem:s16], [sflag:$0x1] =	stream.strided.gather [hbm4b:s19+s14], $0x0, s15, s14, $0x38;
	[tilespmem:$0x10800] =	vst v63  }
0x1e7: {  	s0 =	sadd.s32 s6, s0;
	s25 =	spop (v2sf)  }
0x1e8: {  	(v2sf) =	vpush v63, $0xF;
	[tilespmem:s16], [sflag:$0x1] =	stream.linear.gather [hbm4b:s19+s1], $0x20, $0x38;
	[tilespmem:$0x10800] =	vst v63  }
0x1e9: {  	s8 =	sand.u32 $0x1FFFFFF0, s25;
	s25 =	spop (v2sf);
	s19 =	sadd.s32 $0xD70, s24  }
0x1ea: {  	(v2sf) =	vpush v62, $0xF;
	[tilespmem:s19], [sflag:$0x1] =	stream.strided.gather [hbm4b:s0+s14], $0x0, s15, s14, $0x38;
	[tilespmem:$0x10800] =	vst v63  }
0x1eb: {  	_ = 	snop  }
0x1ec: {  	[tilespmem:s19], [sflag:$0x1] =	stream.linear.gather [hbm4b:s0+s1], $0x10, $0x38;
	[tilespmem:$0x10800] =	vst v63  }
0x1ed: {  	s0 =	sadd.s32 $0xD80, s24;
	s19 =	sadd.s32 s3, s17  }
0x1ee: {  	[tilespmem:s0], [sflag:$0x1] =	stream.strided.gather [hbm4b:s19+s14], $0x0, s15, s14, $0x38;
	[tilespmem:$0x10800] =	vst v63  }
0x1ef: {  	s16 =	sand.u32 $0x1FFFFFF0, s25  }
0x1f0: {  	[tilespmem:s0], [sflag:$0x1] =	stream.linear.gather [hbm4b:s19+s1], $0x40, $0x38;
	[tilespmem:$0x10800] =	vst v63  }
0x1f1: {  	s25 =	spop (v2sf);
	s0 =	sadd.s32 $0xDC0, s24;
	s19 =	sadd.s32 s4, s10  }
0x1f2: {  	[tilespmem:s0], [sflag:$0x1] =	stream.strided.gather [hbm4b:s19+s14], $0x0, s15, s14, $0x38;
	[tilespmem:$0x10800] =	vst v63  }
0x1f3: {  	s31 =	sand.u32 $0x1FFFFFF0, s31;
	s17 =	sand.u32 $0x1FFFFFF0, s25  }
0x1f4: {  	[tilespmem:s0], [sflag:$0x1] =	stream.linear.gather [hbm4b:s19+s1], $0x10, $0x38;
	[tilespmem:$0x10800] =	vst v63  }
0x1f5: {  	s25 =	spop (v2sf);
	s0 =	sadd.s32 $0xDD0, s24;
	s19 =	sadd.s32 s5, s31  }
0x1f6: {  	[tilespmem:s0], [sflag:$0x1] =	stream.strided.gather [hbm4b:s19+s14], $0x0, s15, s14, $0x38;
	[tilespmem:$0x10800] =	vst v63  }
0x1f7: {  	s26 =	sadd.s32 s6, s26;
	s10 =	sand.u32 $0x1FFFFFF0, s25;
	s25 =	spop (v2sf)  }
0x1f8: {  	[tilespmem:s0], [sflag:$0x1] =	stream.linear.gather [hbm4b:s19+s1], $0x20, $0x38;
	[tilespmem:$0x10800] =	vst v63  }
0x1f9: {  	s31 =	sand.u32 $0x1FFFFFF0, s25;
	s25 =	spop (v2sf);
	s19 =	sadd.s32 $0xDF0, s24  }
0x1fa: {  	[tilespmem:s19], [sflag:$0x1] =	stream.strided.gather [hbm4b:s26+s14], $0x0, s15, s14, $0x38;
	[tilespmem:$0x10800] =	vst v63  }
0x1fb: {  	s25 =	sand.u32 $0x1FFFFFF0, s25  }
0x1fc: {  	[tilespmem:s19], [sflag:$0x1] =	stream.linear.gather [hbm4b:s26+s1], $0x10, $0x38;
	[tilespmem:$0x10800] =	vst v63  }
0x1fd: {  	s0 =	sadd.s32 s6, s25;
	s25 =	sadd.s32 $0xE00, s24;
	s26 =	sadd.s32 s3, s28  }
0x1fe: {  	[tilespmem:s25], [sflag:$0x1] =	stream.strided.gather [hbm4b:s26+s14], $0x0, s15, s14, $0x38;
	[tilespmem:$0x10800] =	vst v63  }
0x1ff: {  	_ = 	snop  }
0x200: {  	[tilespmem:s25], [sflag:$0x1] =	stream.linear.gather [hbm4b:s26+s1], $0x40, $0x38;
	[tilespmem:$0x10800] =	vst v63  }
0x201: {  	s9 =	sadd.s32 s4, s9;
	s28 =	sadd.s32 $0xE40, s24  }
0x202: {  	[tilespmem:s28], [sflag:$0x1] =	stream.strided.gather [hbm4b:s9+s14], $0x0, s15, s14, $0x38;
	[tilespmem:$0x10800] =	vst v63  }
0x203: {  	_ = 	snop  }
0x204: {  	[tilespmem:s28], [sflag:$0x1] =	stream.linear.gather [hbm4b:s9+s1], $0x10, $0x38;
	[tilespmem:$0x10800] =	vst v63  }
0x205: {  	s19 =	sadd.s32 $0xE50, s24;
	s25 =	sadd.s32 s5, s29  }
0x206: {  	[tilespmem:s19], [sflag:$0x1] =	stream.strided.gather [hbm4b:s25+s14], $0x0, s15, s14, $0x38;
	[tilespmem:$0x10800] =	vst v63  }
0x207: {  	s30 =	sand.u32 $0x1FFFFFF0, s30  }
0x208: {  	[tilespmem:s19], [sflag:$0x1] =	stream.linear.gather [hbm4b:s25+s1], $0x20, $0x38;
	[tilespmem:$0x10800] =	vst v63  }
0x209: {  	s26 =	sadd.s32 $0xE70, s24;
	s28 =	sadd.s32 s6, s30  }
0x20a: {  	[tilespmem:s26], [sflag:$0x1] =	stream.strided.gather [hbm4b:s28+s14], $0x0, s15, s14, $0x38;
	[tilespmem:$0x10800] =	vst v63  }
0x20b: {  	_ = 	snop  }
0x20c: {  	[tilespmem:s26], [sflag:$0x1] =	stream.linear.gather [hbm4b:s28+s1], $0x10, $0x38;
	[tilespmem:$0x10800] =	vst v63  }
0x20d: {  	s2 =	sadd.s32 s3, s2;
	s29 =	sadd.s32 $0xE80, s24  }
0x20e: {  	[tilespmem:s29], [sflag:$0x1] =	stream.strided.gather [hbm4b:s2+s14], $0x0, s15, s14, $0x38;
	[tilespmem:$0x10800] =	vst v63  }
0x20f: {  	_ = 	snop  }
0x210: {  	[tilespmem:s29], [sflag:$0x1] =	stream.linear.gather [hbm4b:s2+s1], $0x40, $0x38;
	[tilespmem:$0x10800] =	vst v63  }
0x211: {  	s7 =	sadd.s32 s4, s7;
	s30 =	sadd.s32 $0xEC0, s24  }
0x212: {  	[tilespmem:s30], [sflag:$0x1] =	stream.strided.gather [hbm4b:s7+s14], $0x0, s15, s14, $0x38;
	[tilespmem:$0x10800] =	vst v63  }
0x213: {  	_ = 	snop  }
0x214: {  	[tilespmem:s30], [sflag:$0x1] =	stream.linear.gather [hbm4b:s7+s1], $0x10, $0x38;
	[tilespmem:$0x10800] =	vst v63  }
0x215: {  	s9 =	sadd.s32 $0xED0, s24;
	s19 =	sadd.s32 s5, s11  }
0x216: {  	[tilespmem:s9], [sflag:$0x1] =	stream.strided.gather [hbm4b:s19+s14], $0x0, s15, s14, $0x38;
	[tilespmem:$0x10800] =	vst v63  }
0x217: {  	_ = 	snop  }
0x218: {  	[tilespmem:s9], [sflag:$0x1] =	stream.linear.gather [hbm4b:s19+s1], $0x20, $0x38;
	[tilespmem:$0x10800] =	vst v63  }
0x219: {  	s25 =	sadd.s32 $0xEF0, s24;
	s26 =	sadd.s32 s6, s12  }
0x21a: {  	[tilespmem:s25], [sflag:$0x1] =	stream.strided.gather [hbm4b:s26+s14], $0x0, s15, s14, $0x38;
	[tilespmem:$0x10800] =	vst v63  }
0x21b: {  	_ = 	snop  }
0x21c: {  	[tilespmem:s25], [sflag:$0x1] =	stream.linear.gather [hbm4b:s26+s1], $0x10, $0x38;
	[tilespmem:$0x10800] =	vst v63  }
0x21d: {  	s28 =	sadd.s32 $0xF00, s24;
	s29 =	sadd.s32 s3, s18  }
0x21e: {  	[tilespmem:s28], [sflag:$0x1] =	stream.strided.gather [hbm4b:s29+s14], $0x0, s15, s14, $0x38;
	[tilespmem:$0x10800] =	vst v63  }
0x21f: {  	s30 =	sand.u32 $0x1FFFFFF0, s13  }
0x220: {  	[tilespmem:s28], [sflag:$0x1] =	stream.linear.gather [hbm4b:s29+s1], $0x40, $0x38;
	[tilespmem:$0x10800] =	vst v63  }
0x221: {  	s7 =	sadd.s32 $0xF40, s24;
	s11 =	sadd.s32 s4, s30  }
0x222: {  	[tilespmem:s7], [sflag:$0x1] =	stream.strided.gather [hbm4b:s11+s14], $0x0, s15, s14, $0x38;
	[tilespmem:$0x10800] =	vst v63  }
0x223: {  	_ = 	snop  }
0x224: {  	[tilespmem:s7], [sflag:$0x1] =	stream.linear.gather [hbm4b:s11+s1], $0x10, $0x38;
	[tilespmem:$0x10800] =	vst v63  }
0x225: {  	s12 =	sadd.s32 $0xF50, s24;
	s13 =	sadd.s32 s5, s8  }
0x226: {  	[tilespmem:s12], [sflag:$0x1] =	stream.strided.gather [hbm4b:s13+s14], $0x0, s15, s14, $0x38;
	[tilespmem:$0x10800] =	vst v63  }
0x227: {  	_ = 	snop  }
0x228: {  	[tilespmem:s12], [sflag:$0x1] =	stream.linear.gather [hbm4b:s13+s1], $0x20, $0x38;
	[tilespmem:$0x10800] =	vst v63  }
0x229: {  	s18 =	sadd.s32 $0xF70, s24;
	s19 =	sadd.s32 s6, s16  }
0x22a: {  	[tilespmem:s18], [sflag:$0x1] =	stream.strided.gather [hbm4b:s19+s14], $0x0, s15, s14, $0x38;
	[tilespmem:$0x10800] =	vst v63  }
0x22b: {  	_ = 	snop  }
0x22c: {  	[tilespmem:s18], [sflag:$0x1] =	stream.linear.gather [hbm4b:s19+s1], $0x10, $0x38;
	[tilespmem:$0x10800] =	vst v63  }
0x22d: {  	s25 =	sadd.s32 $0xF80, s24;
	s26 =	sadd.s32 s3, s17  }
0x22e: {  	[tilespmem:s25], [sflag:$0x1] =	stream.strided.gather [hbm4b:s26+s14], $0x0, s15, s14, $0x38;
	[tilespmem:$0x10800] =	vst v63  }
0x22f: {  	_ = 	snop  }
0x230: {  	[tilespmem:s25], [sflag:$0x1] =	stream.linear.gather [hbm4b:s26+s1], $0x40, $0x38;
	[tilespmem:$0x10800] =	vst v63  }
0x231: {  	s28 =	sadd.s32 $0xFC0, s24;
	s29 =	sadd.s32 s4, s10  }
0x232: {  	[tilespmem:s28], [sflag:$0x1] =	stream.strided.gather [hbm4b:s29+s14], $0x0, s15, s14, $0x38;
	[tilespmem:$0x10800] =	vst v63  }
0x233: {  	p0 =	sne.s32 s20, $0x3E000  }
0x234: {  	[tilespmem:s28], [sflag:$0x1] =	stream.linear.gather [hbm4b:s29+s1], $0x10, $0x38;
	[tilespmem:$0x10800] =	vst v63  }
.Ltmp0:
0x235: {  	_ = 	snop;
	(pc) =	sbr.rel @p0 .LBB2_2-.Ltmp0, $4  }
0x236: {  	s31 =	sadd.s32 s5, s31;
	s30 =	sadd.s32 $0xFD0, s24;
	s10 =	rddreg [dreg:$0x6]  }
0x237: {  	[tilespmem:s30], [sflag:$0x1] =	stream.strided.gather [hbm4b:s31+s14], $0x0, s15, s14, $0x38;
	[tilespmem:$0x10800] =	vst v63  }
0x238: {  	s20 =	sadd.s32 $0x2000, s20;
	s21 =	sadd.s32 $0x10, s21;
	s7 =	rddreg [dreg:$0x7]  }
0x239: {  	[tilespmem:s30], [sflag:$0x1] =	stream.linear.gather [hbm4b:s31+s1], $0x20, $0x38;
	[tilespmem:$0x10800] =	vst v63  }
0x23a: {  	[tilespmem:s7], [sflag:$0x1] =	stream.strided.gather [hbm4b:s0+s14], $0x0, s15, s14, $0x38;
	[tilespmem:$0x10800] =	vst v63  }
0x23b: {  	s28 =	simm.s32 $0x1  }
0x23c: {  	[tilespmem:s7], [sflag:$0x1] =	stream.linear.gather [hbm4b:s0+s1], $0x10, $0x38;
	[tilespmem:$0x10800] =	vst v63  }
0x23d: {  	_ =	swait.ge [sflag:s28], $0x10000  }
0x23e: {  	s2 =	simm.s32 $0x800;
	[sflag:s28] =	ssyncset.done $0x0  }
0x23f: {  	s7 =	simm.s32 $0x2;
	s29 =	rddreg [dreg:$0xc];
	[sflag:s28] =	ssyncadd.s32 $0xFFFF0000  }
0x240: {  	[hbm4b:s29+s1] =	stream.linear.scatter [tilespmem:s2], [sflag:$0x2], $0x10000, $0x38;
	[tilespmem:$0x10800] =	vst v63  }
0x241: {  	_ =	swait.ge [sflag:s7], $0x10000  }
0x242: {  	s30 =	rddreg [dreg:$0xe]  }
0x243: {  	s31 =	rddreg [dreg:$0xd];
	s2 =	sadd.s32 $0x1, s30  }
0x244: {  	p0 =	sne.s32 s2, s31  }
.Ltmp1:
0x245: {  	_ = 	snop;
	(pc) =	sbr.rel @p0 .LBB2_1-.Ltmp1, $3  }
0x246: {  	_ =	sdelay $0x1  }
0x247: {  	[sflag:s7] =	ssyncset.done $0x0  }
0x248: {  	[sflag:s7] =	ssyncadd.s32 $0xFFFF0000  }
0x249: {  	_ =	sfence.sel $0x180000  }
0x24a: {  	[bflag:$0x0] =	sbarrier.arrive $0xFFFF  }
0x24b: {  	_ =	strace $0x90000047  }
0x24c: {  	s0 =	stileid.u32;
	[bflag:$0x2] =	sbarrier.arrive $0xFFFF  }
0x24d: {  	p0 =	sne.s32 s0, $0x0;
	s0 =	rddreg [dreg:$0x5]  }
0x24e: {  	s0 =	sadd.s32 @!p0 $0x100000, s0  }
0x24f: {  	[sflag:s0] =	ssyncadd.tile.s32 @!p0 $0x1;
	_ =	shalt  }
.Lfunc_end2:
_tile_overlayer_lowered:
.L_overlay_start_2:
0x250: {  	(tag) =	ssettag $0x2  }
0x251: {  	s0 =	rddreg [dreg:$0x0];
	s2 =	stileid.u32  }
0x252: {  	s1 =	rddreg [dreg:$0x1];
	p0 =	sne.s32 s2, $0x0  }
0x253: {  	s3 =	rddreg [dreg:$0x2];
	[bflag:$0x3] =	sbarrier.arrive $0xFFFF;
	s2 =	simm.s32 @!p0 $0x1C02  }
0x254: {  	[timem:s3], [sflag:s2] =	dma.local @!p0 [hbm:s0], s1  }
0x255: {  	s0 =	simm.s32 @!p0 $0x2  }
0x256: {  	_ =	swait.ge @!p0 [sflag:s0], s1  }
0x257: {  	s1 =	ssub.s32 @!p0 $0x0, s1;
	[sflag:s0] =	ssyncset.done @!p0 $0x0  }
0x258: {  	[sflag:s0] =	ssyncadd.s32 @!p0 s1  }
0x259: {  	[bflag:$0x3] =	sbarrier.arrive $0xFFFF  }
0x25a: {  	_ =	shalt  }

</sc_bundles>
